<compile_context>
chip_gen: v7x
topology: tpu7x:2x2x1
jax: 0.10.2.dev20260603
libtpu: 0.0.44.dev20260713+nightly
codegen_flags: <defaults>
</compile_context>

<pallas_src>
import functools

import jax
import jax.numpy as jnp
from jax import lax
from jax.experimental import pallas as pl
from jax.experimental.pallas import tpu as pltpu
from jax.experimental.pallas import tpu_sc as plsc

_N_FIELDS = 26
_VOCAB = 100000
_EMB = 50
_BATCH = 16384
_N_CONT = 13
_N_EMB = _N_FIELDS * _EMB
_EPS = 1e-5

_H1 = 16
_PACK = 128 // _H1
_NPROW = _N_FIELDS * _VOCAB // _PACK

_VB = 8192
_G1F = -(-_VOCAB // _VB)
_FROWS = _G1F * _VB // _PACK
_NPROWP = _N_FIELDS * _FROWS

_NW = 32
_SPW = _BATCH // _NW
_SPC = 4
_CPW = _SPW // _SPC
_RPC = _SPC * _N_FIELDS
_NPAIR = _CPW // 2

_BB = 2048


def _tc_project(t_t, w1ft, e8):
  def body(x_ref, w_ref, e_ref, o_ref):
    q = _VB // _PACK
    yt = lax.dot_general(w_ref[0], x_ref[0], (((1,), (0,)), ((), ())),
                         preferred_element_type=jnp.float32)
    acc = lax.dot_general(lax.slice(yt, (0, 0), (_H1, q)), e_ref[0],
                          (((0,), (0,)), ((), ())),
                          preferred_element_type=jnp.float32)
    for t in range(1, _PACK):
      acc = acc + lax.dot_general(
          lax.slice(yt, (0, t * q), (_H1, (t + 1) * q)), e_ref[t],
          (((0,), (0,)), ((), ())), preferred_element_type=jnp.float32)
    o_ref[0] = acc

  return pl.pallas_call(
      body,
      grid=(_N_FIELDS, _G1F),
      compiler_params=pltpu.CompilerParams(fuse_transposed_lhs_in_matmul=True),
      in_specs=[
          pl.BlockSpec((1, _EMB, _VB), lambda f, i: (f, 0, i)),
          pl.BlockSpec((1, _H1, _EMB), lambda f, i: (f, 0, 0)),
          pl.BlockSpec((_PACK, _H1, 128), lambda f, i: (0, 0, 0)),
      ],
      out_specs=pl.BlockSpec((1, _VB // _PACK, 128), lambda f, i: (f, i, 0)),
      out_shape=jax.ShapeDtypeStruct((_N_FIELDS, _FROWS, 128), jnp.float32),
  )(t_t, w1ft, e8)


def _sc_bag(p, prow, poff):
  mesh = plsc.VectorSubcoreMesh(core_axis_name="c", subcore_axis_name="s")

  @functools.partial(
      pl.kernel,
      mesh=mesh,
      compiler_params=pltpu.CompilerParams(use_tc_tiling_on_sc=False),
      out_type=jax.ShapeDtypeStruct((_BATCH * _H1 // 128, 128), jnp.float32),
      scratch_types=[
          pltpu.VMEM((_CPW, 128), jnp.int32),
          pltpu.VMEM((_CPW, 128), jnp.int32),
          pltpu.VMEM((_RPC, 128), jnp.float32),
          pltpu.VMEM((_RPC, 128), jnp.float32),
          pltpu.VMEM((_SPW * _H1 // 128, 128), jnp.float32),
          pltpu.SemaphoreType.DMA,
          pltpu.SemaphoreType.DMA,
      ],
  )
  def k(p_hbm, prow_hbm, poff_hbm, out_hbm, prow_v, poff_v, buf0, buf1,
        acc_v, sem0, sem1):
    wid = lax.axis_index("s") * 2 + lax.axis_index("c")
    pltpu.sync_copy(prow_hbm.at[wid], prow_v)
    pltpu.sync_copy(poff_hbm.at[wid], poff_v)

    def start(c, buf, sem):
      pltpu.async_copy(p_hbm.at[prow_v.at[c, pl.ds(0, _RPC)]], buf, sem)

    def wait(c, buf, sem):
      pltpu.make_async_copy(p_hbm.at[prow_v.at[c, pl.ds(0, _RPC)]], buf,
                            sem).wait()

    def process(c, buf):
      for j in range(_SPC):
        acc = jnp.zeros((_H1,), jnp.float32)
        offvecs = {}
        for f in range(_N_FIELDS):
          e = j * _N_FIELDS + f
          g = e // 16
          if g not in offvecs:
            offvecs[g] = poff_v[c, pl.ds(16 * g, 16)]
          off = offvecs[g][e % 16]
          acc = acc + buf[e, pl.ds(off, _H1)]
        s_loc = c * _SPC + j
        acc_v[s_loc >> 3, pl.ds((s_loc & 7) * _H1, _H1)] = acc

    start(0, buf0, sem0)

    def body(g, carry):
      c0 = 2 * g
      start(c0 + 1, buf1, sem1)
      wait(c0, buf0, sem0)
      process(c0, buf0)

      @pl.when(g < _NPAIR - 1)
      def _():
        start(c0 + 2, buf0, sem0)

      wait(c0 + 1, buf1, sem1)
      process(c0 + 1, buf1)
      return carry

    lax.fori_loop(0, _NPAIR, body, 0)
    pltpu.sync_copy(acc_v, out_hbm.at[pl.ds(wid * (_SPW * _H1 // 128),
                                            _SPW * _H1 // 128)])

  return k(p, prow, poff)


def _tc_mlp(e1, xc, w1c_t, b1r, w2_t, b2r, w3_t, b3r):
  def body(e1_ref, xc_ref, w1c_ref, b1_ref, w2_ref, b2_ref, w3_ref, b3_ref,
           o_ref):
    z1 = e1_ref[...] + jnp.dot(xc_ref[...], w1c_ref[...],
                               preferred_element_type=jnp.float32)
    h1 = jnp.maximum(z1 + b1_ref[...], 0.0)
    z2 = jnp.dot(h1, w2_ref[...], preferred_element_type=jnp.float32)
    h2 = jnp.maximum(z2 + b2_ref[...], 0.0)
    o_ref[...] = (jnp.dot(h2, w3_ref[...], preferred_element_type=jnp.float32)
                  + b3_ref[...])

  return pl.pallas_call(
      body,
      grid=(_BATCH // _BB,),
      in_specs=[
          pl.BlockSpec((_BB, _H1), lambda i: (i, 0)),
          pl.BlockSpec((_BB, _N_CONT), lambda i: (i, 0)),
          pl.BlockSpec((_N_CONT, _H1), lambda i: (0, 0)),
          pl.BlockSpec((1, _H1), lambda i: (0, 0)),
          pl.BlockSpec((_H1, 32), lambda i: (0, 0)),
          pl.BlockSpec((1, 32), lambda i: (0, 0)),
          pl.BlockSpec((32, 1), lambda i: (0, 0)),
          pl.BlockSpec((1, 1), lambda i: (0, 0)),
      ],
      out_specs=pl.BlockSpec((_BB, 1), lambda i: (i, 0)),
      out_shape=jax.ShapeDtypeStruct((_BATCH, 1), jnp.float32),
  )(e1, xc, w1c_t, b1r, w2_t, b2r, w3_t, b3r)


def kernel(x_cat, x_cont, emb_tables, W1, b1, W2, b2, W3, b3,
           bn1_g, bn1_b, bn2_g, bn2_b, bn3_g, bn3_b):
  s = (1.0 / jnp.sqrt(1.0 + _EPS)).astype(jnp.float32)

  w1ft = W1[:, :_N_EMB].reshape(_H1, _N_FIELDS, _EMB).transpose(1, 0, 2)
  e8 = (jnp.arange(128)[None, None, :] ==
        (_H1 * jnp.arange(_PACK)[:, None, None] +
         jnp.arange(_H1)[None, :, None])).astype(jnp.float32)

  t_t = emb_tables.transpose(0, 2, 1)
  p = _tc_project(t_t, w1ft, e8).reshape(_NPROWP, 128)

  offs = (jnp.arange(_N_FIELDS, dtype=jnp.int32) * _FROWS)[None, :]
  q = _VB // _PACK
  prow_full = (x_cat // _VB) * q + (x_cat % q) + offs
  poff_full = ((x_cat % _VB) // q) * _H1
  pad = ((0, 0), (0, 0), (0, 128 - _RPC))
  prow = jnp.pad(prow_full.reshape(_NW, _CPW, _RPC), pad)
  poff = jnp.pad(poff_full.reshape(_NW, _CPW, _RPC), pad)

  e1 = _sc_bag(p, prow, poff).reshape(_BATCH, _H1)

  W1c_orig = W1[:, _N_EMB:]
  W1c = W1c_orig * (s * bn1_g)[None, :]
  b1_eff = b1 + W1c_orig @ bn1_b
  W2e = W2 * (s * bn2_g)[None, :]
  b2_eff = b2 + W2 @ bn2_b
  W3e = W3 * (s * bn3_g)[None, :]
  b3_eff = b3 + W3 @ bn3_b

  return _tc_mlp(e1, x_cont, W1c.T, b1_eff.reshape(1, _H1),
                 W2e.T, b2_eff.reshape(1, 32), W3e.T, b3_eff.reshape(1, 1))

# --- scband reference (transcript-rebuilt; emitter-appended) ---
"""Pipeline reference for scband-simple-model-30425548324974 (READ-ONLY COPY).

The authoritative reference and input builder live on the scoring server;
editing this copy changes nothing except your own understanding.
"""

import jax, jax.numpy as jnp
import numpy as np

N_FIELDS = 26
VOCAB = 100000
EMB_DIM = 50  # min(50, (100000+1)//2)
N_CONT = 13
BATCH = 16384
N_EMB = N_FIELDS * EMB_DIM  # 1300
EPS = 1e-5


def setup_inputs(seed: int = 0) -> dict:
    key = jax.random.key(seed)
    ks = jax.random.split(key, 12)
    x_cat = jax.random.randint(ks[0], (BATCH, N_FIELDS), 0, VOCAB, dtype=jnp.int64 if jax.config.jax_enable_x64 else jnp.int32).astype(jnp.int32)
    x_cont = jax.random.normal(ks[1], (BATCH, N_CONT), dtype=jnp.float32)
    emb_tables = jax.random.normal(ks[2], (N_FIELDS, VOCAB, EMB_DIM), dtype=jnp.float32) * 0.05
    W1 = jax.random.normal(ks[3], (16, N_EMB + N_CONT), dtype=jnp.float32) * (1.0 / np.sqrt(N_EMB + N_CONT))
    b1 = jnp.zeros((16,), dtype=jnp.float32)
    W2 = jax.random.normal(ks[4], (32, 16), dtype=jnp.float32) * 0.25
    b2 = jnp.zeros((32,), dtype=jnp.float32)
    W3 = jax.random.normal(ks[5], (1, 32), dtype=jnp.float32) * (1.0 / np.sqrt(32))
    b3 = jnp.zeros((1,), dtype=jnp.float32)
    bn1_g = jnp.ones((N_CONT,), dtype=jnp.float32); bn1_b = jnp.zeros((N_CONT,), dtype=jnp.float32)
    bn2_g = jnp.ones((16,), dtype=jnp.float32); bn2_b = jnp.zeros((16,), dtype=jnp.float32)
    bn3_g = jnp.ones((32,), dtype=jnp.float32); bn3_b = jnp.zeros((32,), dtype=jnp.float32)
    return {"x_cat": x_cat, "x_cont": x_cont, "emb_tables": emb_tables,
            "W1": W1, "b1": b1, "W2": W2, "b2": b2, "W3": W3, "b3": b3,
            "bn1_g": bn1_g, "bn1_b": bn1_b, "bn2_g": bn2_g, "bn2_b": bn2_b,
            "bn3_g": bn3_g, "bn3_b": bn3_b}


def _bn_eval(x, g, b):
    # running_mean=0, running_var=1 (fresh module, eval mode)
    return x / jnp.sqrt(1.0 + EPS) * g + b


def reference(x_cat, x_cont, emb_tables, W1, b1, W2, b2, W3, b3,
              bn1_g, bn1_b, bn2_g, bn2_b, bn3_g, bn3_b):
    # per-field embedding lookups (gather), then concat along feature dim
    embs = [jnp.take(emb_tables[i], x_cat[:, i], axis=0) for i in range(N_FIELDS)]
    x = jnp.concatenate(embs, axis=1)            # emb_drop is identity in eval
    x2 = _bn_eval(x_cont, bn1_g, bn1_b)
    x = jnp.concatenate([x, x2], axis=1)
    x = jax.nn.relu(x @ W1.T + b1)               # drops identity in eval
    x = _bn_eval(x, bn2_g, bn2_b)
    x = jax.nn.relu(x @ W2.T + b2)
    x = _bn_eval(x, bn3_g, bn3_b)
    x = x @ W3.T + b3
    return x

if __name__ == "__main__":
    import jax
    _d = setup_inputs()
    print(jax.jit(kernel)(*tuple(_d.values())))

</pallas_src>

<mosaic_0001>
#map = affine_map<(d0, d1) -> (0, 0)>
#map1 = affine_map<(d0, d1) -> (0, 0, 0)>
module attributes {stable_mosaic.version = 14 : i64} {
  func.func @k(%arg0: i32, %arg1: i32, %arg2: memref<346112x128xf32, #tpu.memory_space<hbm>>, %arg3: memref<32x128x128xi32, #tpu.memory_space<hbm>>, %arg4: memref<32x128x128xi32, #tpu.memory_space<hbm>>, %arg5: memref<2048x128xf32, #tpu.memory_space<hbm>>, %arg6: memref<128x128xi32, #tpu.memory_space<vmem>>, %arg7: memref<128x128xi32, #tpu.memory_space<vmem>>, %arg8: memref<104x128xf32, #tpu.memory_space<vmem>>, %arg9: memref<104x128xf32, #tpu.memory_space<vmem>>, %arg10: memref<64x128xf32, #tpu.memory_space<vmem>>, %arg11: memref<!tpu.dma_semaphore, #tpu.memory_space<semaphore_mem>>, %arg12: memref<!tpu.dma_semaphore, #tpu.memory_space<semaphore_mem>>) attributes {dimension_semantics = [#tpu.dimension_semantics<core_parallel>, #tpu.dimension_semantics<subcore_parallel>], iteration_bounds = array<i64: 2, 16>, scalar_prefetch = 0 : i64, scratch_operands = 7 : i64, tpu.core_type = #tpu.core_type<sc_vector_subcore>, window_params = [{transform_indices = #map}, {transform_indices = #map1}, {transform_indices = #map1}, {transform_indices = #map}]} {
    %mul3A = arith.constant 2 : i32
    %mul3A_0 = arith.muli %arg1, %mul3A : i32
    %add3A = arith.addi %mul3A_0, %arg0 : i32
    "tpu.region"() ({
      %run_scoped3A = tpu.sem_alloc : memref<!tpu.dma_semaphore, #tpu.memory_space<semaphore_mem>>
      %dma_start3A_14 = arith.constant 0 : i32
      %dma_start3A_15 = arith.constant 0 : i32
      %dma_start3A_16 = tpu.memref_slice %arg3[%add3A, %dma_start3A_14, %dma_start3A_15] : memref<32x128x128xi32, #tpu.memory_space<hbm>> -> memref<1x128x128xi32, #tpu.memory_space<hbm>>
      %dma_start3A_17 = tpu.memref_squeeze %dma_start3A_16 : memref<1x128x128xi32, #tpu.memory_space<hbm>> -> memref<128x128xi32, #tpu.memory_space<hbm>>
      %dma_start3A_18 = arith.constant 0 : i32
      %dma_start3A_19 = arith.constant 0 : i32
      %dma_start3A_20 = tpu.memref_slice %arg3[%add3A, %dma_start3A_18, %dma_start3A_19] : memref<32x128x128xi32, #tpu.memory_space<hbm>> -> memref<1x128x128xi32, #tpu.memory_space<hbm>>
      %dma_start3A_21 = tpu.memref_squeeze %dma_start3A_20 : memref<1x128x128xi32, #tpu.memory_space<hbm>> -> memref<128x128xi32, #tpu.memory_space<hbm>>
      tpu.enqueue_dma source(%dma_start3A_21 : memref<128x128xi32, #tpu.memory_space<hbm>>) target(%arg6 : memref<128x128xi32, #tpu.memory_space<vmem>>) target_semaphore(%run_scoped3A : memref<!tpu.dma_semaphore, #tpu.memory_space<semaphore_mem>>)
      %dma_wait3A = arith.constant 0 : i32
      %dma_wait3A_22 = arith.constant 0 : i32
      %dma_wait3A_23 = tpu.memref_slice %arg3[%add3A, %dma_wait3A, %dma_wait3A_22] : memref<32x128x128xi32, #tpu.memory_space<hbm>> -> memref<1x128x128xi32, #tpu.memory_space<hbm>>
      %dma_wait3A_24 = tpu.memref_squeeze %dma_wait3A_23 : memref<1x128x128xi32, #tpu.memory_space<hbm>> -> memref<128x128xi32, #tpu.memory_space<hbm>>
      %dma_wait3A_25 = arith.constant 0 : i32
      %dma_wait3A_26 = arith.constant 0 : i32
      %dma_wait3A_27 = tpu.memref_slice %arg3[%add3A, %dma_wait3A_25, %dma_wait3A_26] : memref<32x128x128xi32, #tpu.memory_space<hbm>> -> memref<1x128x128xi32, #tpu.memory_space<hbm>>
      %dma_wait3A_28 = tpu.memref_squeeze %dma_wait3A_27 : memref<1x128x128xi32, #tpu.memory_space<hbm>> -> memref<128x128xi32, #tpu.memory_space<hbm>>
      tpu.wait_dma2 semaphore(%run_scoped3A : memref<!tpu.dma_semaphore, #tpu.memory_space<semaphore_mem>>) src(%dma_wait3A_28 : memref<128x128xi32, #tpu.memory_space<hbm>>) dst(%arg6 : memref<128x128xi32, #tpu.memory_space<vmem>>)
      tpu.yield
    }) : () -> ()
    "tpu.region"() ({
      %run_scoped3A = tpu.sem_alloc : memref<!tpu.dma_semaphore, #tpu.memory_space<semaphore_mem>>
      %dma_start3A_14 = arith.constant 0 : i32
      %dma_start3A_15 = arith.constant 0 : i32
      %dma_start3A_16 = tpu.memref_slice %arg4[%add3A, %dma_start3A_14, %dma_start3A_15] : memref<32x128x128xi32, #tpu.memory_space<hbm>> -> memref<1x128x128xi32, #tpu.memory_space<hbm>>
      %dma_start3A_17 = tpu.memref_squeeze %dma_start3A_16 : memref<1x128x128xi32, #tpu.memory_space<hbm>> -> memref<128x128xi32, #tpu.memory_space<hbm>>
      %dma_start3A_18 = arith.constant 0 : i32
      %dma_start3A_19 = arith.constant 0 : i32
      %dma_start3A_20 = tpu.memref_slice %arg4[%add3A, %dma_start3A_18, %dma_start3A_19] : memref<32x128x128xi32, #tpu.memory_space<hbm>> -> memref<1x128x128xi32, #tpu.memory_space<hbm>>
      %dma_start3A_21 = tpu.memref_squeeze %dma_start3A_20 : memref<1x128x128xi32, #tpu.memory_space<hbm>> -> memref<128x128xi32, #tpu.memory_space<hbm>>
      tpu.enqueue_dma source(%dma_start3A_21 : memref<128x128xi32, #tpu.memory_space<hbm>>) target(%arg7 : memref<128x128xi32, #tpu.memory_space<vmem>>) target_semaphore(%run_scoped3A : memref<!tpu.dma_semaphore, #tpu.memory_space<semaphore_mem>>)
      %dma_wait3A = arith.constant 0 : i32
      %dma_wait3A_22 = arith.constant 0 : i32
      %dma_wait3A_23 = tpu.memref_slice %arg4[%add3A, %dma_wait3A, %dma_wait3A_22] : memref<32x128x128xi32, #tpu.memory_space<hbm>> -> memref<1x128x128xi32, #tpu.memory_space<hbm>>
      %dma_wait3A_24 = tpu.memref_squeeze %dma_wait3A_23 : memref<1x128x128xi32, #tpu.memory_space<hbm>> -> memref<128x128xi32, #tpu.memory_space<hbm>>
      %dma_wait3A_25 = arith.constant 0 : i32
      %dma_wait3A_26 = arith.constant 0 : i32
      %dma_wait3A_27 = tpu.memref_slice %arg4[%add3A, %dma_wait3A_25, %dma_wait3A_26] : memref<32x128x128xi32, #tpu.memory_space<hbm>> -> memref<1x128x128xi32, #tpu.memory_space<hbm>>
      %dma_wait3A_28 = tpu.memref_squeeze %dma_wait3A_27 : memref<1x128x128xi32, #tpu.memory_space<hbm>> -> memref<128x128xi32, #tpu.memory_space<hbm>>
      tpu.wait_dma2 semaphore(%run_scoped3A : memref<!tpu.dma_semaphore, #tpu.memory_space<semaphore_mem>>) src(%dma_wait3A_28 : memref<128x128xi32, #tpu.memory_space<hbm>>) dst(%arg7 : memref<128x128xi32, #tpu.memory_space<vmem>>)
      tpu.yield
    }) : () -> ()
    %dma_start3A = arith.constant 0 : i32
    %dma_start3A_1 = arith.constant 0 : i32
    %dma_start3A_2 = tpu.memref_slice %arg6[%dma_start3A, %dma_start3A_1] : memref<128x128xi32, #tpu.memory_space<vmem>> -> memref<1x104xi32, #tpu.memory_space<vmem>>
    %dma_start3A_3 = tpu.memref_squeeze %dma_start3A_2 : memref<1x104xi32, #tpu.memory_space<vmem>> -> memref<104xi32, #tpu.memory_space<vmem>>
    %dma_start3A_4 = arith.constant 0 : i32
    %dma_start3A_5 = arith.constant 0 : i32
    %dma_start3A_6 = tpu.memref_slice %arg2[%dma_start3A_4, %dma_start3A_5] : memref<346112x128xf32, #tpu.memory_space<hbm>> -> memref<346112x128xf32, #tpu.memory_space<hbm>>
    tpu.enqueue_indirect_dma source(%dma_start3A_6 : memref<346112x128xf32, #tpu.memory_space<hbm>>) target(%arg8 : memref<104x128xf32, #tpu.memory_space<vmem>>) offsets(%dma_start3A_3 : memref<104xi32, #tpu.memory_space<vmem>>) semaphore(%arg11 : memref<!tpu.dma_semaphore, #tpu.memory_space<semaphore_mem>>)
    %scan3A = arith.constant 0 : i32
    %scan3A_7 = arith.constant 0 : i32
    %scan3A_8 = arith.constant 64 : i32
    %scan3A_9 = arith.addi %scan3A_7, %scan3A_8 : i32
    %scan3A_10 = arith.constant 1 : i32
    scf.for %scan3A_14 = %scan3A_7 to %scan3A_9 step %scan3A_10  : i32 {
      %mul3A_15 = arith.constant 2 : i32
      %mul3A_16 = arith.muli %mul3A_15, %scan3A_14 : i32
      %add3A_17 = arith.constant 1 : i32
      %add3A_18 = arith.addi %mul3A_16, %add3A_17 : i32
      %dma_start3A_19 = arith.constant 0 : i32
      %dma_start3A_20 = tpu.memref_slice %arg6[%add3A_18, %dma_start3A_19] : memref<128x128xi32, #tpu.memory_space<vmem>> -> memref<1x104xi32, #tpu.memory_space<vmem>>
      %dma_start3A_21 = tpu.memref_squeeze %dma_start3A_20 : memref<1x104xi32, #tpu.memory_space<vmem>> -> memref<104xi32, #tpu.memory_space<vmem>>
      %dma_start3A_22 = arith.constant 0 : i32
      %dma_start3A_23 = arith.constant 0 : i32
      %dma_start3A_24 = tpu.memref_slice %arg2[%dma_start3A_22, %dma_start3A_23] : memref<346112x128xf32, #tpu.memory_space<hbm>> -> memref<346112x128xf32, #tpu.memory_space<hbm>>
      tpu.enqueue_indirect_dma source(%dma_start3A_24 : memref<346112x128xf32, #tpu.memory_space<hbm>>) target(%arg9 : memref<104x128xf32, #tpu.memory_space<vmem>>) offsets(%dma_start3A_21 : memref<104xi32, #tpu.memory_space<vmem>>) semaphore(%arg12 : memref<!tpu.dma_semaphore, #tpu.memory_space<semaphore_mem>>)
      %dma_wait3A = arith.constant 0 : i32
      %dma_wait3A_25 = tpu.memref_slice %arg6[%mul3A_16, %dma_wait3A] : memref<128x128xi32, #tpu.memory_space<vmem>> -> memref<1x104xi32, #tpu.memory_space<vmem>>
      %dma_wait3A_26 = tpu.memref_squeeze %dma_wait3A_25 : memref<1x104xi32, #tpu.memory_space<vmem>> -> memref<104xi32, #tpu.memory_space<vmem>>
      %dma_wait3A_27 = arith.constant 0 : i32
      %dma_wait3A_28 = arith.constant 0 : i32
      %dma_wait3A_29 = tpu.memref_slice %arg2[%dma_wait3A_27, %dma_wait3A_28] : memref<346112x128xf32, #tpu.memory_space<hbm>> -> memref<346112x128xf32, #tpu.memory_space<hbm>>
      tpu.wait_indirect_dma semaphore(%arg11 : memref<!tpu.dma_semaphore, #tpu.memory_space<semaphore_mem>>) src(%dma_wait3A_29 : memref<346112x128xf32, #tpu.memory_space<hbm>>) dst(%arg8 : memref<104x128xf32, #tpu.memory_space<vmem>>)
      %broadcast_in_dim3A = arith.constant 0.000000e+00 : f32
      %broadcast_in_dim3A_30 = vector.broadcast %broadcast_in_dim3A : f32 to vector<16xf32>
      %get3A = arith.index_cast %mul3A_16 : i32 to index
      %get3A_31 = arith.constant 0 : index
      %get3A_32 = tpu.vector_load %arg7[%get3A, %get3A_31] {strides = array<i32>} : memref<128x128xi32, #tpu.memory_space<vmem>>, vector<1x16xi32>,
      %get3A_33 = vector.shape_cast %get3A_32 : vector<1x16xi32> to vector<16xi32>
      %slice3A = vector.extract_strided_slice %get3A_33 {offsets = [0], sizes = [1], strides = [1]} : vector<16xi32> to vector<1xi32>
      %squeeze3A = vector.extract %slice3A[0] : i32 from vector<1xi32>
      %get3A_34 = arith.constant 0 : i32
      %get3A_35 = arith.index_cast %get3A_34 : i32 to index
      %get3A_36 = arith.index_cast %squeeze3A : i32 to index
      %get3A_37 = tpu.vector_load %arg8[%get3A_35, %get3A_36] {strides = array<i32>} : memref<104x128xf32, #tpu.memory_space<vmem>>, vector<1x16xf32>,
      %get3A_38 = vector.shape_cast %get3A_37 : vector<1x16xf32> to vector<16xf32>
      %add3A_39 = arith.addf %broadcast_in_dim3A_30, %get3A_38 : vector<16xf32>
      %slice3A_40 = vector.extract_strided_slice %get3A_33 {offsets = [1], sizes = [1], strides = [1]} : vector<16xi32> to vector<1xi32>
      %squeeze3A_41 = vector.extract %slice3A_40[0] : i32 from vector<1xi32>
      %get3A_42 = arith.constant 1 : i32
      %get3A_43 = arith.index_cast %get3A_42 : i32 to index
      %get3A_44 = arith.index_cast %squeeze3A_41 : i32 to index
      %get3A_45 = tpu.vector_load %arg8[%get3A_43, %get3A_44] {strides = array<i32>} : memref<104x128xf32, #tpu.memory_space<vmem>>, vector<1x16xf32>,
      %get3A_46 = vector.shape_cast %get3A_45 : vector<1x16xf32> to vector<16xf32>
      %add3A_47 = arith.addf %add3A_39, %get3A_46 : vector<16xf32>
      %slice3A_48 = vector.extract_strided_slice %get3A_33 {offsets = [2], sizes = [1], strides = [1]} : vector<16xi32> to vector<1xi32>
      %squeeze3A_49 = vector.extract %slice3A_48[0] : i32 from vector<1xi32>
      %get3A_50 = arith.constant 2 : i32
      %get3A_51 = arith.index_cast %get3A_50 : i32 to index
      %get3A_52 = arith.index_cast %squeeze3A_49 : i32 to index
      %get3A_53 = tpu.vector_load %arg8[%get3A_51, %get3A_52] {strides = array<i32>} : memref<104x128xf32, #tpu.memory_space<vmem>>, vector<1x16xf32>,
      %get3A_54 = vector.shape_cast %get3A_53 : vector<1x16xf32> to vector<16xf32>
      %add3A_55 = arith.addf %add3A_47, %get3A_54 : vector<16xf32>
      %slice3A_56 = vector.extract_strided_slice %get3A_33 {offsets = [3], sizes = [1], strides = [1]} : vector<16xi32> to vector<1xi32>
      %squeeze3A_57 = vector.extract %slice3A_56[0] : i32 from vector<1xi32>
      %get3A_58 = arith.constant 3 : i32
      %get3A_59 = arith.index_cast %get3A_58 : i32 to index
      %get3A_60 = arith.index_cast %squeeze3A_57 : i32 to index
      %get3A_61 = tpu.vector_load %arg8[%get3A_59, %get3A_60] {strides = array<i32>} : memref<104x128xf32, #tpu.memory_space<vmem>>, vector<1x16xf32>,
      %get3A_62 = vector.shape_cast %get3A_61 : vector<1x16xf32> to vector<16xf32>
      %add3A_63 = arith.addf %add3A_55, %get3A_62 : vector<16xf32>
      %slice3A_64 = vector.extract_strided_slice %get3A_33 {offsets = [4], sizes = [1], strides = [1]} : vector<16xi32> to vector<1xi32>
      %squeeze3A_65 = vector.extract %slice3A_64[0] : i32 from vector<1xi32>
      %get3A_66 = arith.constant 4 : i32
      %get3A_67 = arith.index_cast %get3A_66 : i32 to index
      %get3A_68 = arith.index_cast %squeeze3A_65 : i32 to index
      %get3A_69 = tpu.vector_load %arg8[%get3A_67, %get3A_68] {strides = array<i32>} : memref<104x128xf32, #tpu.memory_space<vmem>>, vector<1x16xf32>,
      %get3A_70 = vector.shape_cast %get3A_69 : vector<1x16xf32> to vector<16xf32>
      %add3A_71 = arith.addf %add3A_63, %get3A_70 : vector<16xf32>
      %slice3A_72 = vector.extract_strided_slice %get3A_33 {offsets = [5], sizes = [1], strides = [1]} : vector<16xi32> to vector<1xi32>
      %squeeze3A_73 = vector.extract %slice3A_72[0] : i32 from vector<1xi32>
      %get3A_74 = arith.constant 5 : i32
      %get3A_75 = arith.index_cast %get3A_74 : i32 to index
      %get3A_76 = arith.index_cast %squeeze3A_73 : i32 to index
      %get3A_77 = tpu.vector_load %arg8[%get3A_75, %get3A_76] {strides = array<i32>} : memref<104x128xf32, #tpu.memory_space<vmem>>, vector<1x16xf32>,
      %get3A_78 = vector.shape_cast %get3A_77 : vector<1x16xf32> to vector<16xf32>
      %add3A_79 = arith.addf %add3A_71, %get3A_78 : vector<16xf32>
      %slice3A_80 = vector.extract_strided_slice %get3A_33 {offsets = [6], sizes = [1], strides = [1]} : vector<16xi32> to vector<1xi32>
      %squeeze3A_81 = vector.extract %slice3A_80[0] : i32 from vector<1xi32>
      %get3A_82 = arith.constant 6 : i32
      %get3A_83 = arith.index_cast %get3A_82 : i32 to index
      %get3A_84 = arith.index_cast %squeeze3A_81 : i32 to index
      %get3A_85 = tpu.vector_load %arg8[%get3A_83, %get3A_84] {strides = array<i32>} : memref<104x128xf32, #tpu.memory_space<vmem>>, vector<1x16xf32>,
      %get3A_86 = vector.shape_cast %get3A_85 : vector<1x16xf32> to vector<16xf32>
      %add3A_87 = arith.addf %add3A_79, %get3A_86 : vector<16xf32>
      %slice3A_88 = vector.extract_strided_slice %get3A_33 {offsets = [7], sizes = [1], strides = [1]} : vector<16xi32> to vector<1xi32>
      %squeeze3A_89 = vector.extract %slice3A_88[0] : i32 from vector<1xi32>
      %get3A_90 = arith.constant 7 : i32
      %get3A_91 = arith.index_cast %get3A_90 : i32 to index
      %get3A_92 = arith.index_cast %squeeze3A_89 : i32 to index
      %get3A_93 = tpu.vector_load %arg8[%get3A_91, %get3A_92] {strides = array<i32>} : memref<104x128xf32, #tpu.memory_space<vmem>>, vector<1x16xf32>,
      %get3A_94 = vector.shape_cast %get3A_93 : vector<1x16xf32> to vector<16xf32>
      %add3A_95 = arith.addf %add3A_87, %get3A_94 : vector<16xf32>
      %slice3A_96 = vector.extract_strided_slice %get3A_33 {offsets = [8], sizes = [1], strides = [1]} : vector<16xi32> to vector<1xi32>
      %squeeze3A_97 = vector.extract %slice3A_96[0] : i32 from vector<1xi32>
      %get3A_98 = arith.constant 8 : i32
      %get3A_99 = arith.index_cast %get3A_98 : i32 to index
      %get3A_100 = arith.index_cast %squeeze3A_97 : i32 to index
      %get3A_101 = tpu.vector_load %arg8[%get3A_99, %get3A_100] {strides = array<i32>} : memref<104x128xf32, #tpu.memory_space<vmem>>, vector<1x16xf32>,
      %get3A_102 = vector.shape_cast %get3A_101 : vector<1x16xf32> to vector<16xf32>
      %add3A_103 = arith.addf %add3A_95, %get3A_102 : vector<16xf32>
      %slice3A_104 = vector.extract_strided_slice %get3A_33 {offsets = [9], sizes = [1], strides = [1]} : vector<16xi32> to vector<1xi32>
      %squeeze3A_105 = vector.extract %slice3A_104[0] : i32 from vector<1xi32>
      %get3A_106 = arith.constant 9 : i32
      %get3A_107 = arith.index_cast %get3A_106 : i32 to index
      %get3A_108 = arith.index_cast %squeeze3A_105 : i32 to index
      %get3A_109 = tpu.vector_load %arg8[%get3A_107, %get3A_108] {strides = array<i32>} : memref<104x128xf32, #tpu.memory_space<vmem>>, vector<1x16xf32>,
      %get3A_110 = vector.shape_cast %get3A_109 : vector<1x16xf32> to vector<16xf32>
      %add3A_111 = arith.addf %add3A_103, %get3A_110 : vector<16xf32>
      %slice3A_112 = vector.extract_strided_slice %get3A_33 {offsets = [10], sizes = [1], strides = [1]} : vector<16xi32> to vector<1xi32>
      %squeeze3A_113 = vector.extract %slice3A_112[0] : i32 from vector<1xi32>
      %get3A_114 = arith.constant 10 : i32
      %get3A_115 = arith.index_cast %get3A_114 : i32 to index
      %get3A_116 = arith.index_cast %squeeze3A_113 : i32 to index
      %get3A_117 = tpu.vector_load %arg8[%get3A_115, %get3A_116] {strides = array<i32>} : memref<104x128xf32, #tpu.memory_space<vmem>>, vector<1x16xf32>,
      %get3A_118 = vector.shape_cast %get3A_117 : vector<1x16xf32> to vector<16xf32>
      %add3A_119 = arith.addf %add3A_111, %get3A_118 : vector<16xf32>
      %slice3A_120 = vector.extract_strided_slice %get3A_33 {offsets = [11], sizes = [1], strides = [1]} : vector<16xi32> to vector<1xi32>
      %squeeze3A_121 = vector.extract %slice3A_120[0] : i32 from vector<1xi32>
      %get3A_122 = arith.constant 11 : i32
      %get3A_123 = arith.index_cast %get3A_122 : i32 to index
      %get3A_124 = arith.index_cast %squeeze3A_121 : i32 to index
      %get3A_125 = tpu.vector_load %arg8[%get3A_123, %get3A_124] {strides = array<i32>} : memref<104x128xf32, #tpu.memory_space<vmem>>, vector<1x16xf32>,
      %get3A_126 = vector.shape_cast %get3A_125 : vector<1x16xf32> to vector<16xf32>
      %add3A_127 = arith.addf %add3A_119, %get3A_126 : vector<16xf32>
      %slice3A_128 = vector.extract_strided_slice %get3A_33 {offsets = [12], sizes = [1], strides = [1]} : vector<16xi32> to vector<1xi32>
      %squeeze3A_129 = vector.extract %slice3A_128[0] : i32 from vector<1xi32>
      %get3A_130 = arith.constant 12 : i32
      %get3A_131 = arith.index_cast %get3A_130 : i32 to index
      %get3A_132 = arith.index_cast %squeeze3A_129 : i32 to index
      %get3A_133 = tpu.vector_load %arg8[%get3A_131, %get3A_132] {strides = array<i32>} : memref<104x128xf32, #tpu.memory_space<vmem>>, vector<1x16xf32>,
      %get3A_134 = vector.shape_cast %get3A_133 : vector<1x16xf32> to vector<16xf32>
      %add3A_135 = arith.addf %add3A_127, %get3A_134 : vector<16xf32>
      %slice3A_136 = vector.extract_strided_slice %get3A_33 {offsets = [13], sizes = [1], strides = [1]} : vector<16xi32> to vector<1xi32>
      %squeeze3A_137 = vector.extract %slice3A_136[0] : i32 from vector<1xi32>
      %get3A_138 = arith.constant 13 : i32
      %get3A_139 = arith.index_cast %get3A_138 : i32 to index
      %get3A_140 = arith.index_cast %squeeze3A_137 : i32 to index
      %get3A_141 = tpu.vector_load %arg8[%get3A_139, %get3A_140] {strides = array<i32>} : memref<104x128xf32, #tpu.memory_space<vmem>>, vector<1x16xf32>,
      %get3A_142 = vector.shape_cast %get3A_141 : vector<1x16xf32> to vector<16xf32>
      %add3A_143 = arith.addf %add3A_135, %get3A_142 : vector<16xf32>
      %slice3A_144 = vector.extract_strided_slice %get3A_33 {offsets = [14], sizes = [1], strides = [1]} : vector<16xi32> to vector<1xi32>
      %squeeze3A_145 = vector.extract %slice3A_144[0] : i32 from vector<1xi32>
      %get3A_146 = arith.constant 14 : i32
      %get3A_147 = arith.index_cast %get3A_146 : i32 to index
      %get3A_148 = arith.index_cast %squeeze3A_145 : i32 to index
      %get3A_149 = tpu.vector_load %arg8[%get3A_147, %get3A_148] {strides = array<i32>} : memref<104x128xf32, #tpu.memory_space<vmem>>, vector<1x16xf32>,
      %get3A_150 = vector.shape_cast %get3A_149 : vector<1x16xf32> to vector<16xf32>
      %add3A_151 = arith.addf %add3A_143, %get3A_150 : vector<16xf32>
      %slice3A_152 = vector.extract_strided_slice %get3A_33 {offsets = [15], sizes = [1], strides = [1]} : vector<16xi32> to vector<1xi32>
      %squeeze3A_153 = vector.extract %slice3A_152[0] : i32 from vector<1xi32>
      %get3A_154 = arith.constant 15 : i32
      %get3A_155 = arith.index_cast %get3A_154 : i32 to index
      %get3A_156 = arith.index_cast %squeeze3A_153 : i32 to index
      %get3A_157 = tpu.vector_load %arg8[%get3A_155, %get3A_156] {strides = array<i32>} : memref<104x128xf32, #tpu.memory_space<vmem>>, vector<1x16xf32>,
      %get3A_158 = vector.shape_cast %get3A_157 : vector<1x16xf32> to vector<16xf32>
      %add3A_159 = arith.addf %add3A_151, %get3A_158 : vector<16xf32>
      %get3A_160 = arith.index_cast %mul3A_16 : i32 to index
      %get3A_161 = arith.constant 16 : index
      %get3A_162 = tpu.vector_load %arg7[%get3A_160, %get3A_161] {strides = array<i32>} : memref<128x128xi32, #tpu.memory_space<vmem>>, vector<1x16xi32>,
      %get3A_163 = vector.shape_cast %get3A_162 : vector<1x16xi32> to vector<16xi32>
      %slice3A_164 = vector.extract_strided_slice %get3A_163 {offsets = [0], sizes = [1], strides = [1]} : vector<16xi32> to vector<1xi32>
      %squeeze3A_165 = vector.extract %slice3A_164[0] : i32 from vector<1xi32>
      %get3A_166 = arith.constant 16 : i32
      %get3A_167 = arith.index_cast %get3A_166 : i32 to index
      %get3A_168 = arith.index_cast %squeeze3A_165 : i32 to index
      %get3A_169 = tpu.vector_load %arg8[%get3A_167, %get3A_168] {strides = array<i32>} : memref<104x128xf32, #tpu.memory_space<vmem>>, vector<1x16xf32>,
      %get3A_170 = vector.shape_cast %get3A_169 : vector<1x16xf32> to vector<16xf32>
      %add3A_171 = arith.addf %add3A_159, %get3A_170 : vector<16xf32>
      %slice3A_172 = vector.extract_strided_slice %get3A_163 {offsets = [1], sizes = [1], strides = [1]} : vector<16xi32> to vector<1xi32>
      %squeeze3A_173 = vector.extract %slice3A_172[0] : i32 from vector<1xi32>
      %get3A_174 = arith.constant 17 : i32
      %get3A_175 = arith.index_cast %get3A_174 : i32 to index
      %get3A_176 = arith.index_cast %squeeze3A_173 : i32 to index
      %get3A_177 = tpu.vector_load %arg8[%get3A_175, %get3A_176] {strides = array<i32>} : memref<104x128xf32, #tpu.memory_space<vmem>>, vector<1x16xf32>,
      %get3A_178 = vector.shape_cast %get3A_177 : vector<1x16xf32> to vector<16xf32>
      %add3A_179 = arith.addf %add3A_171, %get3A_178 : vector<16xf32>
      %slice3A_180 = vector.extract_strided_slice %get3A_163 {offsets = [2], sizes = [1], strides = [1]} : vector<16xi32> to vector<1xi32>
      %squeeze3A_181 = vector.extract %slice3A_180[0] : i32 from vector<1xi32>
      %get3A_182 = arith.constant 18 : i32
      %get3A_183 = arith.index_cast %get3A_182 : i32 to index
      %get3A_184 = arith.index_cast %squeeze3A_181 : i32 to index
      %get3A_185 = tpu.vector_load %arg8[%get3A_183, %get3A_184] {strides = array<i32>} : memref<104x128xf32, #tpu.memory_space<vmem>>, vector<1x16xf32>,
      %get3A_186 = vector.shape_cast %get3A_185 : vector<1x16xf32> to vector<16xf32>
      %add3A_187 = arith.addf %add3A_179, %get3A_186 : vector<16xf32>
      %slice3A_188 = vector.extract_strided_slice %get3A_163 {offsets = [3], sizes = [1], strides = [1]} : vector<16xi32> to vector<1xi32>
      %squeeze3A_189 = vector.extract %slice3A_188[0] : i32 from vector<1xi32>
      %get3A_190 = arith.constant 19 : i32
      %get3A_191 = arith.index_cast %get3A_190 : i32 to index
      %get3A_192 = arith.index_cast %squeeze3A_189 : i32 to index
      %get3A_193 = tpu.vector_load %arg8[%get3A_191, %get3A_192] {strides = array<i32>} : memref<104x128xf32, #tpu.memory_space<vmem>>, vector<1x16xf32>,
      %get3A_194 = vector.shape_cast %get3A_193 : vector<1x16xf32> to vector<16xf32>
      %add3A_195 = arith.addf %add3A_187, %get3A_194 : vector<16xf32>
      %slice3A_196 = vector.extract_strided_slice %get3A_163 {offsets = [4], sizes = [1], strides = [1]} : vector<16xi32> to vector<1xi32>
      %squeeze3A_197 = vector.extract %slice3A_196[0] : i32 from vector<1xi32>
      %get3A_198 = arith.constant 20 : i32
      %get3A_199 = arith.index_cast %get3A_198 : i32 to index
      %get3A_200 = arith.index_cast %squeeze3A_197 : i32 to index
      %get3A_201 = tpu.vector_load %arg8[%get3A_199, %get3A_200] {strides = array<i32>} : memref<104x128xf32, #tpu.memory_space<vmem>>, vector<1x16xf32>,
      %get3A_202 = vector.shape_cast %get3A_201 : vector<1x16xf32> to vector<16xf32>
      %add3A_203 = arith.addf %add3A_195, %get3A_202 : vector<16xf32>
      %slice3A_204 = vector.extract_strided_slice %get3A_163 {offsets = [5], sizes = [1], strides = [1]} : vector<16xi32> to vector<1xi32>
      %squeeze3A_205 = vector.extract %slice3A_204[0] : i32 from vector<1xi32>
      %get3A_206 = arith.constant 21 : i32
      %get3A_207 = arith.index_cast %get3A_206 : i32 to index
      %get3A_208 = arith.index_cast %squeeze3A_205 : i32 to index
      %get3A_209 = tpu.vector_load %arg8[%get3A_207, %get3A_208] {strides = array<i32>} : memref<104x128xf32, #tpu.memory_space<vmem>>, vector<1x16xf32>,
      %get3A_210 = vector.shape_cast %get3A_209 : vector<1x16xf32> to vector<16xf32>
      %add3A_211 = arith.addf %add3A_203, %get3A_210 : vector<16xf32>
      %slice3A_212 = vector.extract_strided_slice %get3A_163 {offsets = [6], sizes = [1], strides = [1]} : vector<16xi32> to vector<1xi32>
      %squeeze3A_213 = vector.extract %slice3A_212[0] : i32 from vector<1xi32>
      %get3A_214 = arith.constant 22 : i32
      %get3A_215 = arith.index_cast %get3A_214 : i32 to index
      %get3A_216 = arith.index_cast %squeeze3A_213 : i32 to index
      %get3A_217 = tpu.vector_load %arg8[%get3A_215, %get3A_216] {strides = array<i32>} : memref<104x128xf32, #tpu.memory_space<vmem>>, vector<1x16xf32>,
      %get3A_218 = vector.shape_cast %get3A_217 : vector<1x16xf32> to vector<16xf32>
      %add3A_219 = arith.addf %add3A_211, %get3A_218 : vector<16xf32>
      %slice3A_220 = vector.extract_strided_slice %get3A_163 {offsets = [7], sizes = [1], strides = [1]} : vector<16xi32> to vector<1xi32>
      %squeeze3A_221 = vector.extract %slice3A_220[0] : i32 from vector<1xi32>
      %get3A_222 = arith.constant 23 : i32
      %get3A_223 = arith.index_cast %get3A_222 : i32 to index
      %get3A_224 = arith.index_cast %squeeze3A_221 : i32 to index
      %get3A_225 = tpu.vector_load %arg8[%get3A_223, %get3A_224] {strides = array<i32>} : memref<104x128xf32, #tpu.memory_space<vmem>>, vector<1x16xf32>,
      %get3A_226 = vector.shape_cast %get3A_225 : vector<1x16xf32> to vector<16xf32>
      %add3A_227 = arith.addf %add3A_219, %get3A_226 : vector<16xf32>
      %slice3A_228 = vector.extract_strided_slice %get3A_163 {offsets = [8], sizes = [1], strides = [1]} : vector<16xi32> to vector<1xi32>
      %squeeze3A_229 = vector.extract %slice3A_228[0] : i32 from vector<1xi32>
      %get3A_230 = arith.constant 24 : i32
      %get3A_231 = arith.index_cast %get3A_230 : i32 to index
      %get3A_232 = arith.index_cast %squeeze3A_229 : i32 to index
      %get3A_233 = tpu.vector_load %arg8[%get3A_231, %get3A_232] {strides = array<i32>} : memref<104x128xf32, #tpu.memory_space<vmem>>, vector<1x16xf32>,
      %get3A_234 = vector.shape_cast %get3A_233 : vector<1x16xf32> to vector<16xf32>
      %add3A_235 = arith.addf %add3A_227, %get3A_234 : vector<16xf32>
      %slice3A_236 = vector.extract_strided_slice %get3A_163 {offsets = [9], sizes = [1], strides = [1]} : vector<16xi32> to vector<1xi32>
      %squeeze3A_237 = vector.extract %slice3A_236[0] : i32 from vector<1xi32>
      %get3A_238 = arith.constant 25 : i32
      %get3A_239 = arith.index_cast %get3A_238 : i32 to index
      %get3A_240 = arith.index_cast %squeeze3A_237 : i32 to index
      %get3A_241 = tpu.vector_load %arg8[%get3A_239, %get3A_240] {strides = array<i32>} : memref<104x128xf32, #tpu.memory_space<vmem>>, vector<1x16xf32>,
      %get3A_242 = vector.shape_cast %get3A_241 : vector<1x16xf32> to vector<16xf32>
      %add3A_243 = arith.addf %add3A_235, %get3A_242 : vector<16xf32>
      %mul3A_244 = arith.constant 4 : i32
      %mul3A_245 = arith.muli %mul3A_16, %mul3A_244 : i32
      %add3A_246 = arith.constant 0 : i32
      %add3A_247 = arith.addi %mul3A_245, %add3A_246 : i32
      %shift_right_arithmetic3A = arith.constant 3 : i32
      %shift_right_arithmetic3A_248 = arith.shrsi %add3A_247, %shift_right_arithmetic3A : i32
      %and3A = arith.constant 7 : i32
      %and3A_249 = arith.andi %add3A_247, %and3A : i32
      %mul3A_250 = arith.constant 16 : i32
      %mul3A_251 = arith.muli %and3A_249, %mul3A_250 : i32
      %swap3A = arith.index_cast %shift_right_arithmetic3A_248 : i32 to index
      %swap3A_252 = arith.index_cast %mul3A_251 : i32 to index
      %swap3A_253 = tpu.vector_load %arg10[%swap3A, %swap3A_252] {strides = array<i32>} : memref<64x128xf32, #tpu.memory_space<vmem>>, vector<1x16xf32>,
      %swap3A_254 = vector.shape_cast %swap3A_253 : vector<1x16xf32> to vector<16xf32>
      %swap3A_255 = vector.shape_cast %add3A_243 : vector<16xf32> to vector<1x16xf32>
      tpu.vector_store %arg10[%swap3A, %swap3A_252], %swap3A_255 {strides = array<i32>} : memref<64x128xf32, #tpu.memory_space<vmem>>, vector<1x16xf32>,
      %broadcast_in_dim3A_256 = arith.constant 0.000000e+00 : f32
      %broadcast_in_dim3A_257 = vector.broadcast %broadcast_in_dim3A_256 : f32 to vector<16xf32>
      %get3A_258 = arith.index_cast %mul3A_16 : i32 to index
      %get3A_259 = arith.constant 16 : index
      %get3A_260 = tpu.vector_load %arg7[%get3A_258, %get3A_259] {strides = array<i32>} : memref<128x128xi32, #tpu.memory_space<vmem>>, vector<1x16xi32>,
      %get3A_261 = vector.shape_cast %get3A_260 : vector<1x16xi32> to vector<16xi32>
      %slice3A_262 = vector.extract_strided_slice %get3A_261 {offsets = [10], sizes = [1], strides = [1]} : vector<16xi32> to vector<1xi32>
      %squeeze3A_263 = vector.extract %slice3A_262[0] : i32 from vector<1xi32>
      %get3A_264 = arith.constant 26 : i32
      %get3A_265 = arith.index_cast %get3A_264 : i32 to index
      %get3A_266 = arith.index_cast %squeeze3A_263 : i32 to index
      %get3A_267 = tpu.vector_load %arg8[%get3A_265, %get3A_266] {strides = array<i32>} : memref<104x128xf32, #tpu.memory_space<vmem>>, vector<1x16xf32>,
      %get3A_268 = vector.shape_cast %get3A_267 : vector<1x16xf32> to vector<16xf32>
      %add3A_269 = arith.addf %broadcast_in_dim3A_257, %get3A_268 : vector<16xf32>
      %slice3A_270 = vector.extract_strided_slice %get3A_261 {offsets = [11], sizes = [1], strides = [1]} : vector<16xi32> to vector<1xi32>
      %squeeze3A_271 = vector.extract %slice3A_270[0] : i32 from vector<1xi32>
      %get3A_272 = arith.constant 27 : i32
      %get3A_273 = arith.index_cast %get3A_272 : i32 to index
      %get3A_274 = arith.index_cast %squeeze3A_271 : i32 to index
      %get3A_275 = tpu.vector_load %arg8[%get3A_273, %get3A_274] {strides = array<i32>} : memref<104x128xf32, #tpu.memory_space<vmem>>, vector<1x16xf32>,
      %get3A_276 = vector.shape_cast %get3A_275 : vector<1x16xf32> to vector<16xf32>
      %add3A_277 = arith.addf %add3A_269, %get3A_276 : vector<16xf32>
      %slice3A_278 = vector.extract_strided_slice %get3A_261 {offsets = [12], sizes = [1], strides = [1]} : vector<16xi32> to vector<1xi32>
      %squeeze3A_279 = vector.extract %slice3A_278[0] : i32 from vector<1xi32>
      %get3A_280 = arith.constant 28 : i32
      %get3A_281 = arith.index_cast %get3A_280 : i32 to index
      %get3A_282 = arith.index_cast %squeeze3A_279 : i32 to index
      %get3A_283 = tpu.vector_load %arg8[%get3A_281, %get3A_282] {strides = array<i32>} : memref<104x128xf32, #tpu.memory_space<vmem>>, vector<1x16xf32>,
      %get3A_284 = vector.shape_cast %get3A_283 : vector<1x16xf32> to vector<16xf32>
      %add3A_285 = arith.addf %add3A_277, %get3A_284 : vector<16xf32>
      %slice3A_286 = vector.extract_strided_slice %get3A_261 {offsets = [13], sizes = [1], strides = [1]} : vector<16xi32> to vector<1xi32>
      %squeeze3A_287 = vector.extract %slice3A_286[0] : i32 from vector<1xi32>
      %get3A_288 = arith.constant 29 : i32
      %get3A_289 = arith.index_cast %get3A_288 : i32 to index
      %get3A_290 = arith.index_cast %squeeze3A_287 : i32 to index
      %get3A_291 = tpu.vector_load %arg8[%get3A_289, %get3A_290] {strides = array<i32>} : memref<104x128xf32, #tpu.memory_space<vmem>>, vector<1x16xf32>,
      %get3A_292 = vector.shape_cast %get3A_291 : vector<1x16xf32> to vector<16xf32>
      %add3A_293 = arith.addf %add3A_285, %get3A_292 : vector<16xf32>
      %slice3A_294 = vector.extract_strided_slice %get3A_261 {offsets = [14], sizes = [1], strides = [1]} : vector<16xi32> to vector<1xi32>
      %squeeze3A_295 = vector.extract %slice3A_294[0] : i32 from vector<1xi32>
      %get3A_296 = arith.constant 30 : i32
      %get3A_297 = arith.index_cast %get3A_296 : i32 to index
      %get3A_298 = arith.index_cast %squeeze3A_295 : i32 to index
      %get3A_299 = tpu.vector_load %arg8[%get3A_297, %get3A_298] {strides = array<i32>} : memref<104x128xf32, #tpu.memory_space<vmem>>, vector<1x16xf32>,
      %get3A_300 = vector.shape_cast %get3A_299 : vector<1x16xf32> to vector<16xf32>
      %add3A_301 = arith.addf %add3A_293, %get3A_300 : vector<16xf32>
      %slice3A_302 = vector.extract_strided_slice %get3A_261 {offsets = [15], sizes = [1], strides = [1]} : vector<16xi32> to vector<1xi32>
      %squeeze3A_303 = vector.extract %slice3A_302[0] : i32 from vector<1xi32>
      %get3A_304 = arith.constant 31 : i32
      %get3A_305 = arith.index_cast %get3A_304 : i32 to index
      %get3A_306 = arith.index_cast %squeeze3A_303 : i32 to index
      %get3A_307 = tpu.vector_load %arg8[%get3A_305, %get3A_306] {strides = array<i32>} : memref<104x128xf32, #tpu.memory_space<vmem>>, vector<1x16xf32>,
      %get3A_308 = vector.shape_cast %get3A_307 : vector<1x16xf32> to vector<16xf32>
      %add3A_309 = arith.addf %add3A_301, %get3A_308 : vector<16xf32>
      %get3A_310 = arith.index_cast %mul3A_16 : i32 to index
      %get3A_311 = arith.constant 32 : index
      %get3A_312 = tpu.vector_load %arg7[%get3A_310, %get3A_311] {strides = array<i32>} : memref<128x128xi32, #tpu.memory_space<vmem>>, vector<1x16xi32>,
      %get3A_313 = vector.shape_cast %get3A_312 : vector<1x16xi32> to vector<16xi32>
      %slice3A_314 = vector.extract_strided_slice %get3A_313 {offsets = [0], sizes = [1], strides = [1]} : vector<16xi32> to vector<1xi32>
      %squeeze3A_315 = vector.extract %slice3A_314[0] : i32 from vector<1xi32>
      %get3A_316 = arith.constant 32 : i32
      %get3A_317 = arith.index_cast %get3A_316 : i32 to index
      %get3A_318 = arith.index_cast %squeeze3A_315 : i32 to index
      %get3A_319 = tpu.vector_load %arg8[%get3A_317, %get3A_318] {strides = array<i32>} : memref<104x128xf32, #tpu.memory_space<vmem>>, vector<1x16xf32>,
      %get3A_320 = vector.shape_cast %get3A_319 : vector<1x16xf32> to vector<16xf32>
      %add3A_321 = arith.addf %add3A_309, %get3A_320 : vector<16xf32>
      %slice3A_322 = vector.extract_strided_slice %get3A_313 {offsets = [1], sizes = [1], strides = [1]} : vector<16xi32> to vector<1xi32>
      %squeeze3A_323 = vector.extract %slice3A_322[0] : i32 from vector<1xi32>
      %get3A_324 = arith.constant 33 : i32
      %get3A_325 = arith.index_cast %get3A_324 : i32 to index
      %get3A_326 = arith.index_cast %squeeze3A_323 : i32 to index
      %get3A_327 = tpu.vector_load %arg8[%get3A_325, %get3A_326] {strides = array<i32>} : memref<104x128xf32, #tpu.memory_space<vmem>>, vector<1x16xf32>,
      %get3A_328 = vector.shape_cast %get3A_327 : vector<1x16xf32> to vector<16xf32>
      %add3A_329 = arith.addf %add3A_321, %get3A_328 : vector<16xf32>
      %slice3A_330 = vector.extract_strided_slice %get3A_313 {offsets = [2], sizes = [1], strides = [1]} : vector<16xi32> to vector<1xi32>
      %squeeze3A_331 = vector.extract %slice3A_330[0] : i32 from vector<1xi32>
      %get3A_332 = arith.constant 34 : i32
      %get3A_333 = arith.index_cast %get3A_332 : i32 to index
      %get3A_334 = arith.index_cast %squeeze3A_331 : i32 to index
      %get3A_335 = tpu.vector_load %arg8[%get3A_333, %get3A_334] {strides = array<i32>} : memref<104x128xf32, #tpu.memory_space<vmem>>, vector<1x16xf32>,
      %get3A_336 = vector.shape_cast %get3A_335 : vector<1x16xf32> to vector<16xf32>
      %add3A_337 = arith.addf %add3A_329, %get3A_336 : vector<16xf32>
      %slice3A_338 = vector.extract_strided_slice %get3A_313 {offsets = [3], sizes = [1], strides = [1]} : vector<16xi32> to vector<1xi32>
      %squeeze3A_339 = vector.extract %slice3A_338[0] : i32 from vector<1xi32>
      %get3A_340 = arith.constant 35 : i32
      %get3A_341 = arith.index_cast %get3A_340 : i32 to index
      %get3A_342 = arith.index_cast %squeeze3A_339 : i32 to index
      %get3A_343 = tpu.vector_load %arg8[%get3A_341, %get3A_342] {strides = array<i32>} : memref<104x128xf32, #tpu.memory_space<vmem>>, vector<1x16xf32>,
      %get3A_344 = vector.shape_cast %get3A_343 : vector<1x16xf32> to vector<16xf32>
      %add3A_345 = arith.addf %add3A_337, %get3A_344 : vector<16xf32>
      %slice3A_346 = vector.extract_strided_slice %get3A_313 {offsets = [4], sizes = [1], strides = [1]} : vector<16xi32> to vector<1xi32>
      %squeeze3A_347 = vector.extract %slice3A_346[0] : i32 from vector<1xi32>
      %get3A_348 = arith.constant 36 : i32
      %get3A_349 = arith.index_cast %get3A_348 : i32 to index
      %get3A_350 = arith.index_cast %squeeze3A_347 : i32 to index
      %get3A_351 = tpu.vector_load %arg8[%get3A_349, %get3A_350] {strides = array<i32>} : memref<104x128xf32, #tpu.memory_space<vmem>>, vector<1x16xf32>,
      %get3A_352 = vector.shape_cast %get3A_351 : vector<1x16xf32> to vector<16xf32>
      %add3A_353 = arith.addf %add3A_345, %get3A_352 : vector<16xf32>
      %slice3A_354 = vector.extract_strided_slice %get3A_313 {offsets = [5], sizes = [1], strides = [1]} : vector<16xi32> to vector<1xi32>
      %squeeze3A_355 = vector.extract %slice3A_354[0] : i32 from vector<1xi32>
      %get3A_356 = arith.constant 37 : i32
      %get3A_357 = arith.index_cast %get3A_356 : i32 to index
      %get3A_358 = arith.index_cast %squeeze3A_355 : i32 to index
      %get3A_359 = tpu.vector_load %arg8[%get3A_357, %get3A_358] {strides = array<i32>} : memref<104x128xf32, #tpu.memory_space<vmem>>, vector<1x16xf32>,
      %get3A_360 = vector.shape_cast %get3A_359 : vector<1x16xf32> to vector<16xf32>
      %add3A_361 = arith.addf %add3A_353, %get3A_360 : vector<16xf32>
      %slice3A_362 = vector.extract_strided_slice %get3A_313 {offsets = [6], sizes = [1], strides = [1]} : vector<16xi32> to vector<1xi32>
      %squeeze3A_363 = vector.extract %slice3A_362[0] : i32 from vector<1xi32>
      %get3A_364 = arith.constant 38 : i32
      %get3A_365 = arith.index_cast %get3A_364 : i32 to index
      %get3A_366 = arith.index_cast %squeeze3A_363 : i32 to index
      %get3A_367 = tpu.vector_load %arg8[%get3A_365, %get3A_366] {strides = array<i32>} : memref<104x128xf32, #tpu.memory_space<vmem>>, vector<1x16xf32>,
      %get3A_368 = vector.shape_cast %get3A_367 : vector<1x16xf32> to vector<16xf32>
      %add3A_369 = arith.addf %add3A_361, %get3A_368 : vector<16xf32>
      %slice3A_370 = vector.extract_strided_slice %get3A_313 {offsets = [7], sizes = [1], strides = [1]} : vector<16xi32> to vector<1xi32>
      %squeeze3A_371 = vector.extract %slice3A_370[0] : i32 from vector<1xi32>
      %get3A_372 = arith.constant 39 : i32
      %get3A_373 = arith.index_cast %get3A_372 : i32 to index
      %get3A_374 = arith.index_cast %squeeze3A_371 : i32 to index
      %get3A_375 = tpu.vector_load %arg8[%get3A_373, %get3A_374] {strides = array<i32>} : memref<104x128xf32, #tpu.memory_space<vmem>>, vector<1x16xf32>,
      %get3A_376 = vector.shape_cast %get3A_375 : vector<1x16xf32> to vector<16xf32>
      %add3A_377 = arith.addf %add3A_369, %get3A_376 : vector<16xf32>
      %slice3A_378 = vector.extract_strided_slice %get3A_313 {offsets = [8], sizes = [1], strides = [1]} : vector<16xi32> to vector<1xi32>
      %squeeze3A_379 = vector.extract %slice3A_378[0] : i32 from vector<1xi32>
      %get3A_380 = arith.constant 40 : i32
      %get3A_381 = arith.index_cast %get3A_380 : i32 to index
      %get3A_382 = arith.index_cast %squeeze3A_379 : i32 to index
      %get3A_383 = tpu.vector_load %arg8[%get3A_381, %get3A_382] {strides = array<i32>} : memref<104x128xf32, #tpu.memory_space<vmem>>, vector<1x16xf32>,
      %get3A_384 = vector.shape_cast %get3A_383 : vector<1x16xf32> to vector<16xf32>
      %add3A_385 = arith.addf %add3A_377, %get3A_384 : vector<16xf32>
      %slice3A_386 = vector.extract_strided_slice %get3A_313 {offsets = [9], sizes = [1], strides = [1]} : vector<16xi32> to vector<1xi32>
      %squeeze3A_387 = vector.extract %slice3A_386[0] : i32 from vector<1xi32>
      %get3A_388 = arith.constant 41 : i32
      %get3A_389 = arith.index_cast %get3A_388 : i32 to index
      %get3A_390 = arith.index_cast %squeeze3A_387 : i32 to index
      %get3A_391 = tpu.vector_load %arg8[%get3A_389, %get3A_390] {strides = array<i32>} : memref<104x128xf32, #tpu.memory_space<vmem>>, vector<1x16xf32>,
      %get3A_392 = vector.shape_cast %get3A_391 : vector<1x16xf32> to vector<16xf32>
      %add3A_393 = arith.addf %add3A_385, %get3A_392 : vector<16xf32>
      %slice3A_394 = vector.extract_strided_slice %get3A_313 {offsets = [10], sizes = [1], strides = [1]} : vector<16xi32> to vector<1xi32>
      %squeeze3A_395 = vector.extract %slice3A_394[0] : i32 from vector<1xi32>
      %get3A_396 = arith.constant 42 : i32
      %get3A_397 = arith.index_cast %get3A_396 : i32 to index
      %get3A_398 = arith.index_cast %squeeze3A_395 : i32 to index
      %get3A_399 = tpu.vector_load %arg8[%get3A_397, %get3A_398] {strides = array<i32>} : memref<104x128xf32, #tpu.memory_space<vmem>>, vector<1x16xf32>,
      %get3A_400 = vector.shape_cast %get3A_399 : vector<1x16xf32> to vector<16xf32>
      %add3A_401 = arith.addf %add3A_393, %get3A_400 : vector<16xf32>
      %slice3A_402 = vector.extract_strided_slice %get3A_313 {offsets = [11], sizes = [1], strides = [1]} : vector<16xi32> to vector<1xi32>
      %squeeze3A_403 = vector.extract %slice3A_402[0] : i32 from vector<1xi32>
      %get3A_404 = arith.constant 43 : i32
      %get3A_405 = arith.index_cast %get3A_404 : i32 to index
      %get3A_406 = arith.index_cast %squeeze3A_403 : i32 to index
      %get3A_407 = tpu.vector_load %arg8[%get3A_405, %get3A_406] {strides = array<i32>} : memref<104x128xf32, #tpu.memory_space<vmem>>, vector<1x16xf32>,
      %get3A_408 = vector.shape_cast %get3A_407 : vector<1x16xf32> to vector<16xf32>
      %add3A_409 = arith.addf %add3A_401, %get3A_408 : vector<16xf32>
      %slice3A_410 = vector.extract_strided_slice %get3A_313 {offsets = [12], sizes = [1], strides = [1]} : vector<16xi32> to vector<1xi32>
      %squeeze3A_411 = vector.extract %slice3A_410[0] : i32 from vector<1xi32>
      %get3A_412 = arith.constant 44 : i32
      %get3A_413 = arith.index_cast %get3A_412 : i32 to index
      %get3A_414 = arith.index_cast %squeeze3A_411 : i32 to index
      %get3A_415 = tpu.vector_load %arg8[%get3A_413, %get3A_414] {strides = array<i32>} : memref<104x128xf32, #tpu.memory_space<vmem>>, vector<1x16xf32>,
      %get3A_416 = vector.shape_cast %get3A_415 : vector<1x16xf32> to vector<16xf32>
      %add3A_417 = arith.addf %add3A_409, %get3A_416 : vector<16xf32>
      %slice3A_418 = vector.extract_strided_slice %get3A_313 {offsets = [13], sizes = [1], strides = [1]} : vector<16xi32> to vector<1xi32>
      %squeeze3A_419 = vector.extract %slice3A_418[0] : i32 from vector<1xi32>
      %get3A_420 = arith.constant 45 : i32
      %get3A_421 = arith.index_cast %get3A_420 : i32 to index
      %get3A_422 = arith.index_cast %squeeze3A_419 : i32 to index
      %get3A_423 = tpu.vector_load %arg8[%get3A_421, %get3A_422] {strides = array<i32>} : memref<104x128xf32, #tpu.memory_space<vmem>>, vector<1x16xf32>,
      %get3A_424 = vector.shape_cast %get3A_423 : vector<1x16xf32> to vector<16xf32>
      %add3A_425 = arith.addf %add3A_417, %get3A_424 : vector<16xf32>
      %slice3A_426 = vector.extract_strided_slice %get3A_313 {offsets = [14], sizes = [1], strides = [1]} : vector<16xi32> to vector<1xi32>
      %squeeze3A_427 = vector.extract %slice3A_426[0] : i32 from vector<1xi32>
      %get3A_428 = arith.constant 46 : i32
      %get3A_429 = arith.index_cast %get3A_428 : i32 to index
      %get3A_430 = arith.index_cast %squeeze3A_427 : i32 to index
      %get3A_431 = tpu.vector_load %arg8[%get3A_429, %get3A_430] {strides = array<i32>} : memref<104x128xf32, #tpu.memory_space<vmem>>, vector<1x16xf32>,
      %get3A_432 = vector.shape_cast %get3A_431 : vector<1x16xf32> to vector<16xf32>
      %add3A_433 = arith.addf %add3A_425, %get3A_432 : vector<16xf32>
      %slice3A_434 = vector.extract_strided_slice %get3A_313 {offsets = [15], sizes = [1], strides = [1]} : vector<16xi32> to vector<1xi32>
      %squeeze3A_435 = vector.extract %slice3A_434[0] : i32 from vector<1xi32>
      %get3A_436 = arith.constant 47 : i32
      %get3A_437 = arith.index_cast %get3A_436 : i32 to index
      %get3A_438 = arith.index_cast %squeeze3A_435 : i32 to index
      %get3A_439 = tpu.vector_load %arg8[%get3A_437, %get3A_438] {strides = array<i32>} : memref<104x128xf32, #tpu.memory_space<vmem>>, vector<1x16xf32>,
      %get3A_440 = vector.shape_cast %get3A_439 : vector<1x16xf32> to vector<16xf32>
      %add3A_441 = arith.addf %add3A_433, %get3A_440 : vector<16xf32>
      %get3A_442 = arith.index_cast %mul3A_16 : i32 to index
      %get3A_443 = arith.constant 48 : index
      %get3A_444 = tpu.vector_load %arg7[%get3A_442, %get3A_443] {strides = array<i32>} : memref<128x128xi32, #tpu.memory_space<vmem>>, vector<1x16xi32>,
      %get3A_445 = vector.shape_cast %get3A_444 : vector<1x16xi32> to vector<16xi32>
      %slice3A_446 = vector.extract_strided_slice %get3A_445 {offsets = [0], sizes = [1], strides = [1]} : vector<16xi32> to vector<1xi32>
      %squeeze3A_447 = vector.extract %slice3A_446[0] : i32 from vector<1xi32>
      %get3A_448 = arith.constant 48 : i32
      %get3A_449 = arith.index_cast %get3A_448 : i32 to index
      %get3A_450 = arith.index_cast %squeeze3A_447 : i32 to index
      %get3A_451 = tpu.vector_load %arg8[%get3A_449, %get3A_450] {strides = array<i32>} : memref<104x128xf32, #tpu.memory_space<vmem>>, vector<1x16xf32>,
      %get3A_452 = vector.shape_cast %get3A_451 : vector<1x16xf32> to vector<16xf32>
      %add3A_453 = arith.addf %add3A_441, %get3A_452 : vector<16xf32>
      %slice3A_454 = vector.extract_strided_slice %get3A_445 {offsets = [1], sizes = [1], strides = [1]} : vector<16xi32> to vector<1xi32>
      %squeeze3A_455 = vector.extract %slice3A_454[0] : i32 from vector<1xi32>
      %get3A_456 = arith.constant 49 : i32
      %get3A_457 = arith.index_cast %get3A_456 : i32 to index
      %get3A_458 = arith.index_cast %squeeze3A_455 : i32 to index
      %get3A_459 = tpu.vector_load %arg8[%get3A_457, %get3A_458] {strides = array<i32>} : memref<104x128xf32, #tpu.memory_space<vmem>>, vector<1x16xf32>,
      %get3A_460 = vector.shape_cast %get3A_459 : vector<1x16xf32> to vector<16xf32>
      %add3A_461 = arith.addf %add3A_453, %get3A_460 : vector<16xf32>
      %slice3A_462 = vector.extract_strided_slice %get3A_445 {offsets = [2], sizes = [1], strides = [1]} : vector<16xi32> to vector<1xi32>
      %squeeze3A_463 = vector.extract %slice3A_462[0] : i32 from vector<1xi32>
      %get3A_464 = arith.constant 50 : i32
      %get3A_465 = arith.index_cast %get3A_464 : i32 to index
      %get3A_466 = arith.index_cast %squeeze3A_463 : i32 to index
      %get3A_467 = tpu.vector_load %arg8[%get3A_465, %get3A_466] {strides = array<i32>} : memref<104x128xf32, #tpu.memory_space<vmem>>, vector<1x16xf32>,
      %get3A_468 = vector.shape_cast %get3A_467 : vector<1x16xf32> to vector<16xf32>
      %add3A_469 = arith.addf %add3A_461, %get3A_468 : vector<16xf32>
      %slice3A_470 = vector.extract_strided_slice %get3A_445 {offsets = [3], sizes = [1], strides = [1]} : vector<16xi32> to vector<1xi32>
      %squeeze3A_471 = vector.extract %slice3A_470[0] : i32 from vector<1xi32>
      %get3A_472 = arith.constant 51 : i32
      %get3A_473 = arith.index_cast %get3A_472 : i32 to index
      %get3A_474 = arith.index_cast %squeeze3A_471 : i32 to index
      %get3A_475 = tpu.vector_load %arg8[%get3A_473, %get3A_474] {strides = array<i32>} : memref<104x128xf32, #tpu.memory_space<vmem>>, vector<1x16xf32>,
      %get3A_476 = vector.shape_cast %get3A_475 : vector<1x16xf32> to vector<16xf32>
      %add3A_477 = arith.addf %add3A_469, %get3A_476 : vector<16xf32>
      %mul3A_478 = arith.constant 4 : i32
      %mul3A_479 = arith.muli %mul3A_16, %mul3A_478 : i32
      %add3A_480 = arith.constant 1 : i32
      %add3A_481 = arith.addi %mul3A_479, %add3A_480 : i32
      %shift_right_arithmetic3A_482 = arith.constant 3 : i32
      %shift_right_arithmetic3A_483 = arith.shrsi %add3A_481, %shift_right_arithmetic3A_482 : i32
      %and3A_484 = arith.constant 7 : i32
      %and3A_485 = arith.andi %add3A_481, %and3A_484 : i32
      %mul3A_486 = arith.constant 16 : i32
      %mul3A_487 = arith.muli %and3A_485, %mul3A_486 : i32
      %swap3A_488 = arith.index_cast %shift_right_arithmetic3A_483 : i32 to index
      %swap3A_489 = arith.index_cast %mul3A_487 : i32 to index
      %swap3A_490 = tpu.vector_load %arg10[%swap3A_488, %swap3A_489] {strides = array<i32>} : memref<64x128xf32, #tpu.memory_space<vmem>>, vector<1x16xf32>,
      %swap3A_491 = vector.shape_cast %swap3A_490 : vector<1x16xf32> to vector<16xf32>
      %swap3A_492 = vector.shape_cast %add3A_477 : vector<16xf32> to vector<1x16xf32>
      tpu.vector_store %arg10[%swap3A_488, %swap3A_489], %swap3A_492 {strides = array<i32>} : memref<64x128xf32, #tpu.memory_space<vmem>>, vector<1x16xf32>,
      %broadcast_in_dim3A_493 = arith.constant 0.000000e+00 : f32
      %broadcast_in_dim3A_494 = vector.broadcast %broadcast_in_dim3A_493 : f32 to vector<16xf32>
      %get3A_495 = arith.index_cast %mul3A_16 : i32 to index
      %get3A_496 = arith.constant 48 : index
      %get3A_497 = tpu.vector_load %arg7[%get3A_495, %get3A_496] {strides = array<i32>} : memref<128x128xi32, #tpu.memory_space<vmem>>, vector<1x16xi32>,
      %get3A_498 = vector.shape_cast %get3A_497 : vector<1x16xi32> to vector<16xi32>
      %slice3A_499 = vector.extract_strided_slice %get3A_498 {offsets = [4], sizes = [1], strides = [1]} : vector<16xi32> to vector<1xi32>
      %squeeze3A_500 = vector.extract %slice3A_499[0] : i32 from vector<1xi32>
      %get3A_501 = arith.constant 52 : i32
      %get3A_502 = arith.index_cast %get3A_501 : i32 to index
      %get3A_503 = arith.index_cast %squeeze3A_500 : i32 to index
      %get3A_504 = tpu.vector_load %arg8[%get3A_502, %get3A_503] {strides = array<i32>} : memref<104x128xf32, #tpu.memory_space<vmem>>, vector<1x16xf32>,
      %get3A_505 = vector.shape_cast %get3A_504 : vector<1x16xf32> to vector<16xf32>
      %add3A_506 = arith.addf %broadcast_in_dim3A_494, %get3A_505 : vector<16xf32>
      %slice3A_507 = vector.extract_strided_slice %get3A_498 {offsets = [5], sizes = [1], strides = [1]} : vector<16xi32> to vector<1xi32>
      %squeeze3A_508 = vector.extract %slice3A_507[0] : i32 from vector<1xi32>
      %get3A_509 = arith.constant 53 : i32
      %get3A_510 = arith.index_cast %get3A_509 : i32 to index
      %get3A_511 = arith.index_cast %squeeze3A_508 : i32 to index
      %get3A_512 = tpu.vector_load %arg8[%get3A_510, %get3A_511] {strides = array<i32>} : memref<104x128xf32, #tpu.memory_space<vmem>>, vector<1x16xf32>,
      %get3A_513 = vector.shape_cast %get3A_512 : vector<1x16xf32> to vector<16xf32>
      %add3A_514 = arith.addf %add3A_506, %get3A_513 : vector<16xf32>
      %slice3A_515 = vector.extract_strided_slice %get3A_498 {offsets = [6], sizes = [1], strides = [1]} : vector<16xi32> to vector<1xi32>
      %squeeze3A_516 = vector.extract %slice3A_515[0] : i32 from vector<1xi32>
      %get3A_517 = arith.constant 54 : i32
      %get3A_518 = arith.index_cast %get3A_517 : i32 to index
      %get3A_519 = arith.index_cast %squeeze3A_516 : i32 to index
      %get3A_520 = tpu.vector_load %arg8[%get3A_518, %get3A_519] {strides = array<i32>} : memref<104x128xf32, #tpu.memory_space<vmem>>, vector<1x16xf32>,
      %get3A_521 = vector.shape_cast %get3A_520 : vector<1x16xf32> to vector<16xf32>
      %add3A_522 = arith.addf %add3A_514, %get3A_521 : vector<16xf32>
      %slice3A_523 = vector.extract_strided_slice %get3A_498 {offsets = [7], sizes = [1], strides = [1]} : vector<16xi32> to vector<1xi32>
      %squeeze3A_524 = vector.extract %slice3A_523[0] : i32 from vector<1xi32>
      %get3A_525 = arith.constant 55 : i32
      %get3A_526 = arith.index_cast %get3A_525 : i32 to index
      %get3A_527 = arith.index_cast %squeeze3A_524 : i32 to index
      %get3A_528 = tpu.vector_load %arg8[%get3A_526, %get3A_527] {strides = array<i32>} : memref<104x128xf32, #tpu.memory_space<vmem>>, vector<1x16xf32>,
      %get3A_529 = vector.shape_cast %get3A_528 : vector<1x16xf32> to vector<16xf32>
      %add3A_530 = arith.addf %add3A_522, %get3A_529 : vector<16xf32>
      %slice3A_531 = vector.extract_strided_slice %get3A_498 {offsets = [8], sizes = [1], strides = [1]} : vector<16xi32> to vector<1xi32>
      %squeeze3A_532 = vector.extract %slice3A_531[0] : i32 from vector<1xi32>
      %get3A_533 = arith.constant 56 : i32
      %get3A_534 = arith.index_cast %get3A_533 : i32 to index
      %get3A_535 = arith.index_cast %squeeze3A_532 : i32 to index
      %get3A_536 = tpu.vector_load %arg8[%get3A_534, %get3A_535] {strides = array<i32>} : memref<104x128xf32, #tpu.memory_space<vmem>>, vector<1x16xf32>,
      %get3A_537 = vector.shape_cast %get3A_536 : vector<1x16xf32> to vector<16xf32>
      %add3A_538 = arith.addf %add3A_530, %get3A_537 : vector<16xf32>
      %slice3A_539 = vector.extract_strided_slice %get3A_498 {offsets = [9], sizes = [1], strides = [1]} : vector<16xi32> to vector<1xi32>
      %squeeze3A_540 = vector.extract %slice3A_539[0] : i32 from vector<1xi32>
      %get3A_541 = arith.constant 57 : i32
      %get3A_542 = arith.index_cast %get3A_541 : i32 to index
      %get3A_543 = arith.index_cast %squeeze3A_540 : i32 to index
      %get3A_544 = tpu.vector_load %arg8[%get3A_542, %get3A_543] {strides = array<i32>} : memref<104x128xf32, #tpu.memory_space<vmem>>, vector<1x16xf32>,
      %get3A_545 = vector.shape_cast %get3A_544 : vector<1x16xf32> to vector<16xf32>
      %add3A_546 = arith.addf %add3A_538, %get3A_545 : vector<16xf32>
      %slice3A_547 = vector.extract_strided_slice %get3A_498 {offsets = [10], sizes = [1], strides = [1]} : vector<16xi32> to vector<1xi32>
      %squeeze3A_548 = vector.extract %slice3A_547[0] : i32 from vector<1xi32>
      %get3A_549 = arith.constant 58 : i32
      %get3A_550 = arith.index_cast %get3A_549 : i32 to index
      %get3A_551 = arith.index_cast %squeeze3A_548 : i32 to index
      %get3A_552 = tpu.vector_load %arg8[%get3A_550, %get3A_551] {strides = array<i32>} : memref<104x128xf32, #tpu.memory_space<vmem>>, vector<1x16xf32>,
      %get3A_553 = vector.shape_cast %get3A_552 : vector<1x16xf32> to vector<16xf32>
      %add3A_554 = arith.addf %add3A_546, %get3A_553 : vector<16xf32>
      %slice3A_555 = vector.extract_strided_slice %get3A_498 {offsets = [11], sizes = [1], strides = [1]} : vector<16xi32> to vector<1xi32>
      %squeeze3A_556 = vector.extract %slice3A_555[0] : i32 from vector<1xi32>
      %get3A_557 = arith.constant 59 : i32
      %get3A_558 = arith.index_cast %get3A_557 : i32 to index
      %get3A_559 = arith.index_cast %squeeze3A_556 : i32 to index
      %get3A_560 = tpu.vector_load %arg8[%get3A_558, %get3A_559] {strides = array<i32>} : memref<104x128xf32, #tpu.memory_space<vmem>>, vector<1x16xf32>,
      %get3A_561 = vector.shape_cast %get3A_560 : vector<1x16xf32> to vector<16xf32>
      %add3A_562 = arith.addf %add3A_554, %get3A_561 : vector<16xf32>
      %slice3A_563 = vector.extract_strided_slice %get3A_498 {offsets = [12], sizes = [1], strides = [1]} : vector<16xi32> to vector<1xi32>
      %squeeze3A_564 = vector.extract %slice3A_563[0] : i32 from vector<1xi32>
      %get3A_565 = arith.constant 60 : i32
      %get3A_566 = arith.index_cast %get3A_565 : i32 to index
      %get3A_567 = arith.index_cast %squeeze3A_564 : i32 to index
      %get3A_568 = tpu.vector_load %arg8[%get3A_566, %get3A_567] {strides = array<i32>} : memref<104x128xf32, #tpu.memory_space<vmem>>, vector<1x16xf32>,
      %get3A_569 = vector.shape_cast %get3A_568 : vector<1x16xf32> to vector<16xf32>
      %add3A_570 = arith.addf %add3A_562, %get3A_569 : vector<16xf32>
      %slice3A_571 = vector.extract_strided_slice %get3A_498 {offsets = [13], sizes = [1], strides = [1]} : vector<16xi32> to vector<1xi32>
      %squeeze3A_572 = vector.extract %slice3A_571[0] : i32 from vector<1xi32>
      %get3A_573 = arith.constant 61 : i32
      %get3A_574 = arith.index_cast %get3A_573 : i32 to index
      %get3A_575 = arith.index_cast %squeeze3A_572 : i32 to index
      %get3A_576 = tpu.vector_load %arg8[%get3A_574, %get3A_575] {strides = array<i32>} : memref<104x128xf32, #tpu.memory_space<vmem>>, vector<1x16xf32>,
      %get3A_577 = vector.shape_cast %get3A_576 : vector<1x16xf32> to vector<16xf32>
      %add3A_578 = arith.addf %add3A_570, %get3A_577 : vector<16xf32>
      %slice3A_579 = vector.extract_strided_slice %get3A_498 {offsets = [14], sizes = [1], strides = [1]} : vector<16xi32> to vector<1xi32>
      %squeeze3A_580 = vector.extract %slice3A_579[0] : i32 from vector<1xi32>
      %get3A_581 = arith.constant 62 : i32
      %get3A_582 = arith.index_cast %get3A_581 : i32 to index
      %get3A_583 = arith.index_cast %squeeze3A_580 : i32 to index
      %get3A_584 = tpu.vector_load %arg8[%get3A_582, %get3A_583] {strides = array<i32>} : memref<104x128xf32, #tpu.memory_space<vmem>>, vector<1x16xf32>,
      %get3A_585 = vector.shape_cast %get3A_584 : vector<1x16xf32> to vector<16xf32>
      %add3A_586 = arith.addf %add3A_578, %get3A_585 : vector<16xf32>
      %slice3A_587 = vector.extract_strided_slice %get3A_498 {offsets = [15], sizes = [1], strides = [1]} : vector<16xi32> to vector<1xi32>
      %squeeze3A_588 = vector.extract %slice3A_587[0] : i32 from vector<1xi32>
      %get3A_589 = arith.constant 63 : i32
      %get3A_590 = arith.index_cast %get3A_589 : i32 to index
      %get3A_591 = arith.index_cast %squeeze3A_588 : i32 to index
      %get3A_592 = tpu.vector_load %arg8[%get3A_590, %get3A_591] {strides = array<i32>} : memref<104x128xf32, #tpu.memory_space<vmem>>, vector<1x16xf32>,
      %get3A_593 = vector.shape_cast %get3A_592 : vector<1x16xf32> to vector<16xf32>
      %add3A_594 = arith.addf %add3A_586, %get3A_593 : vector<16xf32>
      %get3A_595 = arith.index_cast %mul3A_16 : i32 to index
      %get3A_596 = arith.constant 64 : index
      %get3A_597 = tpu.vector_load %arg7[%get3A_595, %get3A_596] {strides = array<i32>} : memref<128x128xi32, #tpu.memory_space<vmem>>, vector<1x16xi32>,
      %get3A_598 = vector.shape_cast %get3A_597 : vector<1x16xi32> to vector<16xi32>
      %slice3A_599 = vector.extract_strided_slice %get3A_598 {offsets = [0], sizes = [1], strides = [1]} : vector<16xi32> to vector<1xi32>
      %squeeze3A_600 = vector.extract %slice3A_599[0] : i32 from vector<1xi32>
      %get3A_601 = arith.constant 64 : i32
      %get3A_602 = arith.index_cast %get3A_601 : i32 to index
      %get3A_603 = arith.index_cast %squeeze3A_600 : i32 to index
      %get3A_604 = tpu.vector_load %arg8[%get3A_602, %get3A_603] {strides = array<i32>} : memref<104x128xf32, #tpu.memory_space<vmem>>, vector<1x16xf32>,
      %get3A_605 = vector.shape_cast %get3A_604 : vector<1x16xf32> to vector<16xf32>
      %add3A_606 = arith.addf %add3A_594, %get3A_605 : vector<16xf32>
      %slice3A_607 = vector.extract_strided_slice %get3A_598 {offsets = [1], sizes = [1], strides = [1]} : vector<16xi32> to vector<1xi32>
      %squeeze3A_608 = vector.extract %slice3A_607[0] : i32 from vector<1xi32>
      %get3A_609 = arith.constant 65 : i32
      %get3A_610 = arith.index_cast %get3A_609 : i32 to index
      %get3A_611 = arith.index_cast %squeeze3A_608 : i32 to index
      %get3A_612 = tpu.vector_load %arg8[%get3A_610, %get3A_611] {strides = array<i32>} : memref<104x128xf32, #tpu.memory_space<vmem>>, vector<1x16xf32>,
      %get3A_613 = vector.shape_cast %get3A_612 : vector<1x16xf32> to vector<16xf32>
      %add3A_614 = arith.addf %add3A_606, %get3A_613 : vector<16xf32>
      %slice3A_615 = vector.extract_strided_slice %get3A_598 {offsets = [2], sizes = [1], strides = [1]} : vector<16xi32> to vector<1xi32>
      %squeeze3A_616 = vector.extract %slice3A_615[0] : i32 from vector<1xi32>
      %get3A_617 = arith.constant 66 : i32
      %get3A_618 = arith.index_cast %get3A_617 : i32 to index
      %get3A_619 = arith.index_cast %squeeze3A_616 : i32 to index
      %get3A_620 = tpu.vector_load %arg8[%get3A_618, %get3A_619] {strides = array<i32>} : memref<104x128xf32, #tpu.memory_space<vmem>>, vector<1x16xf32>,
      %get3A_621 = vector.shape_cast %get3A_620 : vector<1x16xf32> to vector<16xf32>
      %add3A_622 = arith.addf %add3A_614, %get3A_621 : vector<16xf32>
      %slice3A_623 = vector.extract_strided_slice %get3A_598 {offsets = [3], sizes = [1], strides = [1]} : vector<16xi32> to vector<1xi32>
      %squeeze3A_624 = vector.extract %slice3A_623[0] : i32 from vector<1xi32>
      %get3A_625 = arith.constant 67 : i32
      %get3A_626 = arith.index_cast %get3A_625 : i32 to index
      %get3A_627 = arith.index_cast %squeeze3A_624 : i32 to index
      %get3A_628 = tpu.vector_load %arg8[%get3A_626, %get3A_627] {strides = array<i32>} : memref<104x128xf32, #tpu.memory_space<vmem>>, vector<1x16xf32>,
      %get3A_629 = vector.shape_cast %get3A_628 : vector<1x16xf32> to vector<16xf32>
      %add3A_630 = arith.addf %add3A_622, %get3A_629 : vector<16xf32>
      %slice3A_631 = vector.extract_strided_slice %get3A_598 {offsets = [4], sizes = [1], strides = [1]} : vector<16xi32> to vector<1xi32>
      %squeeze3A_632 = vector.extract %slice3A_631[0] : i32 from vector<1xi32>
      %get3A_633 = arith.constant 68 : i32
      %get3A_634 = arith.index_cast %get3A_633 : i32 to index
      %get3A_635 = arith.index_cast %squeeze3A_632 : i32 to index
      %get3A_636 = tpu.vector_load %arg8[%get3A_634, %get3A_635] {strides = array<i32>} : memref<104x128xf32, #tpu.memory_space<vmem>>, vector<1x16xf32>,
      %get3A_637 = vector.shape_cast %get3A_636 : vector<1x16xf32> to vector<16xf32>
      %add3A_638 = arith.addf %add3A_630, %get3A_637 : vector<16xf32>
      %slice3A_639 = vector.extract_strided_slice %get3A_598 {offsets = [5], sizes = [1], strides = [1]} : vector<16xi32> to vector<1xi32>
      %squeeze3A_640 = vector.extract %slice3A_639[0] : i32 from vector<1xi32>
      %get3A_641 = arith.constant 69 : i32
      %get3A_642 = arith.index_cast %get3A_641 : i32 to index
      %get3A_643 = arith.index_cast %squeeze3A_640 : i32 to index
      %get3A_644 = tpu.vector_load %arg8[%get3A_642, %get3A_643] {strides = array<i32>} : memref<104x128xf32, #tpu.memory_space<vmem>>, vector<1x16xf32>,
      %get3A_645 = vector.shape_cast %get3A_644 : vector<1x16xf32> to vector<16xf32>
      %add3A_646 = arith.addf %add3A_638, %get3A_645 : vector<16xf32>
      %slice3A_647 = vector.extract_strided_slice %get3A_598 {offsets = [6], sizes = [1], strides = [1]} : vector<16xi32> to vector<1xi32>
      %squeeze3A_648 = vector.extract %slice3A_647[0] : i32 from vector<1xi32>
      %get3A_649 = arith.constant 70 : i32
      %get3A_650 = arith.index_cast %get3A_649 : i32 to index
      %get3A_651 = arith.index_cast %squeeze3A_648 : i32 to index
      %get3A_652 = tpu.vector_load %arg8[%get3A_650, %get3A_651] {strides = array<i32>} : memref<104x128xf32, #tpu.memory_space<vmem>>, vector<1x16xf32>,
      %get3A_653 = vector.shape_cast %get3A_652 : vector<1x16xf32> to vector<16xf32>
      %add3A_654 = arith.addf %add3A_646, %get3A_653 : vector<16xf32>
      %slice3A_655 = vector.extract_strided_slice %get3A_598 {offsets = [7], sizes = [1], strides = [1]} : vector<16xi32> to vector<1xi32>
      %squeeze3A_656 = vector.extract %slice3A_655[0] : i32 from vector<1xi32>
      %get3A_657 = arith.constant 71 : i32
      %get3A_658 = arith.index_cast %get3A_657 : i32 to index
      %get3A_659 = arith.index_cast %squeeze3A_656 : i32 to index
      %get3A_660 = tpu.vector_load %arg8[%get3A_658, %get3A_659] {strides = array<i32>} : memref<104x128xf32, #tpu.memory_space<vmem>>, vector<1x16xf32>,
      %get3A_661 = vector.shape_cast %get3A_660 : vector<1x16xf32> to vector<16xf32>
      %add3A_662 = arith.addf %add3A_654, %get3A_661 : vector<16xf32>
      %slice3A_663 = vector.extract_strided_slice %get3A_598 {offsets = [8], sizes = [1], strides = [1]} : vector<16xi32> to vector<1xi32>
      %squeeze3A_664 = vector.extract %slice3A_663[0] : i32 from vector<1xi32>
      %get3A_665 = arith.constant 72 : i32
      %get3A_666 = arith.index_cast %get3A_665 : i32 to index
      %get3A_667 = arith.index_cast %squeeze3A_664 : i32 to index
      %get3A_668 = tpu.vector_load %arg8[%get3A_666, %get3A_667] {strides = array<i32>} : memref<104x128xf32, #tpu.memory_space<vmem>>, vector<1x16xf32>,
      %get3A_669 = vector.shape_cast %get3A_668 : vector<1x16xf32> to vector<16xf32>
      %add3A_670 = arith.addf %add3A_662, %get3A_669 : vector<16xf32>
      %slice3A_671 = vector.extract_strided_slice %get3A_598 {offsets = [9], sizes = [1], strides = [1]} : vector<16xi32> to vector<1xi32>
      %squeeze3A_672 = vector.extract %slice3A_671[0] : i32 from vector<1xi32>
      %get3A_673 = arith.constant 73 : i32
      %get3A_674 = arith.index_cast %get3A_673 : i32 to index
      %get3A_675 = arith.index_cast %squeeze3A_672 : i32 to index
      %get3A_676 = tpu.vector_load %arg8[%get3A_674, %get3A_675] {strides = array<i32>} : memref<104x128xf32, #tpu.memory_space<vmem>>, vector<1x16xf32>,
      %get3A_677 = vector.shape_cast %get3A_676 : vector<1x16xf32> to vector<16xf32>
      %add3A_678 = arith.addf %add3A_670, %get3A_677 : vector<16xf32>
      %slice3A_679 = vector.extract_strided_slice %get3A_598 {offsets = [10], sizes = [1], strides = [1]} : vector<16xi32> to vector<1xi32>
      %squeeze3A_680 = vector.extract %slice3A_679[0] : i32 from vector<1xi32>
      %get3A_681 = arith.constant 74 : i32
      %get3A_682 = arith.index_cast %get3A_681 : i32 to index
      %get3A_683 = arith.index_cast %squeeze3A_680 : i32 to index
      %get3A_684 = tpu.vector_load %arg8[%get3A_682, %get3A_683] {strides = array<i32>} : memref<104x128xf32, #tpu.memory_space<vmem>>, vector<1x16xf32>,
      %get3A_685 = vector.shape_cast %get3A_684 : vector<1x16xf32> to vector<16xf32>
      %add3A_686 = arith.addf %add3A_678, %get3A_685 : vector<16xf32>
      %slice3A_687 = vector.extract_strided_slice %get3A_598 {offsets = [11], sizes = [1], strides = [1]} : vector<16xi32> to vector<1xi32>
      %squeeze3A_688 = vector.extract %slice3A_687[0] : i32 from vector<1xi32>
      %get3A_689 = arith.constant 75 : i32
      %get3A_690 = arith.index_cast %get3A_689 : i32 to index
      %get3A_691 = arith.index_cast %squeeze3A_688 : i32 to index
      %get3A_692 = tpu.vector_load %arg8[%get3A_690, %get3A_691] {strides = array<i32>} : memref<104x128xf32, #tpu.memory_space<vmem>>, vector<1x16xf32>,
      %get3A_693 = vector.shape_cast %get3A_692 : vector<1x16xf32> to vector<16xf32>
      %add3A_694 = arith.addf %add3A_686, %get3A_693 : vector<16xf32>
      %slice3A_695 = vector.extract_strided_slice %get3A_598 {offsets = [12], sizes = [1], strides = [1]} : vector<16xi32> to vector<1xi32>
      %squeeze3A_696 = vector.extract %slice3A_695[0] : i32 from vector<1xi32>
      %get3A_697 = arith.constant 76 : i32
      %get3A_698 = arith.index_cast %get3A_697 : i32 to index
      %get3A_699 = arith.index_cast %squeeze3A_696 : i32 to index
      %get3A_700 = tpu.vector_load %arg8[%get3A_698, %get3A_699] {strides = array<i32>} : memref<104x128xf32, #tpu.memory_space<vmem>>, vector<1x16xf32>,
      %get3A_701 = vector.shape_cast %get3A_700 : vector<1x16xf32> to vector<16xf32>
      %add3A_702 = arith.addf %add3A_694, %get3A_701 : vector<16xf32>
      %slice3A_703 = vector.extract_strided_slice %get3A_598 {offsets = [13], sizes = [1], strides = [1]} : vector<16xi32> to vector<1xi32>
      %squeeze3A_704 = vector.extract %slice3A_703[0] : i32 from vector<1xi32>
      %get3A_705 = arith.constant 77 : i32
      %get3A_706 = arith.index_cast %get3A_705 : i32 to index
      %get3A_707 = arith.index_cast %squeeze3A_704 : i32 to index
      %get3A_708 = tpu.vector_load %arg8[%get3A_706, %get3A_707] {strides = array<i32>} : memref<104x128xf32, #tpu.memory_space<vmem>>, vector<1x16xf32>,
      %get3A_709 = vector.shape_cast %get3A_708 : vector<1x16xf32> to vector<16xf32>
      %add3A_710 = arith.addf %add3A_702, %get3A_709 : vector<16xf32>
      %mul3A_711 = arith.constant 4 : i32
      %mul3A_712 = arith.muli %mul3A_16, %mul3A_711 : i32
      %add3A_713 = arith.constant 2 : i32
      %add3A_714 = arith.addi %mul3A_712, %add3A_713 : i32
      %shift_right_arithmetic3A_715 = arith.constant 3 : i32
      %shift_right_arithmetic3A_716 = arith.shrsi %add3A_714, %shift_right_arithmetic3A_715 : i32
      %and3A_717 = arith.constant 7 : i32
      %and3A_718 = arith.andi %add3A_714, %and3A_717 : i32
      %mul3A_719 = arith.constant 16 : i32
      %mul3A_720 = arith.muli %and3A_718, %mul3A_719 : i32
      %swap3A_721 = arith.index_cast %shift_right_arithmetic3A_716 : i32 to index
      %swap3A_722 = arith.index_cast %mul3A_720 : i32 to index
      %swap3A_723 = tpu.vector_load %arg10[%swap3A_721, %swap3A_722] {strides = array<i32>} : memref<64x128xf32, #tpu.memory_space<vmem>>, vector<1x16xf32>,
      %swap3A_724 = vector.shape_cast %swap3A_723 : vector<1x16xf32> to vector<16xf32>
      %swap3A_725 = vector.shape_cast %add3A_710 : vector<16xf32> to vector<1x16xf32>
      tpu.vector_store %arg10[%swap3A_721, %swap3A_722], %swap3A_725 {strides = array<i32>} : memref<64x128xf32, #tpu.memory_space<vmem>>, vector<1x16xf32>,
      %broadcast_in_dim3A_726 = arith.constant 0.000000e+00 : f32
      %broadcast_in_dim3A_727 = vector.broadcast %broadcast_in_dim3A_726 : f32 to vector<16xf32>
      %get3A_728 = arith.index_cast %mul3A_16 : i32 to index
      %get3A_729 = arith.constant 64 : index
      %get3A_730 = tpu.vector_load %arg7[%get3A_728, %get3A_729] {strides = array<i32>} : memref<128x128xi32, #tpu.memory_space<vmem>>, vector<1x16xi32>,
      %get3A_731 = vector.shape_cast %get3A_730 : vector<1x16xi32> to vector<16xi32>
      %slice3A_732 = vector.extract_strided_slice %get3A_731 {offsets = [14], sizes = [1], strides = [1]} : vector<16xi32> to vector<1xi32>
      %squeeze3A_733 = vector.extract %slice3A_732[0] : i32 from vector<1xi32>
      %get3A_734 = arith.constant 78 : i32
      %get3A_735 = arith.index_cast %get3A_734 : i32 to index
      %get3A_736 = arith.index_cast %squeeze3A_733 : i32 to index
      %get3A_737 = tpu.vector_load %arg8[%get3A_735, %get3A_736] {strides = array<i32>} : memref<104x128xf32, #tpu.memory_space<vmem>>, vector<1x16xf32>,
      %get3A_738 = vector.shape_cast %get3A_737 : vector<1x16xf32> to vector<16xf32>
      %add3A_739 = arith.addf %broadcast_in_dim3A_727, %get3A_738 : vector<16xf32>
      %slice3A_740 = vector.extract_strided_slice %get3A_731 {offsets = [15], sizes = [1], strides = [1]} : vector<16xi32> to vector<1xi32>
      %squeeze3A_741 = vector.extract %slice3A_740[0] : i32 from vector<1xi32>
      %get3A_742 = arith.constant 79 : i32
      %get3A_743 = arith.index_cast %get3A_742 : i32 to index
      %get3A_744 = arith.index_cast %squeeze3A_741 : i32 to index
      %get3A_745 = tpu.vector_load %arg8[%get3A_743, %get3A_744] {strides = array<i32>} : memref<104x128xf32, #tpu.memory_space<vmem>>, vector<1x16xf32>,
      %get3A_746 = vector.shape_cast %get3A_745 : vector<1x16xf32> to vector<16xf32>
      %add3A_747 = arith.addf %add3A_739, %get3A_746 : vector<16xf32>
      %get3A_748 = arith.index_cast %mul3A_16 : i32 to index
      %get3A_749 = arith.constant 80 : index
      %get3A_750 = tpu.vector_load %arg7[%get3A_748, %get3A_749] {strides = array<i32>} : memref<128x128xi32, #tpu.memory_space<vmem>>, vector<1x16xi32>,
      %get3A_751 = vector.shape_cast %get3A_750 : vector<1x16xi32> to vector<16xi32>
      %slice3A_752 = vector.extract_strided_slice %get3A_751 {offsets = [0], sizes = [1], strides = [1]} : vector<16xi32> to vector<1xi32>
      %squeeze3A_753 = vector.extract %slice3A_752[0] : i32 from vector<1xi32>
      %get3A_754 = arith.constant 80 : i32
      %get3A_755 = arith.index_cast %get3A_754 : i32 to index
      %get3A_756 = arith.index_cast %squeeze3A_753 : i32 to index
      %get3A_757 = tpu.vector_load %arg8[%get3A_755, %get3A_756] {strides = array<i32>} : memref<104x128xf32, #tpu.memory_space<vmem>>, vector<1x16xf32>,
      %get3A_758 = vector.shape_cast %get3A_757 : vector<1x16xf32> to vector<16xf32>
      %add3A_759 = arith.addf %add3A_747, %get3A_758 : vector<16xf32>
      %slice3A_760 = vector.extract_strided_slice %get3A_751 {offsets = [1], sizes = [1], strides = [1]} : vector<16xi32> to vector<1xi32>
      %squeeze3A_761 = vector.extract %slice3A_760[0] : i32 from vector<1xi32>
      %get3A_762 = arith.constant 81 : i32
      %get3A_763 = arith.index_cast %get3A_762 : i32 to index
      %get3A_764 = arith.index_cast %squeeze3A_761 : i32 to index
      %get3A_765 = tpu.vector_load %arg8[%get3A_763, %get3A_764] {strides = array<i32>} : memref<104x128xf32, #tpu.memory_space<vmem>>, vector<1x16xf32>,
      %get3A_766 = vector.shape_cast %get3A_765 : vector<1x16xf32> to vector<16xf32>
      %add3A_767 = arith.addf %add3A_759, %get3A_766 : vector<16xf32>
      %slice3A_768 = vector.extract_strided_slice %get3A_751 {offsets = [2], sizes = [1], strides = [1]} : vector<16xi32> to vector<1xi32>
      %squeeze3A_769 = vector.extract %slice3A_768[0] : i32 from vector<1xi32>
      %get3A_770 = arith.constant 82 : i32
      %get3A_771 = arith.index_cast %get3A_770 : i32 to index
      %get3A_772 = arith.index_cast %squeeze3A_769 : i32 to index
      %get3A_773 = tpu.vector_load %arg8[%get3A_771, %get3A_772] {strides = array<i32>} : memref<104x128xf32, #tpu.memory_space<vmem>>, vector<1x16xf32>,
      %get3A_774 = vector.shape_cast %get3A_773 : vector<1x16xf32> to vector<16xf32>
      %add3A_775 = arith.addf %add3A_767, %get3A_774 : vector<16xf32>
      %slice3A_776 = vector.extract_strided_slice %get3A_751 {offsets = [3], sizes = [1], strides = [1]} : vector<16xi32> to vector<1xi32>
      %squeeze3A_777 = vector.extract %slice3A_776[0] : i32 from vector<1xi32>
      %get3A_778 = arith.constant 83 : i32
      %get3A_779 = arith.index_cast %get3A_778 : i32 to index
      %get3A_780 = arith.index_cast %squeeze3A_777 : i32 to index
      %get3A_781 = tpu.vector_load %arg8[%get3A_779, %get3A_780] {strides = array<i32>} : memref<104x128xf32, #tpu.memory_space<vmem>>, vector<1x16xf32>,
      %get3A_782 = vector.shape_cast %get3A_781 : vector<1x16xf32> to vector<16xf32>
      %add3A_783 = arith.addf %add3A_775, %get3A_782 : vector<16xf32>
      %slice3A_784 = vector.extract_strided_slice %get3A_751 {offsets = [4], sizes = [1], strides = [1]} : vector<16xi32> to vector<1xi32>
      %squeeze3A_785 = vector.extract %slice3A_784[0] : i32 from vector<1xi32>
      %get3A_786 = arith.constant 84 : i32
      %get3A_787 = arith.index_cast %get3A_786 : i32 to index
      %get3A_788 = arith.index_cast %squeeze3A_785 : i32 to index
      %get3A_789 = tpu.vector_load %arg8[%get3A_787, %get3A_788] {strides = array<i32>} : memref<104x128xf32, #tpu.memory_space<vmem>>, vector<1x16xf32>,
      %get3A_790 = vector.shape_cast %get3A_789 : vector<1x16xf32> to vector<16xf32>
      %add3A_791 = arith.addf %add3A_783, %get3A_790 : vector<16xf32>
      %slice3A_792 = vector.extract_strided_slice %get3A_751 {offsets = [5], sizes = [1], strides = [1]} : vector<16xi32> to vector<1xi32>
      %squeeze3A_793 = vector.extract %slice3A_792[0] : i32 from vector<1xi32>
      %get3A_794 = arith.constant 85 : i32
      %get3A_795 = arith.index_cast %get3A_794 : i32 to index
      %get3A_796 = arith.index_cast %squeeze3A_793 : i32 to index
      %get3A_797 = tpu.vector_load %arg8[%get3A_795, %get3A_796] {strides = array<i32>} : memref<104x128xf32, #tpu.memory_space<vmem>>, vector<1x16xf32>,
      %get3A_798 = vector.shape_cast %get3A_797 : vector<1x16xf32> to vector<16xf32>
      %add3A_799 = arith.addf %add3A_791, %get3A_798 : vector<16xf32>
      %slice3A_800 = vector.extract_strided_slice %get3A_751 {offsets = [6], sizes = [1], strides = [1]} : vector<16xi32> to vector<1xi32>
      %squeeze3A_801 = vector.extract %slice3A_800[0] : i32 from vector<1xi32>
      %get3A_802 = arith.constant 86 : i32
      %get3A_803 = arith.index_cast %get3A_802 : i32 to index
      %get3A_804 = arith.index_cast %squeeze3A_801 : i32 to index
      %get3A_805 = tpu.vector_load %arg8[%get3A_803, %get3A_804] {strides = array<i32>} : memref<104x128xf32, #tpu.memory_space<vmem>>, vector<1x16xf32>,
      %get3A_806 = vector.shape_cast %get3A_805 : vector<1x16xf32> to vector<16xf32>
      %add3A_807 = arith.addf %add3A_799, %get3A_806 : vector<16xf32>
      %slice3A_808 = vector.extract_strided_slice %get3A_751 {offsets = [7], sizes = [1], strides = [1]} : vector<16xi32> to vector<1xi32>
      %squeeze3A_809 = vector.extract %slice3A_808[0] : i32 from vector<1xi32>
      %get3A_810 = arith.constant 87 : i32
      %get3A_811 = arith.index_cast %get3A_810 : i32 to index
      %get3A_812 = arith.index_cast %squeeze3A_809 : i32 to index
      %get3A_813 = tpu.vector_load %arg8[%get3A_811, %get3A_812] {strides = array<i32>} : memref<104x128xf32, #tpu.memory_space<vmem>>, vector<1x16xf32>,
      %get3A_814 = vector.shape_cast %get3A_813 : vector<1x16xf32> to vector<16xf32>
      %add3A_815 = arith.addf %add3A_807, %get3A_814 : vector<16xf32>
      %slice3A_816 = vector.extract_strided_slice %get3A_751 {offsets = [8], sizes = [1], strides = [1]} : vector<16xi32> to vector<1xi32>
      %squeeze3A_817 = vector.extract %slice3A_816[0] : i32 from vector<1xi32>
      %get3A_818 = arith.constant 88 : i32
      %get3A_819 = arith.index_cast %get3A_818 : i32 to index
      %get3A_820 = arith.index_cast %squeeze3A_817 : i32 to index
      %get3A_821 = tpu.vector_load %arg8[%get3A_819, %get3A_820] {strides = array<i32>} : memref<104x128xf32, #tpu.memory_space<vmem>>, vector<1x16xf32>,
      %get3A_822 = vector.shape_cast %get3A_821 : vector<1x16xf32> to vector<16xf32>
      %add3A_823 = arith.addf %add3A_815, %get3A_822 : vector<16xf32>
      %slice3A_824 = vector.extract_strided_slice %get3A_751 {offsets = [9], sizes = [1], strides = [1]} : vector<16xi32> to vector<1xi32>
      %squeeze3A_825 = vector.extract %slice3A_824[0] : i32 from vector<1xi32>
      %get3A_826 = arith.constant 89 : i32
      %get3A_827 = arith.index_cast %get3A_826 : i32 to index
      %get3A_828 = arith.index_cast %squeeze3A_825 : i32 to index
      %get3A_829 = tpu.vector_load %arg8[%get3A_827, %get3A_828] {strides = array<i32>} : memref<104x128xf32, #tpu.memory_space<vmem>>, vector<1x16xf32>,
      %get3A_830 = vector.shape_cast %get3A_829 : vector<1x16xf32> to vector<16xf32>
      %add3A_831 = arith.addf %add3A_823, %get3A_830 : vector<16xf32>
      %slice3A_832 = vector.extract_strided_slice %get3A_751 {offsets = [10], sizes = [1], strides = [1]} : vector<16xi32> to vector<1xi32>
      %squeeze3A_833 = vector.extract %slice3A_832[0] : i32 from vector<1xi32>
      %get3A_834 = arith.constant 90 : i32
      %get3A_835 = arith.index_cast %get3A_834 : i32 to index
      %get3A_836 = arith.index_cast %squeeze3A_833 : i32 to index
      %get3A_837 = tpu.vector_load %arg8[%get3A_835, %get3A_836] {strides = array<i32>} : memref<104x128xf32, #tpu.memory_space<vmem>>, vector<1x16xf32>,
      %get3A_838 = vector.shape_cast %get3A_837 : vector<1x16xf32> to vector<16xf32>
      %add3A_839 = arith.addf %add3A_831, %get3A_838 : vector<16xf32>
      %slice3A_840 = vector.extract_strided_slice %get3A_751 {offsets = [11], sizes = [1], strides = [1]} : vector<16xi32> to vector<1xi32>
      %squeeze3A_841 = vector.extract %slice3A_840[0] : i32 from vector<1xi32>
      %get3A_842 = arith.constant 91 : i32
      %get3A_843 = arith.index_cast %get3A_842 : i32 to index
      %get3A_844 = arith.index_cast %squeeze3A_841 : i32 to index
      %get3A_845 = tpu.vector_load %arg8[%get3A_843, %get3A_844] {strides = array<i32>} : memref<104x128xf32, #tpu.memory_space<vmem>>, vector<1x16xf32>,
      %get3A_846 = vector.shape_cast %get3A_845 : vector<1x16xf32> to vector<16xf32>
      %add3A_847 = arith.addf %add3A_839, %get3A_846 : vector<16xf32>
      %slice3A_848 = vector.extract_strided_slice %get3A_751 {offsets = [12], sizes = [1], strides = [1]} : vector<16xi32> to vector<1xi32>
      %squeeze3A_849 = vector.extract %slice3A_848[0] : i32 from vector<1xi32>
      %get3A_850 = arith.constant 92 : i32
      %get3A_851 = arith.index_cast %get3A_850 : i32 to index
      %get3A_852 = arith.index_cast %squeeze3A_849 : i32 to index
      %get3A_853 = tpu.vector_load %arg8[%get3A_851, %get3A_852] {strides = array<i32>} : memref<104x128xf32, #tpu.memory_space<vmem>>, vector<1x16xf32>,
      %get3A_854 = vector.shape_cast %get3A_853 : vector<1x16xf32> to vector<16xf32>
      %add3A_855 = arith.addf %add3A_847, %get3A_854 : vector<16xf32>
      %slice3A_856 = vector.extract_strided_slice %get3A_751 {offsets = [13], sizes = [1], strides = [1]} : vector<16xi32> to vector<1xi32>
      %squeeze3A_857 = vector.extract %slice3A_856[0] : i32 from vector<1xi32>
      %get3A_858 = arith.constant 93 : i32
      %get3A_859 = arith.index_cast %get3A_858 : i32 to index
      %get3A_860 = arith.index_cast %squeeze3A_857 : i32 to index
      %get3A_861 = tpu.vector_load %arg8[%get3A_859, %get3A_860] {strides = array<i32>} : memref<104x128xf32, #tpu.memory_space<vmem>>, vector<1x16xf32>,
      %get3A_862 = vector.shape_cast %get3A_861 : vector<1x16xf32> to vector<16xf32>
      %add3A_863 = arith.addf %add3A_855, %get3A_862 : vector<16xf32>
      %slice3A_864 = vector.extract_strided_slice %get3A_751 {offsets = [14], sizes = [1], strides = [1]} : vector<16xi32> to vector<1xi32>
      %squeeze3A_865 = vector.extract %slice3A_864[0] : i32 from vector<1xi32>
      %get3A_866 = arith.constant 94 : i32
      %get3A_867 = arith.index_cast %get3A_866 : i32 to index
      %get3A_868 = arith.index_cast %squeeze3A_865 : i32 to index
      %get3A_869 = tpu.vector_load %arg8[%get3A_867, %get3A_868] {strides = array<i32>} : memref<104x128xf32, #tpu.memory_space<vmem>>, vector<1x16xf32>,
      %get3A_870 = vector.shape_cast %get3A_869 : vector<1x16xf32> to vector<16xf32>
      %add3A_871 = arith.addf %add3A_863, %get3A_870 : vector<16xf32>
      %slice3A_872 = vector.extract_strided_slice %get3A_751 {offsets = [15], sizes = [1], strides = [1]} : vector<16xi32> to vector<1xi32>
      %squeeze3A_873 = vector.extract %slice3A_872[0] : i32 from vector<1xi32>
      %get3A_874 = arith.constant 95 : i32
      %get3A_875 = arith.index_cast %get3A_874 : i32 to index
      %get3A_876 = arith.index_cast %squeeze3A_873 : i32 to index
      %get3A_877 = tpu.vector_load %arg8[%get3A_875, %get3A_876] {strides = array<i32>} : memref<104x128xf32, #tpu.memory_space<vmem>>, vector<1x16xf32>,
      %get3A_878 = vector.shape_cast %get3A_877 : vector<1x16xf32> to vector<16xf32>
      %add3A_879 = arith.addf %add3A_871, %get3A_878 : vector<16xf32>
      %get3A_880 = arith.index_cast %mul3A_16 : i32 to index
      %get3A_881 = arith.constant 96 : index
      %get3A_882 = tpu.vector_load %arg7[%get3A_880, %get3A_881] {strides = array<i32>} : memref<128x128xi32, #tpu.memory_space<vmem>>, vector<1x16xi32>,
      %get3A_883 = vector.shape_cast %get3A_882 : vector<1x16xi32> to vector<16xi32>
      %slice3A_884 = vector.extract_strided_slice %get3A_883 {offsets = [0], sizes = [1], strides = [1]} : vector<16xi32> to vector<1xi32>
      %squeeze3A_885 = vector.extract %slice3A_884[0] : i32 from vector<1xi32>
      %get3A_886 = arith.constant 96 : i32
      %get3A_887 = arith.index_cast %get3A_886 : i32 to index
      %get3A_888 = arith.index_cast %squeeze3A_885 : i32 to index
      %get3A_889 = tpu.vector_load %arg8[%get3A_887, %get3A_888] {strides = array<i32>} : memref<104x128xf32, #tpu.memory_space<vmem>>, vector<1x16xf32>,
      %get3A_890 = vector.shape_cast %get3A_889 : vector<1x16xf32> to vector<16xf32>
      %add3A_891 = arith.addf %add3A_879, %get3A_890 : vector<16xf32>
      %slice3A_892 = vector.extract_strided_slice %get3A_883 {offsets = [1], sizes = [1], strides = [1]} : vector<16xi32> to vector<1xi32>
      %squeeze3A_893 = vector.extract %slice3A_892[0] : i32 from vector<1xi32>
      %get3A_894 = arith.constant 97 : i32
      %get3A_895 = arith.index_cast %get3A_894 : i32 to index
      %get3A_896 = arith.index_cast %squeeze3A_893 : i32 to index
      %get3A_897 = tpu.vector_load %arg8[%get3A_895, %get3A_896] {strides = array<i32>} : memref<104x128xf32, #tpu.memory_space<vmem>>, vector<1x16xf32>,
      %get3A_898 = vector.shape_cast %get3A_897 : vector<1x16xf32> to vector<16xf32>
      %add3A_899 = arith.addf %add3A_891, %get3A_898 : vector<16xf32>
      %slice3A_900 = vector.extract_strided_slice %get3A_883 {offsets = [2], sizes = [1], strides = [1]} : vector<16xi32> to vector<1xi32>
      %squeeze3A_901 = vector.extract %slice3A_900[0] : i32 from vector<1xi32>
      %get3A_902 = arith.constant 98 : i32
      %get3A_903 = arith.index_cast %get3A_902 : i32 to index
      %get3A_904 = arith.index_cast %squeeze3A_901 : i32 to index
      %get3A_905 = tpu.vector_load %arg8[%get3A_903, %get3A_904] {strides = array<i32>} : memref<104x128xf32, #tpu.memory_space<vmem>>, vector<1x16xf32>,
      %get3A_906 = vector.shape_cast %get3A_905 : vector<1x16xf32> to vector<16xf32>
      %add3A_907 = arith.addf %add3A_899, %get3A_906 : vector<16xf32>
      %slice3A_908 = vector.extract_strided_slice %get3A_883 {offsets = [3], sizes = [1], strides = [1]} : vector<16xi32> to vector<1xi32>
      %squeeze3A_909 = vector.extract %slice3A_908[0] : i32 from vector<1xi32>
      %get3A_910 = arith.constant 99 : i32
      %get3A_911 = arith.index_cast %get3A_910 : i32 to index
      %get3A_912 = arith.index_cast %squeeze3A_909 : i32 to index
      %get3A_913 = tpu.vector_load %arg8[%get3A_911, %get3A_912] {strides = array<i32>} : memref<104x128xf32, #tpu.memory_space<vmem>>, vector<1x16xf32>,
      %get3A_914 = vector.shape_cast %get3A_913 : vector<1x16xf32> to vector<16xf32>
      %add3A_915 = arith.addf %add3A_907, %get3A_914 : vector<16xf32>
      %slice3A_916 = vector.extract_strided_slice %get3A_883 {offsets = [4], sizes = [1], strides = [1]} : vector<16xi32> to vector<1xi32>
      %squeeze3A_917 = vector.extract %slice3A_916[0] : i32 from vector<1xi32>
      %get3A_918 = arith.constant 100 : i32
      %get3A_919 = arith.index_cast %get3A_918 : i32 to index
      %get3A_920 = arith.index_cast %squeeze3A_917 : i32 to index
      %get3A_921 = tpu.vector_load %arg8[%get3A_919, %get3A_920] {strides = array<i32>} : memref<104x128xf32, #tpu.memory_space<vmem>>, vector<1x16xf32>,
      %get3A_922 = vector.shape_cast %get3A_921 : vector<1x16xf32> to vector<16xf32>
      %add3A_923 = arith.addf %add3A_915, %get3A_922 : vector<16xf32>
      %slice3A_924 = vector.extract_strided_slice %get3A_883 {offsets = [5], sizes = [1], strides = [1]} : vector<16xi32> to vector<1xi32>
      %squeeze3A_925 = vector.extract %slice3A_924[0] : i32 from vector<1xi32>
      %get3A_926 = arith.constant 101 : i32
      %get3A_927 = arith.index_cast %get3A_926 : i32 to index
      %get3A_928 = arith.index_cast %squeeze3A_925 : i32 to index
      %get3A_929 = tpu.vector_load %arg8[%get3A_927, %get3A_928] {strides = array<i32>} : memref<104x128xf32, #tpu.memory_space<vmem>>, vector<1x16xf32>,
      %get3A_930 = vector.shape_cast %get3A_929 : vector<1x16xf32> to vector<16xf32>
      %add3A_931 = arith.addf %add3A_923, %get3A_930 : vector<16xf32>
      %slice3A_932 = vector.extract_strided_slice %get3A_883 {offsets = [6], sizes = [1], strides = [1]} : vector<16xi32> to vector<1xi32>
      %squeeze3A_933 = vector.extract %slice3A_932[0] : i32 from vector<1xi32>
      %get3A_934 = arith.constant 102 : i32
      %get3A_935 = arith.index_cast %get3A_934 : i32 to index
      %get3A_936 = arith.index_cast %squeeze3A_933 : i32 to index
      %get3A_937 = tpu.vector_load %arg8[%get3A_935, %get3A_936] {strides = array<i32>} : memref<104x128xf32, #tpu.memory_space<vmem>>, vector<1x16xf32>,
      %get3A_938 = vector.shape_cast %get3A_937 : vector<1x16xf32> to vector<16xf32>
      %add3A_939 = arith.addf %add3A_931, %get3A_938 : vector<16xf32>
      %slice3A_940 = vector.extract_strided_slice %get3A_883 {offsets = [7], sizes = [1], strides = [1]} : vector<16xi32> to vector<1xi32>
      %squeeze3A_941 = vector.extract %slice3A_940[0] : i32 from vector<1xi32>
      %get3A_942 = arith.constant 103 : i32
      %get3A_943 = arith.index_cast %get3A_942 : i32 to index
      %get3A_944 = arith.index_cast %squeeze3A_941 : i32 to index
      %get3A_945 = tpu.vector_load %arg8[%get3A_943, %get3A_944] {strides = array<i32>} : memref<104x128xf32, #tpu.memory_space<vmem>>, vector<1x16xf32>,
      %get3A_946 = vector.shape_cast %get3A_945 : vector<1x16xf32> to vector<16xf32>
      %add3A_947 = arith.addf %add3A_939, %get3A_946 : vector<16xf32>
      %mul3A_948 = arith.constant 4 : i32
      %mul3A_949 = arith.muli %mul3A_16, %mul3A_948 : i32
      %add3A_950 = arith.constant 3 : i32
      %add3A_951 = arith.addi %mul3A_949, %add3A_950 : i32
      %shift_right_arithmetic3A_952 = arith.constant 3 : i32
      %shift_right_arithmetic3A_953 = arith.shrsi %add3A_951, %shift_right_arithmetic3A_952 : i32
      %and3A_954 = arith.constant 7 : i32
      %and3A_955 = arith.andi %add3A_951, %and3A_954 : i32
      %mul3A_956 = arith.constant 16 : i32
      %mul3A_957 = arith.muli %and3A_955, %mul3A_956 : i32
      %swap3A_958 = arith.index_cast %shift_right_arithmetic3A_953 : i32 to index
      %swap3A_959 = arith.index_cast %mul3A_957 : i32 to index
      %swap3A_960 = tpu.vector_load %arg10[%swap3A_958, %swap3A_959] {strides = array<i32>} : memref<64x128xf32, #tpu.memory_space<vmem>>, vector<1x16xf32>,
      %swap3A_961 = vector.shape_cast %swap3A_960 : vector<1x16xf32> to vector<16xf32>
      %swap3A_962 = vector.shape_cast %add3A_947 : vector<16xf32> to vector<1x16xf32>
      tpu.vector_store %arg10[%swap3A_958, %swap3A_959], %swap3A_962 {strides = array<i32>} : memref<64x128xf32, #tpu.memory_space<vmem>>, vector<1x16xf32>,
      %lt3A = arith.constant 63 : i32
      %lt3A_963 = arith.cmpi slt, %scan3A_14, %lt3A : i32
      %convert_element_type3A = arith.extui %lt3A_963 : i1 to i32
      %cond3A = arith.constant 0 : i32
      %cond3A_964 = arith.cmpi ne, %convert_element_type3A, %cond3A : i32
      scf.if %cond3A_964 {
        %add3A_1915 = arith.constant 2 : i32
        %add3A_1916 = arith.addi %mul3A_16, %add3A_1915 : i32
        %dma_start3A_1917 = arith.constant 0 : i32
        %dma_start3A_1918 = tpu.memref_slice %arg6[%add3A_1916, %dma_start3A_1917] : memref<128x128xi32, #tpu.memory_space<vmem>> -> memref<1x104xi32, #tpu.memory_space<vmem>>
        %dma_start3A_1919 = tpu.memref_squeeze %dma_start3A_1918 : memref<1x104xi32, #tpu.memory_space<vmem>> -> memref<104xi32, #tpu.memory_space<vmem>>
        %dma_start3A_1920 = arith.constant 0 : i32
        %dma_start3A_1921 = arith.constant 0 : i32
        %dma_start3A_1922 = tpu.memref_slice %arg2[%dma_start3A_1920, %dma_start3A_1921] : memref<346112x128xf32, #tpu.memory_space<hbm>> -> memref<346112x128xf32, #tpu.memory_space<hbm>>
        tpu.enqueue_indirect_dma source(%dma_start3A_1922 : memref<346112x128xf32, #tpu.memory_space<hbm>>) target(%arg8 : memref<104x128xf32, #tpu.memory_space<vmem>>) offsets(%dma_start3A_1919 : memref<104xi32, #tpu.memory_space<vmem>>) semaphore(%arg11 : memref<!tpu.dma_semaphore, #tpu.memory_space<semaphore_mem>>)
      } else {
      }
      %add3A_965 = arith.constant 1 : i32
      %add3A_966 = arith.addi %mul3A_16, %add3A_965 : i32
      %dma_wait3A_967 = arith.constant 0 : i32
      %dma_wait3A_968 = tpu.memref_slice %arg6[%add3A_966, %dma_wait3A_967] : memref<128x128xi32, #tpu.memory_space<vmem>> -> memref<1x104xi32, #tpu.memory_space<vmem>>
      %dma_wait3A_969 = tpu.memref_squeeze %dma_wait3A_968 : memref<1x104xi32, #tpu.memory_space<vmem>> -> memref<104xi32, #tpu.memory_space<vmem>>
      %dma_wait3A_970 = arith.constant 0 : i32
      %dma_wait3A_971 = arith.constant 0 : i32
      %dma_wait3A_972 = tpu.memref_slice %arg2[%dma_wait3A_970, %dma_wait3A_971] : memref<346112x128xf32, #tpu.memory_space<hbm>> -> memref<346112x128xf32, #tpu.memory_space<hbm>>
      tpu.wait_indirect_dma semaphore(%arg12 : memref<!tpu.dma_semaphore, #tpu.memory_space<semaphore_mem>>) src(%dma_wait3A_972 : memref<346112x128xf32, #tpu.memory_space<hbm>>) dst(%arg9 : memref<104x128xf32, #tpu.memory_space<vmem>>)
      %add3A_973 = arith.constant 1 : i32
      %add3A_974 = arith.addi %mul3A_16, %add3A_973 : i32
      %broadcast_in_dim3A_975 = arith.constant 0.000000e+00 : f32
      %broadcast_in_dim3A_976 = vector.broadcast %broadcast_in_dim3A_975 : f32 to vector<16xf32>
      %get3A_977 = arith.index_cast %add3A_974 : i32 to index
      %get3A_978 = arith.constant 0 : index
      %get3A_979 = tpu.vector_load %arg7[%get3A_977, %get3A_978] {strides = array<i32>} : memref<128x128xi32, #tpu.memory_space<vmem>>, vector<1x16xi32>,
      %get3A_980 = vector.shape_cast %get3A_979 : vector<1x16xi32> to vector<16xi32>
      %slice3A_981 = vector.extract_strided_slice %get3A_980 {offsets = [0], sizes = [1], strides = [1]} : vector<16xi32> to vector<1xi32>
      %squeeze3A_982 = vector.extract %slice3A_981[0] : i32 from vector<1xi32>
      %get3A_983 = arith.constant 0 : i32
      %get3A_984 = arith.index_cast %get3A_983 : i32 to index
      %get3A_985 = arith.index_cast %squeeze3A_982 : i32 to index
      %get3A_986 = tpu.vector_load %arg9[%get3A_984, %get3A_985] {strides = array<i32>} : memref<104x128xf32, #tpu.memory_space<vmem>>, vector<1x16xf32>,
      %get3A_987 = vector.shape_cast %get3A_986 : vector<1x16xf32> to vector<16xf32>
      %add3A_988 = arith.addf %broadcast_in_dim3A_976, %get3A_987 : vector<16xf32>
      %slice3A_989 = vector.extract_strided_slice %get3A_980 {offsets = [1], sizes = [1], strides = [1]} : vector<16xi32> to vector<1xi32>
      %squeeze3A_990 = vector.extract %slice3A_989[0] : i32 from vector<1xi32>
      %get3A_991 = arith.constant 1 : i32
      %get3A_992 = arith.index_cast %get3A_991 : i32 to index
      %get3A_993 = arith.index_cast %squeeze3A_990 : i32 to index
      %get3A_994 = tpu.vector_load %arg9[%get3A_992, %get3A_993] {strides = array<i32>} : memref<104x128xf32, #tpu.memory_space<vmem>>, vector<1x16xf32>,
      %get3A_995 = vector.shape_cast %get3A_994 : vector<1x16xf32> to vector<16xf32>
      %add3A_996 = arith.addf %add3A_988, %get3A_995 : vector<16xf32>
      %slice3A_997 = vector.extract_strided_slice %get3A_980 {offsets = [2], sizes = [1], strides = [1]} : vector<16xi32> to vector<1xi32>
      %squeeze3A_998 = vector.extract %slice3A_997[0] : i32 from vector<1xi32>
      %get3A_999 = arith.constant 2 : i32
      %get3A_1000 = arith.index_cast %get3A_999 : i32 to index
      %get3A_1001 = arith.index_cast %squeeze3A_998 : i32 to index
      %get3A_1002 = tpu.vector_load %arg9[%get3A_1000, %get3A_1001] {strides = array<i32>} : memref<104x128xf32, #tpu.memory_space<vmem>>, vector<1x16xf32>,
      %get3A_1003 = vector.shape_cast %get3A_1002 : vector<1x16xf32> to vector<16xf32>
      %add3A_1004 = arith.addf %add3A_996, %get3A_1003 : vector<16xf32>
      %slice3A_1005 = vector.extract_strided_slice %get3A_980 {offsets = [3], sizes = [1], strides = [1]} : vector<16xi32> to vector<1xi32>
      %squeeze3A_1006 = vector.extract %slice3A_1005[0] : i32 from vector<1xi32>
      %get3A_1007 = arith.constant 3 : i32
      %get3A_1008 = arith.index_cast %get3A_1007 : i32 to index
      %get3A_1009 = arith.index_cast %squeeze3A_1006 : i32 to index
      %get3A_1010 = tpu.vector_load %arg9[%get3A_1008, %get3A_1009] {strides = array<i32>} : memref<104x128xf32, #tpu.memory_space<vmem>>, vector<1x16xf32>,
      %get3A_1011 = vector.shape_cast %get3A_1010 : vector<1x16xf32> to vector<16xf32>
      %add3A_1012 = arith.addf %add3A_1004, %get3A_1011 : vector<16xf32>
      %slice3A_1013 = vector.extract_strided_slice %get3A_980 {offsets = [4], sizes = [1], strides = [1]} : vector<16xi32> to vector<1xi32>
      %squeeze3A_1014 = vector.extract %slice3A_1013[0] : i32 from vector<1xi32>
      %get3A_1015 = arith.constant 4 : i32
      %get3A_1016 = arith.index_cast %get3A_1015 : i32 to index
      %get3A_1017 = arith.index_cast %squeeze3A_1014 : i32 to index
      %get3A_1018 = tpu.vector_load %arg9[%get3A_1016, %get3A_1017] {strides = array<i32>} : memref<104x128xf32, #tpu.memory_space<vmem>>, vector<1x16xf32>,
      %get3A_1019 = vector.shape_cast %get3A_1018 : vector<1x16xf32> to vector<16xf32>
      %add3A_1020 = arith.addf %add3A_1012, %get3A_1019 : vector<16xf32>
      %slice3A_1021 = vector.extract_strided_slice %get3A_980 {offsets = [5], sizes = [1], strides = [1]} : vector<16xi32> to vector<1xi32>
      %squeeze3A_1022 = vector.extract %slice3A_1021[0] : i32 from vector<1xi32>
      %get3A_1023 = arith.constant 5 : i32
      %get3A_1024 = arith.index_cast %get3A_1023 : i32 to index
      %get3A_1025 = arith.index_cast %squeeze3A_1022 : i32 to index
      %get3A_1026 = tpu.vector_load %arg9[%get3A_1024, %get3A_1025] {strides = array<i32>} : memref<104x128xf32, #tpu.memory_space<vmem>>, vector<1x16xf32>,
      %get3A_1027 = vector.shape_cast %get3A_1026 : vector<1x16xf32> to vector<16xf32>
      %add3A_1028 = arith.addf %add3A_1020, %get3A_1027 : vector<16xf32>
      %slice3A_1029 = vector.extract_strided_slice %get3A_980 {offsets = [6], sizes = [1], strides = [1]} : vector<16xi32> to vector<1xi32>
      %squeeze3A_1030 = vector.extract %slice3A_1029[0] : i32 from vector<1xi32>
      %get3A_1031 = arith.constant 6 : i32
      %get3A_1032 = arith.index_cast %get3A_1031 : i32 to index
      %get3A_1033 = arith.index_cast %squeeze3A_1030 : i32 to index
      %get3A_1034 = tpu.vector_load %arg9[%get3A_1032, %get3A_1033] {strides = array<i32>} : memref<104x128xf32, #tpu.memory_space<vmem>>, vector<1x16xf32>,
      %get3A_1035 = vector.shape_cast %get3A_1034 : vector<1x16xf32> to vector<16xf32>
      %add3A_1036 = arith.addf %add3A_1028, %get3A_1035 : vector<16xf32>
      %slice3A_1037 = vector.extract_strided_slice %get3A_980 {offsets = [7], sizes = [1], strides = [1]} : vector<16xi32> to vector<1xi32>
      %squeeze3A_1038 = vector.extract %slice3A_1037[0] : i32 from vector<1xi32>
      %get3A_1039 = arith.constant 7 : i32
      %get3A_1040 = arith.index_cast %get3A_1039 : i32 to index
      %get3A_1041 = arith.index_cast %squeeze3A_1038 : i32 to index
      %get3A_1042 = tpu.vector_load %arg9[%get3A_1040, %get3A_1041] {strides = array<i32>} : memref<104x128xf32, #tpu.memory_space<vmem>>, vector<1x16xf32>,
      %get3A_1043 = vector.shape_cast %get3A_1042 : vector<1x16xf32> to vector<16xf32>
      %add3A_1044 = arith.addf %add3A_1036, %get3A_1043 : vector<16xf32>
      %slice3A_1045 = vector.extract_strided_slice %get3A_980 {offsets = [8], sizes = [1], strides = [1]} : vector<16xi32> to vector<1xi32>
      %squeeze3A_1046 = vector.extract %slice3A_1045[0] : i32 from vector<1xi32>
      %get3A_1047 = arith.constant 8 : i32
      %get3A_1048 = arith.index_cast %get3A_1047 : i32 to index
      %get3A_1049 = arith.index_cast %squeeze3A_1046 : i32 to index
      %get3A_1050 = tpu.vector_load %arg9[%get3A_1048, %get3A_1049] {strides = array<i32>} : memref<104x128xf32, #tpu.memory_space<vmem>>, vector<1x16xf32>,
      %get3A_1051 = vector.shape_cast %get3A_1050 : vector<1x16xf32> to vector<16xf32>
      %add3A_1052 = arith.addf %add3A_1044, %get3A_1051 : vector<16xf32>
      %slice3A_1053 = vector.extract_strided_slice %get3A_980 {offsets = [9], sizes = [1], strides = [1]} : vector<16xi32> to vector<1xi32>
      %squeeze3A_1054 = vector.extract %slice3A_1053[0] : i32 from vector<1xi32>
      %get3A_1055 = arith.constant 9 : i32
      %get3A_1056 = arith.index_cast %get3A_1055 : i32 to index
      %get3A_1057 = arith.index_cast %squeeze3A_1054 : i32 to index
      %get3A_1058 = tpu.vector_load %arg9[%get3A_1056, %get3A_1057] {strides = array<i32>} : memref<104x128xf32, #tpu.memory_space<vmem>>, vector<1x16xf32>,
      %get3A_1059 = vector.shape_cast %get3A_1058 : vector<1x16xf32> to vector<16xf32>
      %add3A_1060 = arith.addf %add3A_1052, %get3A_1059 : vector<16xf32>
      %slice3A_1061 = vector.extract_strided_slice %get3A_980 {offsets = [10], sizes = [1], strides = [1]} : vector<16xi32> to vector<1xi32>
      %squeeze3A_1062 = vector.extract %slice3A_1061[0] : i32 from vector<1xi32>
      %get3A_1063 = arith.constant 10 : i32
      %get3A_1064 = arith.index_cast %get3A_1063 : i32 to index
      %get3A_1065 = arith.index_cast %squeeze3A_1062 : i32 to index
      %get3A_1066 = tpu.vector_load %arg9[%get3A_1064, %get3A_1065] {strides = array<i32>} : memref<104x128xf32, #tpu.memory_space<vmem>>, vector<1x16xf32>,
      %get3A_1067 = vector.shape_cast %get3A_1066 : vector<1x16xf32> to vector<16xf32>
      %add3A_1068 = arith.addf %add3A_1060, %get3A_1067 : vector<16xf32>
      %slice3A_1069 = vector.extract_strided_slice %get3A_980 {offsets = [11], sizes = [1], strides = [1]} : vector<16xi32> to vector<1xi32>
      %squeeze3A_1070 = vector.extract %slice3A_1069[0] : i32 from vector<1xi32>
      %get3A_1071 = arith.constant 11 : i32
      %get3A_1072 = arith.index_cast %get3A_1071 : i32 to index
      %get3A_1073 = arith.index_cast %squeeze3A_1070 : i32 to index
      %get3A_1074 = tpu.vector_load %arg9[%get3A_1072, %get3A_1073] {strides = array<i32>} : memref<104x128xf32, #tpu.memory_space<vmem>>, vector<1x16xf32>,
      %get3A_1075 = vector.shape_cast %get3A_1074 : vector<1x16xf32> to vector<16xf32>
      %add3A_1076 = arith.addf %add3A_1068, %get3A_1075 : vector<16xf32>
      %slice3A_1077 = vector.extract_strided_slice %get3A_980 {offsets = [12], sizes = [1], strides = [1]} : vector<16xi32> to vector<1xi32>
      %squeeze3A_1078 = vector.extract %slice3A_1077[0] : i32 from vector<1xi32>
      %get3A_1079 = arith.constant 12 : i32
      %get3A_1080 = arith.index_cast %get3A_1079 : i32 to index
      %get3A_1081 = arith.index_cast %squeeze3A_1078 : i32 to index
      %get3A_1082 = tpu.vector_load %arg9[%get3A_1080, %get3A_1081] {strides = array<i32>} : memref<104x128xf32, #tpu.memory_space<vmem>>, vector<1x16xf32>,
      %get3A_1083 = vector.shape_cast %get3A_1082 : vector<1x16xf32> to vector<16xf32>
      %add3A_1084 = arith.addf %add3A_1076, %get3A_1083 : vector<16xf32>
      %slice3A_1085 = vector.extract_strided_slice %get3A_980 {offsets = [13], sizes = [1], strides = [1]} : vector<16xi32> to vector<1xi32>
      %squeeze3A_1086 = vector.extract %slice3A_1085[0] : i32 from vector<1xi32>
      %get3A_1087 = arith.constant 13 : i32
      %get3A_1088 = arith.index_cast %get3A_1087 : i32 to index
      %get3A_1089 = arith.index_cast %squeeze3A_1086 : i32 to index
      %get3A_1090 = tpu.vector_load %arg9[%get3A_1088, %get3A_1089] {strides = array<i32>} : memref<104x128xf32, #tpu.memory_space<vmem>>, vector<1x16xf32>,
      %get3A_1091 = vector.shape_cast %get3A_1090 : vector<1x16xf32> to vector<16xf32>
      %add3A_1092 = arith.addf %add3A_1084, %get3A_1091 : vector<16xf32>
      %slice3A_1093 = vector.extract_strided_slice %get3A_980 {offsets = [14], sizes = [1], strides = [1]} : vector<16xi32> to vector<1xi32>
      %squeeze3A_1094 = vector.extract %slice3A_1093[0] : i32 from vector<1xi32>
      %get3A_1095 = arith.constant 14 : i32
      %get3A_1096 = arith.index_cast %get3A_1095 : i32 to index
      %get3A_1097 = arith.index_cast %squeeze3A_1094 : i32 to index
      %get3A_1098 = tpu.vector_load %arg9[%get3A_1096, %get3A_1097] {strides = array<i32>} : memref<104x128xf32, #tpu.memory_space<vmem>>, vector<1x16xf32>,
      %get3A_1099 = vector.shape_cast %get3A_1098 : vector<1x16xf32> to vector<16xf32>
      %add3A_1100 = arith.addf %add3A_1092, %get3A_1099 : vector<16xf32>
      %slice3A_1101 = vector.extract_strided_slice %get3A_980 {offsets = [15], sizes = [1], strides = [1]} : vector<16xi32> to vector<1xi32>
      %squeeze3A_1102 = vector.extract %slice3A_1101[0] : i32 from vector<1xi32>
      %get3A_1103 = arith.constant 15 : i32
      %get3A_1104 = arith.index_cast %get3A_1103 : i32 to index
      %get3A_1105 = arith.index_cast %squeeze3A_1102 : i32 to index
      %get3A_1106 = tpu.vector_load %arg9[%get3A_1104, %get3A_1105] {strides = array<i32>} : memref<104x128xf32, #tpu.memory_space<vmem>>, vector<1x16xf32>,
      %get3A_1107 = vector.shape_cast %get3A_1106 : vector<1x16xf32> to vector<16xf32>
      %add3A_1108 = arith.addf %add3A_1100, %get3A_1107 : vector<16xf32>
      %get3A_1109 = arith.index_cast %add3A_974 : i32 to index
      %get3A_1110 = arith.constant 16 : index
      %get3A_1111 = tpu.vector_load %arg7[%get3A_1109, %get3A_1110] {strides = array<i32>} : memref<128x128xi32, #tpu.memory_space<vmem>>, vector<1x16xi32>,
      %get3A_1112 = vector.shape_cast %get3A_1111 : vector<1x16xi32> to vector<16xi32>
      %slice3A_1113 = vector.extract_strided_slice %get3A_1112 {offsets = [0], sizes = [1], strides = [1]} : vector<16xi32> to vector<1xi32>
      %squeeze3A_1114 = vector.extract %slice3A_1113[0] : i32 from vector<1xi32>
      %get3A_1115 = arith.constant 16 : i32
      %get3A_1116 = arith.index_cast %get3A_1115 : i32 to index
      %get3A_1117 = arith.index_cast %squeeze3A_1114 : i32 to index
      %get3A_1118 = tpu.vector_load %arg9[%get3A_1116, %get3A_1117] {strides = array<i32>} : memref<104x128xf32, #tpu.memory_space<vmem>>, vector<1x16xf32>,
      %get3A_1119 = vector.shape_cast %get3A_1118 : vector<1x16xf32> to vector<16xf32>
      %add3A_1120 = arith.addf %add3A_1108, %get3A_1119 : vector<16xf32>
      %slice3A_1121 = vector.extract_strided_slice %get3A_1112 {offsets = [1], sizes = [1], strides = [1]} : vector<16xi32> to vector<1xi32>
      %squeeze3A_1122 = vector.extract %slice3A_1121[0] : i32 from vector<1xi32>
      %get3A_1123 = arith.constant 17 : i32
      %get3A_1124 = arith.index_cast %get3A_1123 : i32 to index
      %get3A_1125 = arith.index_cast %squeeze3A_1122 : i32 to index
      %get3A_1126 = tpu.vector_load %arg9[%get3A_1124, %get3A_1125] {strides = array<i32>} : memref<104x128xf32, #tpu.memory_space<vmem>>, vector<1x16xf32>,
      %get3A_1127 = vector.shape_cast %get3A_1126 : vector<1x16xf32> to vector<16xf32>
      %add3A_1128 = arith.addf %add3A_1120, %get3A_1127 : vector<16xf32>
      %slice3A_1129 = vector.extract_strided_slice %get3A_1112 {offsets = [2], sizes = [1], strides = [1]} : vector<16xi32> to vector<1xi32>
      %squeeze3A_1130 = vector.extract %slice3A_1129[0] : i32 from vector<1xi32>
      %get3A_1131 = arith.constant 18 : i32
      %get3A_1132 = arith.index_cast %get3A_1131 : i32 to index
      %get3A_1133 = arith.index_cast %squeeze3A_1130 : i32 to index
      %get3A_1134 = tpu.vector_load %arg9[%get3A_1132, %get3A_1133] {strides = array<i32>} : memref<104x128xf32, #tpu.memory_space<vmem>>, vector<1x16xf32>,
      %get3A_1135 = vector.shape_cast %get3A_1134 : vector<1x16xf32> to vector<16xf32>
      %add3A_1136 = arith.addf %add3A_1128, %get3A_1135 : vector<16xf32>
      %slice3A_1137 = vector.extract_strided_slice %get3A_1112 {offsets = [3], sizes = [1], strides = [1]} : vector<16xi32> to vector<1xi32>
      %squeeze3A_1138 = vector.extract %slice3A_1137[0] : i32 from vector<1xi32>
      %get3A_1139 = arith.constant 19 : i32
      %get3A_1140 = arith.index_cast %get3A_1139 : i32 to index
      %get3A_1141 = arith.index_cast %squeeze3A_1138 : i32 to index
      %get3A_1142 = tpu.vector_load %arg9[%get3A_1140, %get3A_1141] {strides = array<i32>} : memref<104x128xf32, #tpu.memory_space<vmem>>, vector<1x16xf32>,
      %get3A_1143 = vector.shape_cast %get3A_1142 : vector<1x16xf32> to vector<16xf32>
      %add3A_1144 = arith.addf %add3A_1136, %get3A_1143 : vector<16xf32>
      %slice3A_1145 = vector.extract_strided_slice %get3A_1112 {offsets = [4], sizes = [1], strides = [1]} : vector<16xi32> to vector<1xi32>
      %squeeze3A_1146 = vector.extract %slice3A_1145[0] : i32 from vector<1xi32>
      %get3A_1147 = arith.constant 20 : i32
      %get3A_1148 = arith.index_cast %get3A_1147 : i32 to index
      %get3A_1149 = arith.index_cast %squeeze3A_1146 : i32 to index
      %get3A_1150 = tpu.vector_load %arg9[%get3A_1148, %get3A_1149] {strides = array<i32>} : memref<104x128xf32, #tpu.memory_space<vmem>>, vector<1x16xf32>,
      %get3A_1151 = vector.shape_cast %get3A_1150 : vector<1x16xf32> to vector<16xf32>
      %add3A_1152 = arith.addf %add3A_1144, %get3A_1151 : vector<16xf32>
      %slice3A_1153 = vector.extract_strided_slice %get3A_1112 {offsets = [5], sizes = [1], strides = [1]} : vector<16xi32> to vector<1xi32>
      %squeeze3A_1154 = vector.extract %slice3A_1153[0] : i32 from vector<1xi32>
      %get3A_1155 = arith.constant 21 : i32
      %get3A_1156 = arith.index_cast %get3A_1155 : i32 to index
      %get3A_1157 = arith.index_cast %squeeze3A_1154 : i32 to index
      %get3A_1158 = tpu.vector_load %arg9[%get3A_1156, %get3A_1157] {strides = array<i32>} : memref<104x128xf32, #tpu.memory_space<vmem>>, vector<1x16xf32>,
      %get3A_1159 = vector.shape_cast %get3A_1158 : vector<1x16xf32> to vector<16xf32>
      %add3A_1160 = arith.addf %add3A_1152, %get3A_1159 : vector<16xf32>
      %slice3A_1161 = vector.extract_strided_slice %get3A_1112 {offsets = [6], sizes = [1], strides = [1]} : vector<16xi32> to vector<1xi32>
      %squeeze3A_1162 = vector.extract %slice3A_1161[0] : i32 from vector<1xi32>
      %get3A_1163 = arith.constant 22 : i32
      %get3A_1164 = arith.index_cast %get3A_1163 : i32 to index
      %get3A_1165 = arith.index_cast %squeeze3A_1162 : i32 to index
      %get3A_1166 = tpu.vector_load %arg9[%get3A_1164, %get3A_1165] {strides = array<i32>} : memref<104x128xf32, #tpu.memory_space<vmem>>, vector<1x16xf32>,
      %get3A_1167 = vector.shape_cast %get3A_1166 : vector<1x16xf32> to vector<16xf32>
      %add3A_1168 = arith.addf %add3A_1160, %get3A_1167 : vector<16xf32>
      %slice3A_1169 = vector.extract_strided_slice %get3A_1112 {offsets = [7], sizes = [1], strides = [1]} : vector<16xi32> to vector<1xi32>
      %squeeze3A_1170 = vector.extract %slice3A_1169[0] : i32 from vector<1xi32>
      %get3A_1171 = arith.constant 23 : i32
      %get3A_1172 = arith.index_cast %get3A_1171 : i32 to index
      %get3A_1173 = arith.index_cast %squeeze3A_1170 : i32 to index
      %get3A_1174 = tpu.vector_load %arg9[%get3A_1172, %get3A_1173] {strides = array<i32>} : memref<104x128xf32, #tpu.memory_space<vmem>>, vector<1x16xf32>,
      %get3A_1175 = vector.shape_cast %get3A_1174 : vector<1x16xf32> to vector<16xf32>
      %add3A_1176 = arith.addf %add3A_1168, %get3A_1175 : vector<16xf32>
      %slice3A_1177 = vector.extract_strided_slice %get3A_1112 {offsets = [8], sizes = [1], strides = [1]} : vector<16xi32> to vector<1xi32>
      %squeeze3A_1178 = vector.extract %slice3A_1177[0] : i32 from vector<1xi32>
      %get3A_1179 = arith.constant 24 : i32
      %get3A_1180 = arith.index_cast %get3A_1179 : i32 to index
      %get3A_1181 = arith.index_cast %squeeze3A_1178 : i32 to index
      %get3A_1182 = tpu.vector_load %arg9[%get3A_1180, %get3A_1181] {strides = array<i32>} : memref<104x128xf32, #tpu.memory_space<vmem>>, vector<1x16xf32>,
      %get3A_1183 = vector.shape_cast %get3A_1182 : vector<1x16xf32> to vector<16xf32>
      %add3A_1184 = arith.addf %add3A_1176, %get3A_1183 : vector<16xf32>
      %slice3A_1185 = vector.extract_strided_slice %get3A_1112 {offsets = [9], sizes = [1], strides = [1]} : vector<16xi32> to vector<1xi32>
      %squeeze3A_1186 = vector.extract %slice3A_1185[0] : i32 from vector<1xi32>
      %get3A_1187 = arith.constant 25 : i32
      %get3A_1188 = arith.index_cast %get3A_1187 : i32 to index
      %get3A_1189 = arith.index_cast %squeeze3A_1186 : i32 to index
      %get3A_1190 = tpu.vector_load %arg9[%get3A_1188, %get3A_1189] {strides = array<i32>} : memref<104x128xf32, #tpu.memory_space<vmem>>, vector<1x16xf32>,
      %get3A_1191 = vector.shape_cast %get3A_1190 : vector<1x16xf32> to vector<16xf32>
      %add3A_1192 = arith.addf %add3A_1184, %get3A_1191 : vector<16xf32>
      %mul3A_1193 = arith.constant 4 : i32
      %mul3A_1194 = arith.muli %add3A_974, %mul3A_1193 : i32
      %add3A_1195 = arith.constant 0 : i32
      %add3A_1196 = arith.addi %mul3A_1194, %add3A_1195 : i32
      %shift_right_arithmetic3A_1197 = arith.constant 3 : i32
      %shift_right_arithmetic3A_1198 = arith.shrsi %add3A_1196, %shift_right_arithmetic3A_1197 : i32
      %and3A_1199 = arith.constant 7 : i32
      %and3A_1200 = arith.andi %add3A_1196, %and3A_1199 : i32
      %mul3A_1201 = arith.constant 16 : i32
      %mul3A_1202 = arith.muli %and3A_1200, %mul3A_1201 : i32
      %swap3A_1203 = arith.index_cast %shift_right_arithmetic3A_1198 : i32 to index
      %swap3A_1204 = arith.index_cast %mul3A_1202 : i32 to index
      %swap3A_1205 = tpu.vector_load %arg10[%swap3A_1203, %swap3A_1204] {strides = array<i32>} : memref<64x128xf32, #tpu.memory_space<vmem>>, vector<1x16xf32>,
      %swap3A_1206 = vector.shape_cast %swap3A_1205 : vector<1x16xf32> to vector<16xf32>
      %swap3A_1207 = vector.shape_cast %add3A_1192 : vector<16xf32> to vector<1x16xf32>
      tpu.vector_store %arg10[%swap3A_1203, %swap3A_1204], %swap3A_1207 {strides = array<i32>} : memref<64x128xf32, #tpu.memory_space<vmem>>, vector<1x16xf32>,
      %broadcast_in_dim3A_1208 = arith.constant 0.000000e+00 : f32
      %broadcast_in_dim3A_1209 = vector.broadcast %broadcast_in_dim3A_1208 : f32 to vector<16xf32>
      %get3A_1210 = arith.index_cast %add3A_974 : i32 to index
      %get3A_1211 = arith.constant 16 : index
      %get3A_1212 = tpu.vector_load %arg7[%get3A_1210, %get3A_1211] {strides = array<i32>} : memref<128x128xi32, #tpu.memory_space<vmem>>, vector<1x16xi32>,
      %get3A_1213 = vector.shape_cast %get3A_1212 : vector<1x16xi32> to vector<16xi32>
      %slice3A_1214 = vector.extract_strided_slice %get3A_1213 {offsets = [10], sizes = [1], strides = [1]} : vector<16xi32> to vector<1xi32>
      %squeeze3A_1215 = vector.extract %slice3A_1214[0] : i32 from vector<1xi32>
      %get3A_1216 = arith.constant 26 : i32
      %get3A_1217 = arith.index_cast %get3A_1216 : i32 to index
      %get3A_1218 = arith.index_cast %squeeze3A_1215 : i32 to index
      %get3A_1219 = tpu.vector_load %arg9[%get3A_1217, %get3A_1218] {strides = array<i32>} : memref<104x128xf32, #tpu.memory_space<vmem>>, vector<1x16xf32>,
      %get3A_1220 = vector.shape_cast %get3A_1219 : vector<1x16xf32> to vector<16xf32>
      %add3A_1221 = arith.addf %broadcast_in_dim3A_1209, %get3A_1220 : vector<16xf32>
      %slice3A_1222 = vector.extract_strided_slice %get3A_1213 {offsets = [11], sizes = [1], strides = [1]} : vector<16xi32> to vector<1xi32>
      %squeeze3A_1223 = vector.extract %slice3A_1222[0] : i32 from vector<1xi32>
      %get3A_1224 = arith.constant 27 : i32
      %get3A_1225 = arith.index_cast %get3A_1224 : i32 to index
      %get3A_1226 = arith.index_cast %squeeze3A_1223 : i32 to index
      %get3A_1227 = tpu.vector_load %arg9[%get3A_1225, %get3A_1226] {strides = array<i32>} : memref<104x128xf32, #tpu.memory_space<vmem>>, vector<1x16xf32>,
      %get3A_1228 = vector.shape_cast %get3A_1227 : vector<1x16xf32> to vector<16xf32>
      %add3A_1229 = arith.addf %add3A_1221, %get3A_1228 : vector<16xf32>
      %slice3A_1230 = vector.extract_strided_slice %get3A_1213 {offsets = [12], sizes = [1], strides = [1]} : vector<16xi32> to vector<1xi32>
      %squeeze3A_1231 = vector.extract %slice3A_1230[0] : i32 from vector<1xi32>
      %get3A_1232 = arith.constant 28 : i32
      %get3A_1233 = arith.index_cast %get3A_1232 : i32 to index
      %get3A_1234 = arith.index_cast %squeeze3A_1231 : i32 to index
      %get3A_1235 = tpu.vector_load %arg9[%get3A_1233, %get3A_1234] {strides = array<i32>} : memref<104x128xf32, #tpu.memory_space<vmem>>, vector<1x16xf32>,
      %get3A_1236 = vector.shape_cast %get3A_1235 : vector<1x16xf32> to vector<16xf32>
      %add3A_1237 = arith.addf %add3A_1229, %get3A_1236 : vector<16xf32>
      %slice3A_1238 = vector.extract_strided_slice %get3A_1213 {offsets = [13], sizes = [1], strides = [1]} : vector<16xi32> to vector<1xi32>
      %squeeze3A_1239 = vector.extract %slice3A_1238[0] : i32 from vector<1xi32>
      %get3A_1240 = arith.constant 29 : i32
      %get3A_1241 = arith.index_cast %get3A_1240 : i32 to index
      %get3A_1242 = arith.index_cast %squeeze3A_1239 : i32 to index
      %get3A_1243 = tpu.vector_load %arg9[%get3A_1241, %get3A_1242] {strides = array<i32>} : memref<104x128xf32, #tpu.memory_space<vmem>>, vector<1x16xf32>,
      %get3A_1244 = vector.shape_cast %get3A_1243 : vector<1x16xf32> to vector<16xf32>
      %add3A_1245 = arith.addf %add3A_1237, %get3A_1244 : vector<16xf32>
      %slice3A_1246 = vector.extract_strided_slice %get3A_1213 {offsets = [14], sizes = [1], strides = [1]} : vector<16xi32> to vector<1xi32>
      %squeeze3A_1247 = vector.extract %slice3A_1246[0] : i32 from vector<1xi32>
      %get3A_1248 = arith.constant 30 : i32
      %get3A_1249 = arith.index_cast %get3A_1248 : i32 to index
      %get3A_1250 = arith.index_cast %squeeze3A_1247 : i32 to index
      %get3A_1251 = tpu.vector_load %arg9[%get3A_1249, %get3A_1250] {strides = array<i32>} : memref<104x128xf32, #tpu.memory_space<vmem>>, vector<1x16xf32>,
      %get3A_1252 = vector.shape_cast %get3A_1251 : vector<1x16xf32> to vector<16xf32>
      %add3A_1253 = arith.addf %add3A_1245, %get3A_1252 : vector<16xf32>
      %slice3A_1254 = vector.extract_strided_slice %get3A_1213 {offsets = [15], sizes = [1], strides = [1]} : vector<16xi32> to vector<1xi32>
      %squeeze3A_1255 = vector.extract %slice3A_1254[0] : i32 from vector<1xi32>
      %get3A_1256 = arith.constant 31 : i32
      %get3A_1257 = arith.index_cast %get3A_1256 : i32 to index
      %get3A_1258 = arith.index_cast %squeeze3A_1255 : i32 to index
      %get3A_1259 = tpu.vector_load %arg9[%get3A_1257, %get3A_1258] {strides = array<i32>} : memref<104x128xf32, #tpu.memory_space<vmem>>, vector<1x16xf32>,
      %get3A_1260 = vector.shape_cast %get3A_1259 : vector<1x16xf32> to vector<16xf32>
      %add3A_1261 = arith.addf %add3A_1253, %get3A_1260 : vector<16xf32>
      %get3A_1262 = arith.index_cast %add3A_974 : i32 to index
      %get3A_1263 = arith.constant 32 : index
      %get3A_1264 = tpu.vector_load %arg7[%get3A_1262, %get3A_1263] {strides = array<i32>} : memref<128x128xi32, #tpu.memory_space<vmem>>, vector<1x16xi32>,
      %get3A_1265 = vector.shape_cast %get3A_1264 : vector<1x16xi32> to vector<16xi32>
      %slice3A_1266 = vector.extract_strided_slice %get3A_1265 {offsets = [0], sizes = [1], strides = [1]} : vector<16xi32> to vector<1xi32>
      %squeeze3A_1267 = vector.extract %slice3A_1266[0] : i32 from vector<1xi32>
      %get3A_1268 = arith.constant 32 : i32
      %get3A_1269 = arith.index_cast %get3A_1268 : i32 to index
      %get3A_1270 = arith.index_cast %squeeze3A_1267 : i32 to index
      %get3A_1271 = tpu.vector_load %arg9[%get3A_1269, %get3A_1270] {strides = array<i32>} : memref<104x128xf32, #tpu.memory_space<vmem>>, vector<1x16xf32>,
      %get3A_1272 = vector.shape_cast %get3A_1271 : vector<1x16xf32> to vector<16xf32>
      %add3A_1273 = arith.addf %add3A_1261, %get3A_1272 : vector<16xf32>
      %slice3A_1274 = vector.extract_strided_slice %get3A_1265 {offsets = [1], sizes = [1], strides = [1]} : vector<16xi32> to vector<1xi32>
      %squeeze3A_1275 = vector.extract %slice3A_1274[0] : i32 from vector<1xi32>
      %get3A_1276 = arith.constant 33 : i32
      %get3A_1277 = arith.index_cast %get3A_1276 : i32 to index
      %get3A_1278 = arith.index_cast %squeeze3A_1275 : i32 to index
      %get3A_1279 = tpu.vector_load %arg9[%get3A_1277, %get3A_1278] {strides = array<i32>} : memref<104x128xf32, #tpu.memory_space<vmem>>, vector<1x16xf32>,
      %get3A_1280 = vector.shape_cast %get3A_1279 : vector<1x16xf32> to vector<16xf32>
      %add3A_1281 = arith.addf %add3A_1273, %get3A_1280 : vector<16xf32>
      %slice3A_1282 = vector.extract_strided_slice %get3A_1265 {offsets = [2], sizes = [1], strides = [1]} : vector<16xi32> to vector<1xi32>
      %squeeze3A_1283 = vector.extract %slice3A_1282[0] : i32 from vector<1xi32>
      %get3A_1284 = arith.constant 34 : i32
      %get3A_1285 = arith.index_cast %get3A_1284 : i32 to index
      %get3A_1286 = arith.index_cast %squeeze3A_1283 : i32 to index
      %get3A_1287 = tpu.vector_load %arg9[%get3A_1285, %get3A_1286] {strides = array<i32>} : memref<104x128xf32, #tpu.memory_space<vmem>>, vector<1x16xf32>,
      %get3A_1288 = vector.shape_cast %get3A_1287 : vector<1x16xf32> to vector<16xf32>
      %add3A_1289 = arith.addf %add3A_1281, %get3A_1288 : vector<16xf32>
      %slice3A_1290 = vector.extract_strided_slice %get3A_1265 {offsets = [3], sizes = [1], strides = [1]} : vector<16xi32> to vector<1xi32>
      %squeeze3A_1291 = vector.extract %slice3A_1290[0] : i32 from vector<1xi32>
      %get3A_1292 = arith.constant 35 : i32
      %get3A_1293 = arith.index_cast %get3A_1292 : i32 to index
      %get3A_1294 = arith.index_cast %squeeze3A_1291 : i32 to index
      %get3A_1295 = tpu.vector_load %arg9[%get3A_1293, %get3A_1294] {strides = array<i32>} : memref<104x128xf32, #tpu.memory_space<vmem>>, vector<1x16xf32>,
      %get3A_1296 = vector.shape_cast %get3A_1295 : vector<1x16xf32> to vector<16xf32>
      %add3A_1297 = arith.addf %add3A_1289, %get3A_1296 : vector<16xf32>
      %slice3A_1298 = vector.extract_strided_slice %get3A_1265 {offsets = [4], sizes = [1], strides = [1]} : vector<16xi32> to vector<1xi32>
      %squeeze3A_1299 = vector.extract %slice3A_1298[0] : i32 from vector<1xi32>
      %get3A_1300 = arith.constant 36 : i32
      %get3A_1301 = arith.index_cast %get3A_1300 : i32 to index
      %get3A_1302 = arith.index_cast %squeeze3A_1299 : i32 to index
      %get3A_1303 = tpu.vector_load %arg9[%get3A_1301, %get3A_1302] {strides = array<i32>} : memref<104x128xf32, #tpu.memory_space<vmem>>, vector<1x16xf32>,
      %get3A_1304 = vector.shape_cast %get3A_1303 : vector<1x16xf32> to vector<16xf32>
      %add3A_1305 = arith.addf %add3A_1297, %get3A_1304 : vector<16xf32>
      %slice3A_1306 = vector.extract_strided_slice %get3A_1265 {offsets = [5], sizes = [1], strides = [1]} : vector<16xi32> to vector<1xi32>
      %squeeze3A_1307 = vector.extract %slice3A_1306[0] : i32 from vector<1xi32>
      %get3A_1308 = arith.constant 37 : i32
      %get3A_1309 = arith.index_cast %get3A_1308 : i32 to index
      %get3A_1310 = arith.index_cast %squeeze3A_1307 : i32 to index
      %get3A_1311 = tpu.vector_load %arg9[%get3A_1309, %get3A_1310] {strides = array<i32>} : memref<104x128xf32, #tpu.memory_space<vmem>>, vector<1x16xf32>,
      %get3A_1312 = vector.shape_cast %get3A_1311 : vector<1x16xf32> to vector<16xf32>
      %add3A_1313 = arith.addf %add3A_1305, %get3A_1312 : vector<16xf32>
      %slice3A_1314 = vector.extract_strided_slice %get3A_1265 {offsets = [6], sizes = [1], strides = [1]} : vector<16xi32> to vector<1xi32>
      %squeeze3A_1315 = vector.extract %slice3A_1314[0] : i32 from vector<1xi32>
      %get3A_1316 = arith.constant 38 : i32
      %get3A_1317 = arith.index_cast %get3A_1316 : i32 to index
      %get3A_1318 = arith.index_cast %squeeze3A_1315 : i32 to index
      %get3A_1319 = tpu.vector_load %arg9[%get3A_1317, %get3A_1318] {strides = array<i32>} : memref<104x128xf32, #tpu.memory_space<vmem>>, vector<1x16xf32>,
      %get3A_1320 = vector.shape_cast %get3A_1319 : vector<1x16xf32> to vector<16xf32>
      %add3A_1321 = arith.addf %add3A_1313, %get3A_1320 : vector<16xf32>
      %slice3A_1322 = vector.extract_strided_slice %get3A_1265 {offsets = [7], sizes = [1], strides = [1]} : vector<16xi32> to vector<1xi32>
      %squeeze3A_1323 = vector.extract %slice3A_1322[0] : i32 from vector<1xi32>
      %get3A_1324 = arith.constant 39 : i32
      %get3A_1325 = arith.index_cast %get3A_1324 : i32 to index
      %get3A_1326 = arith.index_cast %squeeze3A_1323 : i32 to index
      %get3A_1327 = tpu.vector_load %arg9[%get3A_1325, %get3A_1326] {strides = array<i32>} : memref<104x128xf32, #tpu.memory_space<vmem>>, vector<1x16xf32>,
      %get3A_1328 = vector.shape_cast %get3A_1327 : vector<1x16xf32> to vector<16xf32>
      %add3A_1329 = arith.addf %add3A_1321, %get3A_1328 : vector<16xf32>
      %slice3A_1330 = vector.extract_strided_slice %get3A_1265 {offsets = [8], sizes = [1], strides = [1]} : vector<16xi32> to vector<1xi32>
      %squeeze3A_1331 = vector.extract %slice3A_1330[0] : i32 from vector<1xi32>
      %get3A_1332 = arith.constant 40 : i32
      %get3A_1333 = arith.index_cast %get3A_1332 : i32 to index
      %get3A_1334 = arith.index_cast %squeeze3A_1331 : i32 to index
      %get3A_1335 = tpu.vector_load %arg9[%get3A_1333, %get3A_1334] {strides = array<i32>} : memref<104x128xf32, #tpu.memory_space<vmem>>, vector<1x16xf32>,
      %get3A_1336 = vector.shape_cast %get3A_1335 : vector<1x16xf32> to vector<16xf32>
      %add3A_1337 = arith.addf %add3A_1329, %get3A_1336 : vector<16xf32>
      %slice3A_1338 = vector.extract_strided_slice %get3A_1265 {offsets = [9], sizes = [1], strides = [1]} : vector<16xi32> to vector<1xi32>
      %squeeze3A_1339 = vector.extract %slice3A_1338[0] : i32 from vector<1xi32>
      %get3A_1340 = arith.constant 41 : i32
      %get3A_1341 = arith.index_cast %get3A_1340 : i32 to index
      %get3A_1342 = arith.index_cast %squeeze3A_1339 : i32 to index
      %get3A_1343 = tpu.vector_load %arg9[%get3A_1341, %get3A_1342] {strides = array<i32>} : memref<104x128xf32, #tpu.memory_space<vmem>>, vector<1x16xf32>,
      %get3A_1344 = vector.shape_cast %get3A_1343 : vector<1x16xf32> to vector<16xf32>
      %add3A_1345 = arith.addf %add3A_1337, %get3A_1344 : vector<16xf32>
      %slice3A_1346 = vector.extract_strided_slice %get3A_1265 {offsets = [10], sizes = [1], strides = [1]} : vector<16xi32> to vector<1xi32>
      %squeeze3A_1347 = vector.extract %slice3A_1346[0] : i32 from vector<1xi32>
      %get3A_1348 = arith.constant 42 : i32
      %get3A_1349 = arith.index_cast %get3A_1348 : i32 to index
      %get3A_1350 = arith.index_cast %squeeze3A_1347 : i32 to index
      %get3A_1351 = tpu.vector_load %arg9[%get3A_1349, %get3A_1350] {strides = array<i32>} : memref<104x128xf32, #tpu.memory_space<vmem>>, vector<1x16xf32>,
      %get3A_1352 = vector.shape_cast %get3A_1351 : vector<1x16xf32> to vector<16xf32>
      %add3A_1353 = arith.addf %add3A_1345, %get3A_1352 : vector<16xf32>
      %slice3A_1354 = vector.extract_strided_slice %get3A_1265 {offsets = [11], sizes = [1], strides = [1]} : vector<16xi32> to vector<1xi32>
      %squeeze3A_1355 = vector.extract %slice3A_1354[0] : i32 from vector<1xi32>
      %get3A_1356 = arith.constant 43 : i32
      %get3A_1357 = arith.index_cast %get3A_1356 : i32 to index
      %get3A_1358 = arith.index_cast %squeeze3A_1355 : i32 to index
      %get3A_1359 = tpu.vector_load %arg9[%get3A_1357, %get3A_1358] {strides = array<i32>} : memref<104x128xf32, #tpu.memory_space<vmem>>, vector<1x16xf32>,
      %get3A_1360 = vector.shape_cast %get3A_1359 : vector<1x16xf32> to vector<16xf32>
      %add3A_1361 = arith.addf %add3A_1353, %get3A_1360 : vector<16xf32>
      %slice3A_1362 = vector.extract_strided_slice %get3A_1265 {offsets = [12], sizes = [1], strides = [1]} : vector<16xi32> to vector<1xi32>
      %squeeze3A_1363 = vector.extract %slice3A_1362[0] : i32 from vector<1xi32>
      %get3A_1364 = arith.constant 44 : i32
      %get3A_1365 = arith.index_cast %get3A_1364 : i32 to index
      %get3A_1366 = arith.index_cast %squeeze3A_1363 : i32 to index
      %get3A_1367 = tpu.vector_load %arg9[%get3A_1365, %get3A_1366] {strides = array<i32>} : memref<104x128xf32, #tpu.memory_space<vmem>>, vector<1x16xf32>,
      %get3A_1368 = vector.shape_cast %get3A_1367 : vector<1x16xf32> to vector<16xf32>
      %add3A_1369 = arith.addf %add3A_1361, %get3A_1368 : vector<16xf32>
      %slice3A_1370 = vector.extract_strided_slice %get3A_1265 {offsets = [13], sizes = [1], strides = [1]} : vector<16xi32> to vector<1xi32>
      %squeeze3A_1371 = vector.extract %slice3A_1370[0] : i32 from vector<1xi32>
      %get3A_1372 = arith.constant 45 : i32
      %get3A_1373 = arith.index_cast %get3A_1372 : i32 to index
      %get3A_1374 = arith.index_cast %squeeze3A_1371 : i32 to index
      %get3A_1375 = tpu.vector_load %arg9[%get3A_1373, %get3A_1374] {strides = array<i32>} : memref<104x128xf32, #tpu.memory_space<vmem>>, vector<1x16xf32>,
      %get3A_1376 = vector.shape_cast %get3A_1375 : vector<1x16xf32> to vector<16xf32>
      %add3A_1377 = arith.addf %add3A_1369, %get3A_1376 : vector<16xf32>
      %slice3A_1378 = vector.extract_strided_slice %get3A_1265 {offsets = [14], sizes = [1], strides = [1]} : vector<16xi32> to vector<1xi32>
      %squeeze3A_1379 = vector.extract %slice3A_1378[0] : i32 from vector<1xi32>
      %get3A_1380 = arith.constant 46 : i32
      %get3A_1381 = arith.index_cast %get3A_1380 : i32 to index
      %get3A_1382 = arith.index_cast %squeeze3A_1379 : i32 to index
      %get3A_1383 = tpu.vector_load %arg9[%get3A_1381, %get3A_1382] {strides = array<i32>} : memref<104x128xf32, #tpu.memory_space<vmem>>, vector<1x16xf32>,
      %get3A_1384 = vector.shape_cast %get3A_1383 : vector<1x16xf32> to vector<16xf32>
      %add3A_1385 = arith.addf %add3A_1377, %get3A_1384 : vector<16xf32>
      %slice3A_1386 = vector.extract_strided_slice %get3A_1265 {offsets = [15], sizes = [1], strides = [1]} : vector<16xi32> to vector<1xi32>
      %squeeze3A_1387 = vector.extract %slice3A_1386[0] : i32 from vector<1xi32>
      %get3A_1388 = arith.constant 47 : i32
      %get3A_1389 = arith.index_cast %get3A_1388 : i32 to index
      %get3A_1390 = arith.index_cast %squeeze3A_1387 : i32 to index
      %get3A_1391 = tpu.vector_load %arg9[%get3A_1389, %get3A_1390] {strides = array<i32>} : memref<104x128xf32, #tpu.memory_space<vmem>>, vector<1x16xf32>,
      %get3A_1392 = vector.shape_cast %get3A_1391 : vector<1x16xf32> to vector<16xf32>
      %add3A_1393 = arith.addf %add3A_1385, %get3A_1392 : vector<16xf32>
      %get3A_1394 = arith.index_cast %add3A_974 : i32 to index
      %get3A_1395 = arith.constant 48 : index
      %get3A_1396 = tpu.vector_load %arg7[%get3A_1394, %get3A_1395] {strides = array<i32>} : memref<128x128xi32, #tpu.memory_space<vmem>>, vector<1x16xi32>,
      %get3A_1397 = vector.shape_cast %get3A_1396 : vector<1x16xi32> to vector<16xi32>
      %slice3A_1398 = vector.extract_strided_slice %get3A_1397 {offsets = [0], sizes = [1], strides = [1]} : vector<16xi32> to vector<1xi32>
      %squeeze3A_1399 = vector.extract %slice3A_1398[0] : i32 from vector<1xi32>
      %get3A_1400 = arith.constant 48 : i32
      %get3A_1401 = arith.index_cast %get3A_1400 : i32 to index
      %get3A_1402 = arith.index_cast %squeeze3A_1399 : i32 to index
      %get3A_1403 = tpu.vector_load %arg9[%get3A_1401, %get3A_1402] {strides = array<i32>} : memref<104x128xf32, #tpu.memory_space<vmem>>, vector<1x16xf32>,
      %get3A_1404 = vector.shape_cast %get3A_1403 : vector<1x16xf32> to vector<16xf32>
      %add3A_1405 = arith.addf %add3A_1393, %get3A_1404 : vector<16xf32>
      %slice3A_1406 = vector.extract_strided_slice %get3A_1397 {offsets = [1], sizes = [1], strides = [1]} : vector<16xi32> to vector<1xi32>
      %squeeze3A_1407 = vector.extract %slice3A_1406[0] : i32 from vector<1xi32>
      %get3A_1408 = arith.constant 49 : i32
      %get3A_1409 = arith.index_cast %get3A_1408 : i32 to index
      %get3A_1410 = arith.index_cast %squeeze3A_1407 : i32 to index
      %get3A_1411 = tpu.vector_load %arg9[%get3A_1409, %get3A_1410] {strides = array<i32>} : memref<104x128xf32, #tpu.memory_space<vmem>>, vector<1x16xf32>,
      %get3A_1412 = vector.shape_cast %get3A_1411 : vector<1x16xf32> to vector<16xf32>
      %add3A_1413 = arith.addf %add3A_1405, %get3A_1412 : vector<16xf32>
      %slice3A_1414 = vector.extract_strided_slice %get3A_1397 {offsets = [2], sizes = [1], strides = [1]} : vector<16xi32> to vector<1xi32>
      %squeeze3A_1415 = vector.extract %slice3A_1414[0] : i32 from vector<1xi32>
      %get3A_1416 = arith.constant 50 : i32
      %get3A_1417 = arith.index_cast %get3A_1416 : i32 to index
      %get3A_1418 = arith.index_cast %squeeze3A_1415 : i32 to index
      %get3A_1419 = tpu.vector_load %arg9[%get3A_1417, %get3A_1418] {strides = array<i32>} : memref<104x128xf32, #tpu.memory_space<vmem>>, vector<1x16xf32>,
      %get3A_1420 = vector.shape_cast %get3A_1419 : vector<1x16xf32> to vector<16xf32>
      %add3A_1421 = arith.addf %add3A_1413, %get3A_1420 : vector<16xf32>
      %slice3A_1422 = vector.extract_strided_slice %get3A_1397 {offsets = [3], sizes = [1], strides = [1]} : vector<16xi32> to vector<1xi32>
      %squeeze3A_1423 = vector.extract %slice3A_1422[0] : i32 from vector<1xi32>
      %get3A_1424 = arith.constant 51 : i32
      %get3A_1425 = arith.index_cast %get3A_1424 : i32 to index
      %get3A_1426 = arith.index_cast %squeeze3A_1423 : i32 to index
      %get3A_1427 = tpu.vector_load %arg9[%get3A_1425, %get3A_1426] {strides = array<i32>} : memref<104x128xf32, #tpu.memory_space<vmem>>, vector<1x16xf32>,
      %get3A_1428 = vector.shape_cast %get3A_1427 : vector<1x16xf32> to vector<16xf32>
      %add3A_1429 = arith.addf %add3A_1421, %get3A_1428 : vector<16xf32>
      %mul3A_1430 = arith.constant 4 : i32
      %mul3A_1431 = arith.muli %add3A_974, %mul3A_1430 : i32
      %add3A_1432 = arith.constant 1 : i32
      %add3A_1433 = arith.addi %mul3A_1431, %add3A_1432 : i32
      %shift_right_arithmetic3A_1434 = arith.constant 3 : i32
      %shift_right_arithmetic3A_1435 = arith.shrsi %add3A_1433, %shift_right_arithmetic3A_1434 : i32
      %and3A_1436 = arith.constant 7 : i32
      %and3A_1437 = arith.andi %add3A_1433, %and3A_1436 : i32
      %mul3A_1438 = arith.constant 16 : i32
      %mul3A_1439 = arith.muli %and3A_1437, %mul3A_1438 : i32
      %swap3A_1440 = arith.index_cast %shift_right_arithmetic3A_1435 : i32 to index
      %swap3A_1441 = arith.index_cast %mul3A_1439 : i32 to index
      %swap3A_1442 = tpu.vector_load %arg10[%swap3A_1440, %swap3A_1441] {strides = array<i32>} : memref<64x128xf32, #tpu.memory_space<vmem>>, vector<1x16xf32>,
      %swap3A_1443 = vector.shape_cast %swap3A_1442 : vector<1x16xf32> to vector<16xf32>
      %swap3A_1444 = vector.shape_cast %add3A_1429 : vector<16xf32> to vector<1x16xf32>
      tpu.vector_store %arg10[%swap3A_1440, %swap3A_1441], %swap3A_1444 {strides = array<i32>} : memref<64x128xf32, #tpu.memory_space<vmem>>, vector<1x16xf32>,
      %broadcast_in_dim3A_1445 = arith.constant 0.000000e+00 : f32
      %broadcast_in_dim3A_1446 = vector.broadcast %broadcast_in_dim3A_1445 : f32 to vector<16xf32>
      %get3A_1447 = arith.index_cast %add3A_974 : i32 to index
      %get3A_1448 = arith.constant 48 : index
      %get3A_1449 = tpu.vector_load %arg7[%get3A_1447, %get3A_1448] {strides = array<i32>} : memref<128x128xi32, #tpu.memory_space<vmem>>, vector<1x16xi32>,
      %get3A_1450 = vector.shape_cast %get3A_1449 : vector<1x16xi32> to vector<16xi32>
      %slice3A_1451 = vector.extract_strided_slice %get3A_1450 {offsets = [4], sizes = [1], strides = [1]} : vector<16xi32> to vector<1xi32>
      %squeeze3A_1452 = vector.extract %slice3A_1451[0] : i32 from vector<1xi32>
      %get3A_1453 = arith.constant 52 : i32
      %get3A_1454 = arith.index_cast %get3A_1453 : i32 to index
      %get3A_1455 = arith.index_cast %squeeze3A_1452 : i32 to index
      %get3A_1456 = tpu.vector_load %arg9[%get3A_1454, %get3A_1455] {strides = array<i32>} : memref<104x128xf32, #tpu.memory_space<vmem>>, vector<1x16xf32>,
      %get3A_1457 = vector.shape_cast %get3A_1456 : vector<1x16xf32> to vector<16xf32>
      %add3A_1458 = arith.addf %broadcast_in_dim3A_1446, %get3A_1457 : vector<16xf32>
      %slice3A_1459 = vector.extract_strided_slice %get3A_1450 {offsets = [5], sizes = [1], strides = [1]} : vector<16xi32> to vector<1xi32>
      %squeeze3A_1460 = vector.extract %slice3A_1459[0] : i32 from vector<1xi32>
      %get3A_1461 = arith.constant 53 : i32
      %get3A_1462 = arith.index_cast %get3A_1461 : i32 to index
      %get3A_1463 = arith.index_cast %squeeze3A_1460 : i32 to index
      %get3A_1464 = tpu.vector_load %arg9[%get3A_1462, %get3A_1463] {strides = array<i32>} : memref<104x128xf32, #tpu.memory_space<vmem>>, vector<1x16xf32>,
      %get3A_1465 = vector.shape_cast %get3A_1464 : vector<1x16xf32> to vector<16xf32>
      %add3A_1466 = arith.addf %add3A_1458, %get3A_1465 : vector<16xf32>
      %slice3A_1467 = vector.extract_strided_slice %get3A_1450 {offsets = [6], sizes = [1], strides = [1]} : vector<16xi32> to vector<1xi32>
      %squeeze3A_1468 = vector.extract %slice3A_1467[0] : i32 from vector<1xi32>
      %get3A_1469 = arith.constant 54 : i32
      %get3A_1470 = arith.index_cast %get3A_1469 : i32 to index
      %get3A_1471 = arith.index_cast %squeeze3A_1468 : i32 to index
      %get3A_1472 = tpu.vector_load %arg9[%get3A_1470, %get3A_1471] {strides = array<i32>} : memref<104x128xf32, #tpu.memory_space<vmem>>, vector<1x16xf32>,
      %get3A_1473 = vector.shape_cast %get3A_1472 : vector<1x16xf32> to vector<16xf32>
      %add3A_1474 = arith.addf %add3A_1466, %get3A_1473 : vector<16xf32>
      %slice3A_1475 = vector.extract_strided_slice %get3A_1450 {offsets = [7], sizes = [1], strides = [1]} : vector<16xi32> to vector<1xi32>
      %squeeze3A_1476 = vector.extract %slice3A_1475[0] : i32 from vector<1xi32>
      %get3A_1477 = arith.constant 55 : i32
      %get3A_1478 = arith.index_cast %get3A_1477 : i32 to index
      %get3A_1479 = arith.index_cast %squeeze3A_1476 : i32 to index
      %get3A_1480 = tpu.vector_load %arg9[%get3A_1478, %get3A_1479] {strides = array<i32>} : memref<104x128xf32, #tpu.memory_space<vmem>>, vector<1x16xf32>,
      %get3A_1481 = vector.shape_cast %get3A_1480 : vector<1x16xf32> to vector<16xf32>
      %add3A_1482 = arith.addf %add3A_1474, %get3A_1481 : vector<16xf32>
      %slice3A_1483 = vector.extract_strided_slice %get3A_1450 {offsets = [8], sizes = [1], strides = [1]} : vector<16xi32> to vector<1xi32>
      %squeeze3A_1484 = vector.extract %slice3A_1483[0] : i32 from vector<1xi32>
      %get3A_1485 = arith.constant 56 : i32
      %get3A_1486 = arith.index_cast %get3A_1485 : i32 to index
      %get3A_1487 = arith.index_cast %squeeze3A_1484 : i32 to index
      %get3A_1488 = tpu.vector_load %arg9[%get3A_1486, %get3A_1487] {strides = array<i32>} : memref<104x128xf32, #tpu.memory_space<vmem>>, vector<1x16xf32>,
      %get3A_1489 = vector.shape_cast %get3A_1488 : vector<1x16xf32> to vector<16xf32>
      %add3A_1490 = arith.addf %add3A_1482, %get3A_1489 : vector<16xf32>
      %slice3A_1491 = vector.extract_strided_slice %get3A_1450 {offsets = [9], sizes = [1], strides = [1]} : vector<16xi32> to vector<1xi32>
      %squeeze3A_1492 = vector.extract %slice3A_1491[0] : i32 from vector<1xi32>
      %get3A_1493 = arith.constant 57 : i32
      %get3A_1494 = arith.index_cast %get3A_1493 : i32 to index
      %get3A_1495 = arith.index_cast %squeeze3A_1492 : i32 to index
      %get3A_1496 = tpu.vector_load %arg9[%get3A_1494, %get3A_1495] {strides = array<i32>} : memref<104x128xf32, #tpu.memory_space<vmem>>, vector<1x16xf32>,
      %get3A_1497 = vector.shape_cast %get3A_1496 : vector<1x16xf32> to vector<16xf32>
      %add3A_1498 = arith.addf %add3A_1490, %get3A_1497 : vector<16xf32>
      %slice3A_1499 = vector.extract_strided_slice %get3A_1450 {offsets = [10], sizes = [1], strides = [1]} : vector<16xi32> to vector<1xi32>
      %squeeze3A_1500 = vector.extract %slice3A_1499[0] : i32 from vector<1xi32>
      %get3A_1501 = arith.constant 58 : i32
      %get3A_1502 = arith.index_cast %get3A_1501 : i32 to index
      %get3A_1503 = arith.index_cast %squeeze3A_1500 : i32 to index
      %get3A_1504 = tpu.vector_load %arg9[%get3A_1502, %get3A_1503] {strides = array<i32>} : memref<104x128xf32, #tpu.memory_space<vmem>>, vector<1x16xf32>,
      %get3A_1505 = vector.shape_cast %get3A_1504 : vector<1x16xf32> to vector<16xf32>
      %add3A_1506 = arith.addf %add3A_1498, %get3A_1505 : vector<16xf32>
      %slice3A_1507 = vector.extract_strided_slice %get3A_1450 {offsets = [11], sizes = [1], strides = [1]} : vector<16xi32> to vector<1xi32>
      %squeeze3A_1508 = vector.extract %slice3A_1507[0] : i32 from vector<1xi32>
      %get3A_1509 = arith.constant 59 : i32
      %get3A_1510 = arith.index_cast %get3A_1509 : i32 to index
      %get3A_1511 = arith.index_cast %squeeze3A_1508 : i32 to index
      %get3A_1512 = tpu.vector_load %arg9[%get3A_1510, %get3A_1511] {strides = array<i32>} : memref<104x128xf32, #tpu.memory_space<vmem>>, vector<1x16xf32>,
      %get3A_1513 = vector.shape_cast %get3A_1512 : vector<1x16xf32> to vector<16xf32>
      %add3A_1514 = arith.addf %add3A_1506, %get3A_1513 : vector<16xf32>
      %slice3A_1515 = vector.extract_strided_slice %get3A_1450 {offsets = [12], sizes = [1], strides = [1]} : vector<16xi32> to vector<1xi32>
      %squeeze3A_1516 = vector.extract %slice3A_1515[0] : i32 from vector<1xi32>
      %get3A_1517 = arith.constant 60 : i32
      %get3A_1518 = arith.index_cast %get3A_1517 : i32 to index
      %get3A_1519 = arith.index_cast %squeeze3A_1516 : i32 to index
      %get3A_1520 = tpu.vector_load %arg9[%get3A_1518, %get3A_1519] {strides = array<i32>} : memref<104x128xf32, #tpu.memory_space<vmem>>, vector<1x16xf32>,
      %get3A_1521 = vector.shape_cast %get3A_1520 : vector<1x16xf32> to vector<16xf32>
      %add3A_1522 = arith.addf %add3A_1514, %get3A_1521 : vector<16xf32>
      %slice3A_1523 = vector.extract_strided_slice %get3A_1450 {offsets = [13], sizes = [1], strides = [1]} : vector<16xi32> to vector<1xi32>
      %squeeze3A_1524 = vector.extract %slice3A_1523[0] : i32 from vector<1xi32>
      %get3A_1525 = arith.constant 61 : i32
      %get3A_1526 = arith.index_cast %get3A_1525 : i32 to index
      %get3A_1527 = arith.index_cast %squeeze3A_1524 : i32 to index
      %get3A_1528 = tpu.vector_load %arg9[%get3A_1526, %get3A_1527] {strides = array<i32>} : memref<104x128xf32, #tpu.memory_space<vmem>>, vector<1x16xf32>,
      %get3A_1529 = vector.shape_cast %get3A_1528 : vector<1x16xf32> to vector<16xf32>
      %add3A_1530 = arith.addf %add3A_1522, %get3A_1529 : vector<16xf32>
      %slice3A_1531 = vector.extract_strided_slice %get3A_1450 {offsets = [14], sizes = [1], strides = [1]} : vector<16xi32> to vector<1xi32>
      %squeeze3A_1532 = vector.extract %slice3A_1531[0] : i32 from vector<1xi32>
      %get3A_1533 = arith.constant 62 : i32
      %get3A_1534 = arith.index_cast %get3A_1533 : i32 to index
      %get3A_1535 = arith.index_cast %squeeze3A_1532 : i32 to index
      %get3A_1536 = tpu.vector_load %arg9[%get3A_1534, %get3A_1535] {strides = array<i32>} : memref<104x128xf32, #tpu.memory_space<vmem>>, vector<1x16xf32>,
      %get3A_1537 = vector.shape_cast %get3A_1536 : vector<1x16xf32> to vector<16xf32>
      %add3A_1538 = arith.addf %add3A_1530, %get3A_1537 : vector<16xf32>
      %slice3A_1539 = vector.extract_strided_slice %get3A_1450 {offsets = [15], sizes = [1], strides = [1]} : vector<16xi32> to vector<1xi32>
      %squeeze3A_1540 = vector.extract %slice3A_1539[0] : i32 from vector<1xi32>
      %get3A_1541 = arith.constant 63 : i32
      %get3A_1542 = arith.index_cast %get3A_1541 : i32 to index
      %get3A_1543 = arith.index_cast %squeeze3A_1540 : i32 to index
      %get3A_1544 = tpu.vector_load %arg9[%get3A_1542, %get3A_1543] {strides = array<i32>} : memref<104x128xf32, #tpu.memory_space<vmem>>, vector<1x16xf32>,
      %get3A_1545 = vector.shape_cast %get3A_1544 : vector<1x16xf32> to vector<16xf32>
      %add3A_1546 = arith.addf %add3A_1538, %get3A_1545 : vector<16xf32>
      %get3A_1547 = arith.index_cast %add3A_974 : i32 to index
      %get3A_1548 = arith.constant 64 : index
      %get3A_1549 = tpu.vector_load %arg7[%get3A_1547, %get3A_1548] {strides = array<i32>} : memref<128x128xi32, #tpu.memory_space<vmem>>, vector<1x16xi32>,
      %get3A_1550 = vector.shape_cast %get3A_1549 : vector<1x16xi32> to vector<16xi32>
      %slice3A_1551 = vector.extract_strided_slice %get3A_1550 {offsets = [0], sizes = [1], strides = [1]} : vector<16xi32> to vector<1xi32>
      %squeeze3A_1552 = vector.extract %slice3A_1551[0] : i32 from vector<1xi32>
      %get3A_1553 = arith.constant 64 : i32
      %get3A_1554 = arith.index_cast %get3A_1553 : i32 to index
      %get3A_1555 = arith.index_cast %squeeze3A_1552 : i32 to index
      %get3A_1556 = tpu.vector_load %arg9[%get3A_1554, %get3A_1555] {strides = array<i32>} : memref<104x128xf32, #tpu.memory_space<vmem>>, vector<1x16xf32>,
      %get3A_1557 = vector.shape_cast %get3A_1556 : vector<1x16xf32> to vector<16xf32>
      %add3A_1558 = arith.addf %add3A_1546, %get3A_1557 : vector<16xf32>
      %slice3A_1559 = vector.extract_strided_slice %get3A_1550 {offsets = [1], sizes = [1], strides = [1]} : vector<16xi32> to vector<1xi32>
      %squeeze3A_1560 = vector.extract %slice3A_1559[0] : i32 from vector<1xi32>
      %get3A_1561 = arith.constant 65 : i32
      %get3A_1562 = arith.index_cast %get3A_1561 : i32 to index
      %get3A_1563 = arith.index_cast %squeeze3A_1560 : i32 to index
      %get3A_1564 = tpu.vector_load %arg9[%get3A_1562, %get3A_1563] {strides = array<i32>} : memref<104x128xf32, #tpu.memory_space<vmem>>, vector<1x16xf32>,
      %get3A_1565 = vector.shape_cast %get3A_1564 : vector<1x16xf32> to vector<16xf32>
      %add3A_1566 = arith.addf %add3A_1558, %get3A_1565 : vector<16xf32>
      %slice3A_1567 = vector.extract_strided_slice %get3A_1550 {offsets = [2], sizes = [1], strides = [1]} : vector<16xi32> to vector<1xi32>
      %squeeze3A_1568 = vector.extract %slice3A_1567[0] : i32 from vector<1xi32>
      %get3A_1569 = arith.constant 66 : i32
      %get3A_1570 = arith.index_cast %get3A_1569 : i32 to index
      %get3A_1571 = arith.index_cast %squeeze3A_1568 : i32 to index
      %get3A_1572 = tpu.vector_load %arg9[%get3A_1570, %get3A_1571] {strides = array<i32>} : memref<104x128xf32, #tpu.memory_space<vmem>>, vector<1x16xf32>,
      %get3A_1573 = vector.shape_cast %get3A_1572 : vector<1x16xf32> to vector<16xf32>
      %add3A_1574 = arith.addf %add3A_1566, %get3A_1573 : vector<16xf32>
      %slice3A_1575 = vector.extract_strided_slice %get3A_1550 {offsets = [3], sizes = [1], strides = [1]} : vector<16xi32> to vector<1xi32>
      %squeeze3A_1576 = vector.extract %slice3A_1575[0] : i32 from vector<1xi32>
      %get3A_1577 = arith.constant 67 : i32
      %get3A_1578 = arith.index_cast %get3A_1577 : i32 to index
      %get3A_1579 = arith.index_cast %squeeze3A_1576 : i32 to index
      %get3A_1580 = tpu.vector_load %arg9[%get3A_1578, %get3A_1579] {strides = array<i32>} : memref<104x128xf32, #tpu.memory_space<vmem>>, vector<1x16xf32>,
      %get3A_1581 = vector.shape_cast %get3A_1580 : vector<1x16xf32> to vector<16xf32>
      %add3A_1582 = arith.addf %add3A_1574, %get3A_1581 : vector<16xf32>
      %slice3A_1583 = vector.extract_strided_slice %get3A_1550 {offsets = [4], sizes = [1], strides = [1]} : vector<16xi32> to vector<1xi32>
      %squeeze3A_1584 = vector.extract %slice3A_1583[0] : i32 from vector<1xi32>
      %get3A_1585 = arith.constant 68 : i32
      %get3A_1586 = arith.index_cast %get3A_1585 : i32 to index
      %get3A_1587 = arith.index_cast %squeeze3A_1584 : i32 to index
      %get3A_1588 = tpu.vector_load %arg9[%get3A_1586, %get3A_1587] {strides = array<i32>} : memref<104x128xf32, #tpu.memory_space<vmem>>, vector<1x16xf32>,
      %get3A_1589 = vector.shape_cast %get3A_1588 : vector<1x16xf32> to vector<16xf32>
      %add3A_1590 = arith.addf %add3A_1582, %get3A_1589 : vector<16xf32>
      %slice3A_1591 = vector.extract_strided_slice %get3A_1550 {offsets = [5], sizes = [1], strides = [1]} : vector<16xi32> to vector<1xi32>
      %squeeze3A_1592 = vector.extract %slice3A_1591[0] : i32 from vector<1xi32>
      %get3A_1593 = arith.constant 69 : i32
      %get3A_1594 = arith.index_cast %get3A_1593 : i32 to index
      %get3A_1595 = arith.index_cast %squeeze3A_1592 : i32 to index
      %get3A_1596 = tpu.vector_load %arg9[%get3A_1594, %get3A_1595] {strides = array<i32>} : memref<104x128xf32, #tpu.memory_space<vmem>>, vector<1x16xf32>,
      %get3A_1597 = vector.shape_cast %get3A_1596 : vector<1x16xf32> to vector<16xf32>
      %add3A_1598 = arith.addf %add3A_1590, %get3A_1597 : vector<16xf32>
      %slice3A_1599 = vector.extract_strided_slice %get3A_1550 {offsets = [6], sizes = [1], strides = [1]} : vector<16xi32> to vector<1xi32>
      %squeeze3A_1600 = vector.extract %slice3A_1599[0] : i32 from vector<1xi32>
      %get3A_1601 = arith.constant 70 : i32
      %get3A_1602 = arith.index_cast %get3A_1601 : i32 to index
      %get3A_1603 = arith.index_cast %squeeze3A_1600 : i32 to index
      %get3A_1604 = tpu.vector_load %arg9[%get3A_1602, %get3A_1603] {strides = array<i32>} : memref<104x128xf32, #tpu.memory_space<vmem>>, vector<1x16xf32>,
      %get3A_1605 = vector.shape_cast %get3A_1604 : vector<1x16xf32> to vector<16xf32>
      %add3A_1606 = arith.addf %add3A_1598, %get3A_1605 : vector<16xf32>
      %slice3A_1607 = vector.extract_strided_slice %get3A_1550 {offsets = [7], sizes = [1], strides = [1]} : vector<16xi32> to vector<1xi32>
      %squeeze3A_1608 = vector.extract %slice3A_1607[0] : i32 from vector<1xi32>
      %get3A_1609 = arith.constant 71 : i32
      %get3A_1610 = arith.index_cast %get3A_1609 : i32 to index
      %get3A_1611 = arith.index_cast %squeeze3A_1608 : i32 to index
      %get3A_1612 = tpu.vector_load %arg9[%get3A_1610, %get3A_1611] {strides = array<i32>} : memref<104x128xf32, #tpu.memory_space<vmem>>, vector<1x16xf32>,
      %get3A_1613 = vector.shape_cast %get3A_1612 : vector<1x16xf32> to vector<16xf32>
      %add3A_1614 = arith.addf %add3A_1606, %get3A_1613 : vector<16xf32>
      %slice3A_1615 = vector.extract_strided_slice %get3A_1550 {offsets = [8], sizes = [1], strides = [1]} : vector<16xi32> to vector<1xi32>
      %squeeze3A_1616 = vector.extract %slice3A_1615[0] : i32 from vector<1xi32>
      %get3A_1617 = arith.constant 72 : i32
      %get3A_1618 = arith.index_cast %get3A_1617 : i32 to index
      %get3A_1619 = arith.index_cast %squeeze3A_1616 : i32 to index
      %get3A_1620 = tpu.vector_load %arg9[%get3A_1618, %get3A_1619] {strides = array<i32>} : memref<104x128xf32, #tpu.memory_space<vmem>>, vector<1x16xf32>,
      %get3A_1621 = vector.shape_cast %get3A_1620 : vector<1x16xf32> to vector<16xf32>
      %add3A_1622 = arith.addf %add3A_1614, %get3A_1621 : vector<16xf32>
      %slice3A_1623 = vector.extract_strided_slice %get3A_1550 {offsets = [9], sizes = [1], strides = [1]} : vector<16xi32> to vector<1xi32>
      %squeeze3A_1624 = vector.extract %slice3A_1623[0] : i32 from vector<1xi32>
      %get3A_1625 = arith.constant 73 : i32
      %get3A_1626 = arith.index_cast %get3A_1625 : i32 to index
      %get3A_1627 = arith.index_cast %squeeze3A_1624 : i32 to index
      %get3A_1628 = tpu.vector_load %arg9[%get3A_1626, %get3A_1627] {strides = array<i32>} : memref<104x128xf32, #tpu.memory_space<vmem>>, vector<1x16xf32>,
      %get3A_1629 = vector.shape_cast %get3A_1628 : vector<1x16xf32> to vector<16xf32>
      %add3A_1630 = arith.addf %add3A_1622, %get3A_1629 : vector<16xf32>
      %slice3A_1631 = vector.extract_strided_slice %get3A_1550 {offsets = [10], sizes = [1], strides = [1]} : vector<16xi32> to vector<1xi32>
      %squeeze3A_1632 = vector.extract %slice3A_1631[0] : i32 from vector<1xi32>
      %get3A_1633 = arith.constant 74 : i32
      %get3A_1634 = arith.index_cast %get3A_1633 : i32 to index
      %get3A_1635 = arith.index_cast %squeeze3A_1632 : i32 to index
      %get3A_1636 = tpu.vector_load %arg9[%get3A_1634, %get3A_1635] {strides = array<i32>} : memref<104x128xf32, #tpu.memory_space<vmem>>, vector<1x16xf32>,
      %get3A_1637 = vector.shape_cast %get3A_1636 : vector<1x16xf32> to vector<16xf32>
      %add3A_1638 = arith.addf %add3A_1630, %get3A_1637 : vector<16xf32>
      %slice3A_1639 = vector.extract_strided_slice %get3A_1550 {offsets = [11], sizes = [1], strides = [1]} : vector<16xi32> to vector<1xi32>
      %squeeze3A_1640 = vector.extract %slice3A_1639[0] : i32 from vector<1xi32>
      %get3A_1641 = arith.constant 75 : i32
      %get3A_1642 = arith.index_cast %get3A_1641 : i32 to index
      %get3A_1643 = arith.index_cast %squeeze3A_1640 : i32 to index
      %get3A_1644 = tpu.vector_load %arg9[%get3A_1642, %get3A_1643] {strides = array<i32>} : memref<104x128xf32, #tpu.memory_space<vmem>>, vector<1x16xf32>,
      %get3A_1645 = vector.shape_cast %get3A_1644 : vector<1x16xf32> to vector<16xf32>
      %add3A_1646 = arith.addf %add3A_1638, %get3A_1645 : vector<16xf32>
      %slice3A_1647 = vector.extract_strided_slice %get3A_1550 {offsets = [12], sizes = [1], strides = [1]} : vector<16xi32> to vector<1xi32>
      %squeeze3A_1648 = vector.extract %slice3A_1647[0] : i32 from vector<1xi32>
      %get3A_1649 = arith.constant 76 : i32
      %get3A_1650 = arith.index_cast %get3A_1649 : i32 to index
      %get3A_1651 = arith.index_cast %squeeze3A_1648 : i32 to index
      %get3A_1652 = tpu.vector_load %arg9[%get3A_1650, %get3A_1651] {strides = array<i32>} : memref<104x128xf32, #tpu.memory_space<vmem>>, vector<1x16xf32>,
      %get3A_1653 = vector.shape_cast %get3A_1652 : vector<1x16xf32> to vector<16xf32>
      %add3A_1654 = arith.addf %add3A_1646, %get3A_1653 : vector<16xf32>
      %slice3A_1655 = vector.extract_strided_slice %get3A_1550 {offsets = [13], sizes = [1], strides = [1]} : vector<16xi32> to vector<1xi32>
      %squeeze3A_1656 = vector.extract %slice3A_1655[0] : i32 from vector<1xi32>
      %get3A_1657 = arith.constant 77 : i32
      %get3A_1658 = arith.index_cast %get3A_1657 : i32 to index
      %get3A_1659 = arith.index_cast %squeeze3A_1656 : i32 to index
      %get3A_1660 = tpu.vector_load %arg9[%get3A_1658, %get3A_1659] {strides = array<i32>} : memref<104x128xf32, #tpu.memory_space<vmem>>, vector<1x16xf32>,
      %get3A_1661 = vector.shape_cast %get3A_1660 : vector<1x16xf32> to vector<16xf32>
      %add3A_1662 = arith.addf %add3A_1654, %get3A_1661 : vector<16xf32>
      %mul3A_1663 = arith.constant 4 : i32
      %mul3A_1664 = arith.muli %add3A_974, %mul3A_1663 : i32
      %add3A_1665 = arith.constant 2 : i32
      %add3A_1666 = arith.addi %mul3A_1664, %add3A_1665 : i32
      %shift_right_arithmetic3A_1667 = arith.constant 3 : i32
      %shift_right_arithmetic3A_1668 = arith.shrsi %add3A_1666, %shift_right_arithmetic3A_1667 : i32
      %and3A_1669 = arith.constant 7 : i32
      %and3A_1670 = arith.andi %add3A_1666, %and3A_1669 : i32
      %mul3A_1671 = arith.constant 16 : i32
      %mul3A_1672 = arith.muli %and3A_1670, %mul3A_1671 : i32
      %swap3A_1673 = arith.index_cast %shift_right_arithmetic3A_1668 : i32 to index
      %swap3A_1674 = arith.index_cast %mul3A_1672 : i32 to index
      %swap3A_1675 = tpu.vector_load %arg10[%swap3A_1673, %swap3A_1674] {strides = array<i32>} : memref<64x128xf32, #tpu.memory_space<vmem>>, vector<1x16xf32>,
      %swap3A_1676 = vector.shape_cast %swap3A_1675 : vector<1x16xf32> to vector<16xf32>
      %swap3A_1677 = vector.shape_cast %add3A_1662 : vector<16xf32> to vector<1x16xf32>
      tpu.vector_store %arg10[%swap3A_1673, %swap3A_1674], %swap3A_1677 {strides = array<i32>} : memref<64x128xf32, #tpu.memory_space<vmem>>, vector<1x16xf32>,
      %broadcast_in_dim3A_1678 = arith.constant 0.000000e+00 : f32
      %broadcast_in_dim3A_1679 = vector.broadcast %broadcast_in_dim3A_1678 : f32 to vector<16xf32>
      %get3A_1680 = arith.index_cast %add3A_974 : i32 to index
      %get3A_1681 = arith.constant 64 : index
      %get3A_1682 = tpu.vector_load %arg7[%get3A_1680, %get3A_1681] {strides = array<i32>} : memref<128x128xi32, #tpu.memory_space<vmem>>, vector<1x16xi32>,
      %get3A_1683 = vector.shape_cast %get3A_1682 : vector<1x16xi32> to vector<16xi32>
      %slice3A_1684 = vector.extract_strided_slice %get3A_1683 {offsets = [14], sizes = [1], strides = [1]} : vector<16xi32> to vector<1xi32>
      %squeeze3A_1685 = vector.extract %slice3A_1684[0] : i32 from vector<1xi32>
      %get3A_1686 = arith.constant 78 : i32
      %get3A_1687 = arith.index_cast %get3A_1686 : i32 to index
      %get3A_1688 = arith.index_cast %squeeze3A_1685 : i32 to index
      %get3A_1689 = tpu.vector_load %arg9[%get3A_1687, %get3A_1688] {strides = array<i32>} : memref<104x128xf32, #tpu.memory_space<vmem>>, vector<1x16xf32>,
      %get3A_1690 = vector.shape_cast %get3A_1689 : vector<1x16xf32> to vector<16xf32>
      %add3A_1691 = arith.addf %broadcast_in_dim3A_1679, %get3A_1690 : vector<16xf32>
      %slice3A_1692 = vector.extract_strided_slice %get3A_1683 {offsets = [15], sizes = [1], strides = [1]} : vector<16xi32> to vector<1xi32>
      %squeeze3A_1693 = vector.extract %slice3A_1692[0] : i32 from vector<1xi32>
      %get3A_1694 = arith.constant 79 : i32
      %get3A_1695 = arith.index_cast %get3A_1694 : i32 to index
      %get3A_1696 = arith.index_cast %squeeze3A_1693 : i32 to index
      %get3A_1697 = tpu.vector_load %arg9[%get3A_1695, %get3A_1696] {strides = array<i32>} : memref<104x128xf32, #tpu.memory_space<vmem>>, vector<1x16xf32>,
      %get3A_1698 = vector.shape_cast %get3A_1697 : vector<1x16xf32> to vector<16xf32>
      %add3A_1699 = arith.addf %add3A_1691, %get3A_1698 : vector<16xf32>
      %get3A_1700 = arith.index_cast %add3A_974 : i32 to index
      %get3A_1701 = arith.constant 80 : index
      %get3A_1702 = tpu.vector_load %arg7[%get3A_1700, %get3A_1701] {strides = array<i32>} : memref<128x128xi32, #tpu.memory_space<vmem>>, vector<1x16xi32>,
      %get3A_1703 = vector.shape_cast %get3A_1702 : vector<1x16xi32> to vector<16xi32>
      %slice3A_1704 = vector.extract_strided_slice %get3A_1703 {offsets = [0], sizes = [1], strides = [1]} : vector<16xi32> to vector<1xi32>
      %squeeze3A_1705 = vector.extract %slice3A_1704[0] : i32 from vector<1xi32>
      %get3A_1706 = arith.constant 80 : i32
      %get3A_1707 = arith.index_cast %get3A_1706 : i32 to index
      %get3A_1708 = arith.index_cast %squeeze3A_1705 : i32 to index
      %get3A_1709 = tpu.vector_load %arg9[%get3A_1707, %get3A_1708] {strides = array<i32>} : memref<104x128xf32, #tpu.memory_space<vmem>>, vector<1x16xf32>,
      %get3A_1710 = vector.shape_cast %get3A_1709 : vector<1x16xf32> to vector<16xf32>
      %add3A_1711 = arith.addf %add3A_1699, %get3A_1710 : vector<16xf32>
      %slice3A_1712 = vector.extract_strided_slice %get3A_1703 {offsets = [1], sizes = [1], strides = [1]} : vector<16xi32> to vector<1xi32>
      %squeeze3A_1713 = vector.extract %slice3A_1712[0] : i32 from vector<1xi32>
      %get3A_1714 = arith.constant 81 : i32
      %get3A_1715 = arith.index_cast %get3A_1714 : i32 to index
      %get3A_1716 = arith.index_cast %squeeze3A_1713 : i32 to index
      %get3A_1717 = tpu.vector_load %arg9[%get3A_1715, %get3A_1716] {strides = array<i32>} : memref<104x128xf32, #tpu.memory_space<vmem>>, vector<1x16xf32>,
      %get3A_1718 = vector.shape_cast %get3A_1717 : vector<1x16xf32> to vector<16xf32>
      %add3A_1719 = arith.addf %add3A_1711, %get3A_1718 : vector<16xf32>
      %slice3A_1720 = vector.extract_strided_slice %get3A_1703 {offsets = [2], sizes = [1], strides = [1]} : vector<16xi32> to vector<1xi32>
      %squeeze3A_1721 = vector.extract %slice3A_1720[0] : i32 from vector<1xi32>
      %get3A_1722 = arith.constant 82 : i32
      %get3A_1723 = arith.index_cast %get3A_1722 : i32 to index
      %get3A_1724 = arith.index_cast %squeeze3A_1721 : i32 to index
      %get3A_1725 = tpu.vector_load %arg9[%get3A_1723, %get3A_1724] {strides = array<i32>} : memref<104x128xf32, #tpu.memory_space<vmem>>, vector<1x16xf32>,
      %get3A_1726 = vector.shape_cast %get3A_1725 : vector<1x16xf32> to vector<16xf32>
      %add3A_1727 = arith.addf %add3A_1719, %get3A_1726 : vector<16xf32>
      %slice3A_1728 = vector.extract_strided_slice %get3A_1703 {offsets = [3], sizes = [1], strides = [1]} : vector<16xi32> to vector<1xi32>
      %squeeze3A_1729 = vector.extract %slice3A_1728[0] : i32 from vector<1xi32>
      %get3A_1730 = arith.constant 83 : i32
      %get3A_1731 = arith.index_cast %get3A_1730 : i32 to index
      %get3A_1732 = arith.index_cast %squeeze3A_1729 : i32 to index
      %get3A_1733 = tpu.vector_load %arg9[%get3A_1731, %get3A_1732] {strides = array<i32>} : memref<104x128xf32, #tpu.memory_space<vmem>>, vector<1x16xf32>,
      %get3A_1734 = vector.shape_cast %get3A_1733 : vector<1x16xf32> to vector<16xf32>
      %add3A_1735 = arith.addf %add3A_1727, %get3A_1734 : vector<16xf32>
      %slice3A_1736 = vector.extract_strided_slice %get3A_1703 {offsets = [4], sizes = [1], strides = [1]} : vector<16xi32> to vector<1xi32>
      %squeeze3A_1737 = vector.extract %slice3A_1736[0] : i32 from vector<1xi32>
      %get3A_1738 = arith.constant 84 : i32
      %get3A_1739 = arith.index_cast %get3A_1738 : i32 to index
      %get3A_1740 = arith.index_cast %squeeze3A_1737 : i32 to index
      %get3A_1741 = tpu.vector_load %arg9[%get3A_1739, %get3A_1740] {strides = array<i32>} : memref<104x128xf32, #tpu.memory_space<vmem>>, vector<1x16xf32>,
      %get3A_1742 = vector.shape_cast %get3A_1741 : vector<1x16xf32> to vector<16xf32>
      %add3A_1743 = arith.addf %add3A_1735, %get3A_1742 : vector<16xf32>
      %slice3A_1744 = vector.extract_strided_slice %get3A_1703 {offsets = [5], sizes = [1], strides = [1]} : vector<16xi32> to vector<1xi32>
      %squeeze3A_1745 = vector.extract %slice3A_1744[0] : i32 from vector<1xi32>
      %get3A_1746 = arith.constant 85 : i32
      %get3A_1747 = arith.index_cast %get3A_1746 : i32 to index
      %get3A_1748 = arith.index_cast %squeeze3A_1745 : i32 to index
      %get3A_1749 = tpu.vector_load %arg9[%get3A_1747, %get3A_1748] {strides = array<i32>} : memref<104x128xf32, #tpu.memory_space<vmem>>, vector<1x16xf32>,
      %get3A_1750 = vector.shape_cast %get3A_1749 : vector<1x16xf32> to vector<16xf32>
      %add3A_1751 = arith.addf %add3A_1743, %get3A_1750 : vector<16xf32>
      %slice3A_1752 = vector.extract_strided_slice %get3A_1703 {offsets = [6], sizes = [1], strides = [1]} : vector<16xi32> to vector<1xi32>
      %squeeze3A_1753 = vector.extract %slice3A_1752[0] : i32 from vector<1xi32>
      %get3A_1754 = arith.constant 86 : i32
      %get3A_1755 = arith.index_cast %get3A_1754 : i32 to index
      %get3A_1756 = arith.index_cast %squeeze3A_1753 : i32 to index
      %get3A_1757 = tpu.vector_load %arg9[%get3A_1755, %get3A_1756] {strides = array<i32>} : memref<104x128xf32, #tpu.memory_space<vmem>>, vector<1x16xf32>,
      %get3A_1758 = vector.shape_cast %get3A_1757 : vector<1x16xf32> to vector<16xf32>
      %add3A_1759 = arith.addf %add3A_1751, %get3A_1758 : vector<16xf32>
      %slice3A_1760 = vector.extract_strided_slice %get3A_1703 {offsets = [7], sizes = [1], strides = [1]} : vector<16xi32> to vector<1xi32>
      %squeeze3A_1761 = vector.extract %slice3A_1760[0] : i32 from vector<1xi32>
      %get3A_1762 = arith.constant 87 : i32
      %get3A_1763 = arith.index_cast %get3A_1762 : i32 to index
      %get3A_1764 = arith.index_cast %squeeze3A_1761 : i32 to index
      %get3A_1765 = tpu.vector_load %arg9[%get3A_1763, %get3A_1764] {strides = array<i32>} : memref<104x128xf32, #tpu.memory_space<vmem>>, vector<1x16xf32>,
      %get3A_1766 = vector.shape_cast %get3A_1765 : vector<1x16xf32> to vector<16xf32>
      %add3A_1767 = arith.addf %add3A_1759, %get3A_1766 : vector<16xf32>
      %slice3A_1768 = vector.extract_strided_slice %get3A_1703 {offsets = [8], sizes = [1], strides = [1]} : vector<16xi32> to vector<1xi32>
      %squeeze3A_1769 = vector.extract %slice3A_1768[0] : i32 from vector<1xi32>
      %get3A_1770 = arith.constant 88 : i32
      %get3A_1771 = arith.index_cast %get3A_1770 : i32 to index
      %get3A_1772 = arith.index_cast %squeeze3A_1769 : i32 to index
      %get3A_1773 = tpu.vector_load %arg9[%get3A_1771, %get3A_1772] {strides = array<i32>} : memref<104x128xf32, #tpu.memory_space<vmem>>, vector<1x16xf32>,
      %get3A_1774 = vector.shape_cast %get3A_1773 : vector<1x16xf32> to vector<16xf32>
      %add3A_1775 = arith.addf %add3A_1767, %get3A_1774 : vector<16xf32>
      %slice3A_1776 = vector.extract_strided_slice %get3A_1703 {offsets = [9], sizes = [1], strides = [1]} : vector<16xi32> to vector<1xi32>
      %squeeze3A_1777 = vector.extract %slice3A_1776[0] : i32 from vector<1xi32>
      %get3A_1778 = arith.constant 89 : i32
      %get3A_1779 = arith.index_cast %get3A_1778 : i32 to index
      %get3A_1780 = arith.index_cast %squeeze3A_1777 : i32 to index
      %get3A_1781 = tpu.vector_load %arg9[%get3A_1779, %get3A_1780] {strides = array<i32>} : memref<104x128xf32, #tpu.memory_space<vmem>>, vector<1x16xf32>,
      %get3A_1782 = vector.shape_cast %get3A_1781 : vector<1x16xf32> to vector<16xf32>
      %add3A_1783 = arith.addf %add3A_1775, %get3A_1782 : vector<16xf32>
      %slice3A_1784 = vector.extract_strided_slice %get3A_1703 {offsets = [10], sizes = [1], strides = [1]} : vector<16xi32> to vector<1xi32>
      %squeeze3A_1785 = vector.extract %slice3A_1784[0] : i32 from vector<1xi32>
      %get3A_1786 = arith.constant 90 : i32
      %get3A_1787 = arith.index_cast %get3A_1786 : i32 to index
      %get3A_1788 = arith.index_cast %squeeze3A_1785 : i32 to index
      %get3A_1789 = tpu.vector_load %arg9[%get3A_1787, %get3A_1788] {strides = array<i32>} : memref<104x128xf32, #tpu.memory_space<vmem>>, vector<1x16xf32>,
      %get3A_1790 = vector.shape_cast %get3A_1789 : vector<1x16xf32> to vector<16xf32>
      %add3A_1791 = arith.addf %add3A_1783, %get3A_1790 : vector<16xf32>
      %slice3A_1792 = vector.extract_strided_slice %get3A_1703 {offsets = [11], sizes = [1], strides = [1]} : vector<16xi32> to vector<1xi32>
      %squeeze3A_1793 = vector.extract %slice3A_1792[0] : i32 from vector<1xi32>
      %get3A_1794 = arith.constant 91 : i32
      %get3A_1795 = arith.index_cast %get3A_1794 : i32 to index
      %get3A_1796 = arith.index_cast %squeeze3A_1793 : i32 to index
      %get3A_1797 = tpu.vector_load %arg9[%get3A_1795, %get3A_1796] {strides = array<i32>} : memref<104x128xf32, #tpu.memory_space<vmem>>, vector<1x16xf32>,
      %get3A_1798 = vector.shape_cast %get3A_1797 : vector<1x16xf32> to vector<16xf32>
      %add3A_1799 = arith.addf %add3A_1791, %get3A_1798 : vector<16xf32>
      %slice3A_1800 = vector.extract_strided_slice %get3A_1703 {offsets = [12], sizes = [1], strides = [1]} : vector<16xi32> to vector<1xi32>
      %squeeze3A_1801 = vector.extract %slice3A_1800[0] : i32 from vector<1xi32>
      %get3A_1802 = arith.constant 92 : i32
      %get3A_1803 = arith.index_cast %get3A_1802 : i32 to index
      %get3A_1804 = arith.index_cast %squeeze3A_1801 : i32 to index
      %get3A_1805 = tpu.vector_load %arg9[%get3A_1803, %get3A_1804] {strides = array<i32>} : memref<104x128xf32, #tpu.memory_space<vmem>>, vector<1x16xf32>,
      %get3A_1806 = vector.shape_cast %get3A_1805 : vector<1x16xf32> to vector<16xf32>
      %add3A_1807 = arith.addf %add3A_1799, %get3A_1806 : vector<16xf32>
      %slice3A_1808 = vector.extract_strided_slice %get3A_1703 {offsets = [13], sizes = [1], strides = [1]} : vector<16xi32> to vector<1xi32>
      %squeeze3A_1809 = vector.extract %slice3A_1808[0] : i32 from vector<1xi32>
      %get3A_1810 = arith.constant 93 : i32
      %get3A_1811 = arith.index_cast %get3A_1810 : i32 to index
      %get3A_1812 = arith.index_cast %squeeze3A_1809 : i32 to index
      %get3A_1813 = tpu.vector_load %arg9[%get3A_1811, %get3A_1812] {strides = array<i32>} : memref<104x128xf32, #tpu.memory_space<vmem>>, vector<1x16xf32>,
      %get3A_1814 = vector.shape_cast %get3A_1813 : vector<1x16xf32> to vector<16xf32>
      %add3A_1815 = arith.addf %add3A_1807, %get3A_1814 : vector<16xf32>
      %slice3A_1816 = vector.extract_strided_slice %get3A_1703 {offsets = [14], sizes = [1], strides = [1]} : vector<16xi32> to vector<1xi32>
      %squeeze3A_1817 = vector.extract %slice3A_1816[0] : i32 from vector<1xi32>
      %get3A_1818 = arith.constant 94 : i32
      %get3A_1819 = arith.index_cast %get3A_1818 : i32 to index
      %get3A_1820 = arith.index_cast %squeeze3A_1817 : i32 to index
      %get3A_1821 = tpu.vector_load %arg9[%get3A_1819, %get3A_1820] {strides = array<i32>} : memref<104x128xf32, #tpu.memory_space<vmem>>, vector<1x16xf32>,
      %get3A_1822 = vector.shape_cast %get3A_1821 : vector<1x16xf32> to vector<16xf32>
      %add3A_1823 = arith.addf %add3A_1815, %get3A_1822 : vector<16xf32>
      %slice3A_1824 = vector.extract_strided_slice %get3A_1703 {offsets = [15], sizes = [1], strides = [1]} : vector<16xi32> to vector<1xi32>
      %squeeze3A_1825 = vector.extract %slice3A_1824[0] : i32 from vector<1xi32>
      %get3A_1826 = arith.constant 95 : i32
      %get3A_1827 = arith.index_cast %get3A_1826 : i32 to index
      %get3A_1828 = arith.index_cast %squeeze3A_1825 : i32 to index
      %get3A_1829 = tpu.vector_load %arg9[%get3A_1827, %get3A_1828] {strides = array<i32>} : memref<104x128xf32, #tpu.memory_space<vmem>>, vector<1x16xf32>,
      %get3A_1830 = vector.shape_cast %get3A_1829 : vector<1x16xf32> to vector<16xf32>
      %add3A_1831 = arith.addf %add3A_1823, %get3A_1830 : vector<16xf32>
      %get3A_1832 = arith.index_cast %add3A_974 : i32 to index
      %get3A_1833 = arith.constant 96 : index
      %get3A_1834 = tpu.vector_load %arg7[%get3A_1832, %get3A_1833] {strides = array<i32>} : memref<128x128xi32, #tpu.memory_space<vmem>>, vector<1x16xi32>,
      %get3A_1835 = vector.shape_cast %get3A_1834 : vector<1x16xi32> to vector<16xi32>
      %slice3A_1836 = vector.extract_strided_slice %get3A_1835 {offsets = [0], sizes = [1], strides = [1]} : vector<16xi32> to vector<1xi32>
      %squeeze3A_1837 = vector.extract %slice3A_1836[0] : i32 from vector<1xi32>
      %get3A_1838 = arith.constant 96 : i32
      %get3A_1839 = arith.index_cast %get3A_1838 : i32 to index
      %get3A_1840 = arith.index_cast %squeeze3A_1837 : i32 to index
      %get3A_1841 = tpu.vector_load %arg9[%get3A_1839, %get3A_1840] {strides = array<i32>} : memref<104x128xf32, #tpu.memory_space<vmem>>, vector<1x16xf32>,
      %get3A_1842 = vector.shape_cast %get3A_1841 : vector<1x16xf32> to vector<16xf32>
      %add3A_1843 = arith.addf %add3A_1831, %get3A_1842 : vector<16xf32>
      %slice3A_1844 = vector.extract_strided_slice %get3A_1835 {offsets = [1], sizes = [1], strides = [1]} : vector<16xi32> to vector<1xi32>
      %squeeze3A_1845 = vector.extract %slice3A_1844[0] : i32 from vector<1xi32>
      %get3A_1846 = arith.constant 97 : i32
      %get3A_1847 = arith.index_cast %get3A_1846 : i32 to index
      %get3A_1848 = arith.index_cast %squeeze3A_1845 : i32 to index
      %get3A_1849 = tpu.vector_load %arg9[%get3A_1847, %get3A_1848] {strides = array<i32>} : memref<104x128xf32, #tpu.memory_space<vmem>>, vector<1x16xf32>,
      %get3A_1850 = vector.shape_cast %get3A_1849 : vector<1x16xf32> to vector<16xf32>
      %add3A_1851 = arith.addf %add3A_1843, %get3A_1850 : vector<16xf32>
      %slice3A_1852 = vector.extract_strided_slice %get3A_1835 {offsets = [2], sizes = [1], strides = [1]} : vector<16xi32> to vector<1xi32>
      %squeeze3A_1853 = vector.extract %slice3A_1852[0] : i32 from vector<1xi32>
      %get3A_1854 = arith.constant 98 : i32
      %get3A_1855 = arith.index_cast %get3A_1854 : i32 to index
      %get3A_1856 = arith.index_cast %squeeze3A_1853 : i32 to index
      %get3A_1857 = tpu.vector_load %arg9[%get3A_1855, %get3A_1856] {strides = array<i32>} : memref<104x128xf32, #tpu.memory_space<vmem>>, vector<1x16xf32>,
      %get3A_1858 = vector.shape_cast %get3A_1857 : vector<1x16xf32> to vector<16xf32>
      %add3A_1859 = arith.addf %add3A_1851, %get3A_1858 : vector<16xf32>
      %slice3A_1860 = vector.extract_strided_slice %get3A_1835 {offsets = [3], sizes = [1], strides = [1]} : vector<16xi32> to vector<1xi32>
      %squeeze3A_1861 = vector.extract %slice3A_1860[0] : i32 from vector<1xi32>
      %get3A_1862 = arith.constant 99 : i32
      %get3A_1863 = arith.index_cast %get3A_1862 : i32 to index
      %get3A_1864 = arith.index_cast %squeeze3A_1861 : i32 to index
      %get3A_1865 = tpu.vector_load %arg9[%get3A_1863, %get3A_1864] {strides = array<i32>} : memref<104x128xf32, #tpu.memory_space<vmem>>, vector<1x16xf32>,
      %get3A_1866 = vector.shape_cast %get3A_1865 : vector<1x16xf32> to vector<16xf32>
      %add3A_1867 = arith.addf %add3A_1859, %get3A_1866 : vector<16xf32>
      %slice3A_1868 = vector.extract_strided_slice %get3A_1835 {offsets = [4], sizes = [1], strides = [1]} : vector<16xi32> to vector<1xi32>
      %squeeze3A_1869 = vector.extract %slice3A_1868[0] : i32 from vector<1xi32>
      %get3A_1870 = arith.constant 100 : i32
      %get3A_1871 = arith.index_cast %get3A_1870 : i32 to index
      %get3A_1872 = arith.index_cast %squeeze3A_1869 : i32 to index
      %get3A_1873 = tpu.vector_load %arg9[%get3A_1871, %get3A_1872] {strides = array<i32>} : memref<104x128xf32, #tpu.memory_space<vmem>>, vector<1x16xf32>,
      %get3A_1874 = vector.shape_cast %get3A_1873 : vector<1x16xf32> to vector<16xf32>
      %add3A_1875 = arith.addf %add3A_1867, %get3A_1874 : vector<16xf32>
      %slice3A_1876 = vector.extract_strided_slice %get3A_1835 {offsets = [5], sizes = [1], strides = [1]} : vector<16xi32> to vector<1xi32>
      %squeeze3A_1877 = vector.extract %slice3A_1876[0] : i32 from vector<1xi32>
      %get3A_1878 = arith.constant 101 : i32
      %get3A_1879 = arith.index_cast %get3A_1878 : i32 to index
      %get3A_1880 = arith.index_cast %squeeze3A_1877 : i32 to index
      %get3A_1881 = tpu.vector_load %arg9[%get3A_1879, %get3A_1880] {strides = array<i32>} : memref<104x128xf32, #tpu.memory_space<vmem>>, vector<1x16xf32>,
      %get3A_1882 = vector.shape_cast %get3A_1881 : vector<1x16xf32> to vector<16xf32>
      %add3A_1883 = arith.addf %add3A_1875, %get3A_1882 : vector<16xf32>
      %slice3A_1884 = vector.extract_strided_slice %get3A_1835 {offsets = [6], sizes = [1], strides = [1]} : vector<16xi32> to vector<1xi32>
      %squeeze3A_1885 = vector.extract %slice3A_1884[0] : i32 from vector<1xi32>
      %get3A_1886 = arith.constant 102 : i32
      %get3A_1887 = arith.index_cast %get3A_1886 : i32 to index
      %get3A_1888 = arith.index_cast %squeeze3A_1885 : i32 to index
      %get3A_1889 = tpu.vector_load %arg9[%get3A_1887, %get3A_1888] {strides = array<i32>} : memref<104x128xf32, #tpu.memory_space<vmem>>, vector<1x16xf32>,
      %get3A_1890 = vector.shape_cast %get3A_1889 : vector<1x16xf32> to vector<16xf32>
      %add3A_1891 = arith.addf %add3A_1883, %get3A_1890 : vector<16xf32>
      %slice3A_1892 = vector.extract_strided_slice %get3A_1835 {offsets = [7], sizes = [1], strides = [1]} : vector<16xi32> to vector<1xi32>
      %squeeze3A_1893 = vector.extract %slice3A_1892[0] : i32 from vector<1xi32>
      %get3A_1894 = arith.constant 103 : i32
      %get3A_1895 = arith.index_cast %get3A_1894 : i32 to index
      %get3A_1896 = arith.index_cast %squeeze3A_1893 : i32 to index
      %get3A_1897 = tpu.vector_load %arg9[%get3A_1895, %get3A_1896] {strides = array<i32>} : memref<104x128xf32, #tpu.memory_space<vmem>>, vector<1x16xf32>,
      %get3A_1898 = vector.shape_cast %get3A_1897 : vector<1x16xf32> to vector<16xf32>
      %add3A_1899 = arith.addf %add3A_1891, %get3A_1898 : vector<16xf32>
      %mul3A_1900 = arith.constant 4 : i32
      %mul3A_1901 = arith.muli %add3A_974, %mul3A_1900 : i32
      %add3A_1902 = arith.constant 3 : i32
      %add3A_1903 = arith.addi %mul3A_1901, %add3A_1902 : i32
      %shift_right_arithmetic3A_1904 = arith.constant 3 : i32
      %shift_right_arithmetic3A_1905 = arith.shrsi %add3A_1903, %shift_right_arithmetic3A_1904 : i32
      %and3A_1906 = arith.constant 7 : i32
      %and3A_1907 = arith.andi %add3A_1903, %and3A_1906 : i32
      %mul3A_1908 = arith.constant 16 : i32
      %mul3A_1909 = arith.muli %and3A_1907, %mul3A_1908 : i32
      %swap3A_1910 = arith.index_cast %shift_right_arithmetic3A_1905 : i32 to index
      %swap3A_1911 = arith.index_cast %mul3A_1909 : i32 to index
      %swap3A_1912 = tpu.vector_load %arg10[%swap3A_1910, %swap3A_1911] {strides = array<i32>} : memref<64x128xf32, #tpu.memory_space<vmem>>, vector<1x16xf32>,
      %swap3A_1913 = vector.shape_cast %swap3A_1912 : vector<1x16xf32> to vector<16xf32>
      %swap3A_1914 = vector.shape_cast %add3A_1899 : vector<16xf32> to vector<1x16xf32>
      tpu.vector_store %arg10[%swap3A_1910, %swap3A_1911], %swap3A_1914 {strides = array<i32>} : memref<64x128xf32, #tpu.memory_space<vmem>>, vector<1x16xf32>,
    }
    %scan3A_11 = arith.constant 64 : i32
    %mul3A_12 = arith.constant 64 : i32
    %mul3A_13 = arith.muli %add3A, %mul3A_12 : i32
    "tpu.region"() ({
      %run_scoped3A = tpu.sem_alloc : memref<!tpu.dma_semaphore, #tpu.memory_space<semaphore_mem>>
      %dma_start3A_14 = arith.constant 0 : i32
      %dma_start3A_15 = tpu.memref_slice %arg5[%mul3A_13, %dma_start3A_14] : memref<2048x128xf32, #tpu.memory_space<hbm>> -> memref<64x128xf32, #tpu.memory_space<hbm>>
      %dma_start3A_16 = arith.constant 0 : i32
      %dma_start3A_17 = tpu.memref_slice %arg5[%mul3A_13, %dma_start3A_16] : memref<2048x128xf32, #tpu.memory_space<hbm>> -> memref<64x128xf32, #tpu.memory_space<hbm>>
      tpu.enqueue_dma source(%arg10 : memref<64x128xf32, #tpu.memory_space<vmem>>) target(%dma_start3A_17 : memref<64x128xf32, #tpu.memory_space<hbm>>) target_semaphore(%run_scoped3A : memref<!tpu.dma_semaphore, #tpu.memory_space<semaphore_mem>>)
      %dma_wait3A = arith.constant 0 : i32
      %dma_wait3A_18 = tpu.memref_slice %arg5[%mul3A_13, %dma_wait3A] : memref<2048x128xf32, #tpu.memory_space<hbm>> -> memref<64x128xf32, #tpu.memory_space<hbm>>
      %dma_wait3A_19 = arith.constant 0 : i32
      %dma_wait3A_20 = tpu.memref_slice %arg5[%mul3A_13, %dma_wait3A_19] : memref<2048x128xf32, #tpu.memory_space<hbm>> -> memref<64x128xf32, #tpu.memory_space<hbm>>
      tpu.wait_dma2 semaphore(%run_scoped3A : memref<!tpu.dma_semaphore, #tpu.memory_space<semaphore_mem>>) src(%arg10 : memref<64x128xf32, #tpu.memory_space<vmem>>) dst(%dma_wait3A_20 : memref<64x128xf32, #tpu.memory_space<hbm>>)
      tpu.yield
    }) : () -> ()
    return
  }
}

module attributes {stable_mosaic.version = 14 : i64} {
  func.func @body(%arg0: i32, %arg1: i32, %arg2: memref<1x50x8192xf32, #tpu.memory_space<vmem>>, %arg3: memref<1x16x50xf32, #tpu.memory_space<vmem>>, %arg4: memref<8x16x128xf32, #tpu.memory_space<vmem>>, %arg5: memref<1x1024x128xf32, #tpu.memory_space<vmem>>) attributes {dimension_semantics = [#tpu.dimension_semantics<arbitrary>, #tpu.dimension_semantics<arbitrary>], iteration_bounds = array<i64: 26, 13>, scalar_prefetch = 0 : i64, scratch_operands = 0 : i64, tpu.core_type = #tpu.core_type<tc>, window_params = [{transform_indices = @transform_0, window_bounds = array<i64: 1, 50, 8192>}, {transform_indices = @transform_1, window_bounds = array<i64: 1, 16, 50>}, {pipeline_mode = #tpu.pipeline_mode<synchronous>, transform_indices = @transform_2, window_bounds = array<i64: 8, 16, 128>}, {transform_indices = @transform_3, window_bounds = array<i64: 1, 1024, 128>}]} {
    %get3A = arith.constant 0 : index
    %get3A_0 = arith.constant 0 : index
    %get3A_1 = arith.constant 0 : index
    %get3A_2 = vector.load %arg3[%get3A, %get3A_0, %get3A_1] : memref<1x16x50xf32, #tpu.memory_space<vmem>>, vector<1x16x50xf32>
    %get3A_3 = vector.shape_cast %get3A_2 : vector<1x16x50xf32> to vector<16x50xf32>
    %get3A_4 = arith.constant 0 : index
    %get3A_5 = arith.constant 0 : index
    %get3A_6 = arith.constant 0 : index
    %get3A_7 = vector.load %arg2[%get3A_4, %get3A_5, %get3A_6] : memref<1x50x8192xf32, #tpu.memory_space<vmem>>, vector<1x50x8192xf32>
    %get3A_8 = vector.shape_cast %get3A_7 : vector<1x50x8192xf32> to vector<50x8192xf32>
    %dot_general3A = arith.constant dense<0.000000e+00> : vector<16x8192xf32>
    %dot_general3A_9 = tpu.matmul %get3A_3, %get3A_8, %dot_general3A {dimension_numbers = #tpu.dot_dimension_numbers<[1], [0], [0], [1], [0, 0, 1, 1], [], []>, transpose_lhs_hint = false} : vector<16x50xf32>, vector<50x8192xf32>, vector<16x8192xf32> -> vector<16x8192xf32>
    %slice3A = vector.extract_strided_slice %dot_general3A_9 {offsets = [0, 0], sizes = [16, 1024], strides = [1, 1]} : vector<16x8192xf32> to vector<16x1024xf32>
    %get3A_10 = arith.constant 0 : index
    %get3A_11 = arith.constant 0 : index
    %get3A_12 = arith.constant 0 : index
    %get3A_13 = vector.load %arg4[%get3A_10, %get3A_11, %get3A_12] : memref<8x16x128xf32, #tpu.memory_space<vmem>>, vector<1x16x128xf32>
    %get3A_14 = vector.shape_cast %get3A_13 : vector<1x16x128xf32> to vector<16x128xf32>
    %dot_general3A_15 = arith.constant dense<0.000000e+00> : vector<1024x128xf32>
    %dot_general3A_16 = tpu.matmul %slice3A, %get3A_14, %dot_general3A_15 {dimension_numbers = #tpu.dot_dimension_numbers<[0], [0], [1], [1], [0, 1, 1, 1], [], []>, transpose_lhs_hint = true} : vector<16x1024xf32>, vector<16x128xf32>, vector<1024x128xf32> -> vector<1024x128xf32>
    %slice3A_17 = vector.extract_strided_slice %dot_general3A_9 {offsets = [0, 1024], sizes = [16, 1024], strides = [1, 1]} : vector<16x8192xf32> to vector<16x1024xf32>
    %get3A_18 = arith.constant 1 : index
    %get3A_19 = arith.constant 0 : index
    %get3A_20 = arith.constant 0 : index
    %get3A_21 = vector.load %arg4[%get3A_18, %get3A_19, %get3A_20] : memref<8x16x128xf32, #tpu.memory_space<vmem>>, vector<1x16x128xf32>
    %get3A_22 = vector.shape_cast %get3A_21 : vector<1x16x128xf32> to vector<16x128xf32>
    %dot_general3A_23 = arith.constant dense<0.000000e+00> : vector<1024x128xf32>
    %dot_general3A_24 = tpu.matmul %slice3A_17, %get3A_22, %dot_general3A_23 {dimension_numbers = #tpu.dot_dimension_numbers<[0], [0], [1], [1], [0, 1, 1, 1], [], []>, transpose_lhs_hint = true} : vector<16x1024xf32>, vector<16x128xf32>, vector<1024x128xf32> -> vector<1024x128xf32>
    %add3A = arith.addf %dot_general3A_16, %dot_general3A_24 : vector<1024x128xf32>
    %slice3A_25 = vector.extract_strided_slice %dot_general3A_9 {offsets = [0, 2048], sizes = [16, 1024], strides = [1, 1]} : vector<16x8192xf32> to vector<16x1024xf32>
    %get3A_26 = arith.constant 2 : index
    %get3A_27 = arith.constant 0 : index
    %get3A_28 = arith.constant 0 : index
    %get3A_29 = vector.load %arg4[%get3A_26, %get3A_27, %get3A_28] : memref<8x16x128xf32, #tpu.memory_space<vmem>>, vector<1x16x128xf32>
    %get3A_30 = vector.shape_cast %get3A_29 : vector<1x16x128xf32> to vector<16x128xf32>
    %dot_general3A_31 = arith.constant dense<0.000000e+00> : vector<1024x128xf32>
    %dot_general3A_32 = tpu.matmul %slice3A_25, %get3A_30, %dot_general3A_31 {dimension_numbers = #tpu.dot_dimension_numbers<[0], [0], [1], [1], [0, 1, 1, 1], [], []>, transpose_lhs_hint = true} : vector<16x1024xf32>, vector<16x128xf32>, vector<1024x128xf32> -> vector<1024x128xf32>
    %add3A_33 = arith.addf %add3A, %dot_general3A_32 : vector<1024x128xf32>
    %slice3A_34 = vector.extract_strided_slice %dot_general3A_9 {offsets = [0, 3072], sizes = [16, 1024], strides = [1, 1]} : vector<16x8192xf32> to vector<16x1024xf32>
    %get3A_35 = arith.constant 3 : index
    %get3A_36 = arith.constant 0 : index
    %get3A_37 = arith.constant 0 : index
    %get3A_38 = vector.load %arg4[%get3A_35, %get3A_36, %get3A_37] : memref<8x16x128xf32, #tpu.memory_space<vmem>>, vector<1x16x128xf32>
    %get3A_39 = vector.shape_cast %get3A_38 : vector<1x16x128xf32> to vector<16x128xf32>
    %dot_general3A_40 = arith.constant dense<0.000000e+00> : vector<1024x128xf32>
    %dot_general3A_41 = tpu.matmul %slice3A_34, %get3A_39, %dot_general3A_40 {dimension_numbers = #tpu.dot_dimension_numbers<[0], [0], [1], [1], [0, 1, 1, 1], [], []>, transpose_lhs_hint = true} : vector<16x1024xf32>, vector<16x128xf32>, vector<1024x128xf32> -> vector<1024x128xf32>
    %add3A_42 = arith.addf %add3A_33, %dot_general3A_41 : vector<1024x128xf32>
    %slice3A_43 = vector.extract_strided_slice %dot_general3A_9 {offsets = [0, 4096], sizes = [16, 1024], strides = [1, 1]} : vector<16x8192xf32> to vector<16x1024xf32>
    %get3A_44 = arith.constant 4 : index
    %get3A_45 = arith.constant 0 : index
    %get3A_46 = arith.constant 0 : index
    %get3A_47 = vector.load %arg4[%get3A_44, %get3A_45, %get3A_46] : memref<8x16x128xf32, #tpu.memory_space<vmem>>, vector<1x16x128xf32>
    %get3A_48 = vector.shape_cast %get3A_47 : vector<1x16x128xf32> to vector<16x128xf32>
    %dot_general3A_49 = arith.constant dense<0.000000e+00> : vector<1024x128xf32>
    %dot_general3A_50 = tpu.matmul %slice3A_43, %get3A_48, %dot_general3A_49 {dimension_numbers = #tpu.dot_dimension_numbers<[0], [0], [1], [1], [0, 1, 1, 1], [], []>, transpose_lhs_hint = true} : vector<16x1024xf32>, vector<16x128xf32>, vector<1024x128xf32> -> vector<1024x128xf32>
    %add3A_51 = arith.addf %add3A_42, %dot_general3A_50 : vector<1024x128xf32>
    %slice3A_52 = vector.extract_strided_slice %dot_general3A_9 {offsets = [0, 5120], sizes = [16, 1024], strides = [1, 1]} : vector<16x8192xf32> to vector<16x1024xf32>
    %get3A_53 = arith.constant 5 : index
    %get3A_54 = arith.constant 0 : index
    %get3A_55 = arith.constant 0 : index
    %get3A_56 = vector.load %arg4[%get3A_53, %get3A_54, %get3A_55] : memref<8x16x128xf32, #tpu.memory_space<vmem>>, vector<1x16x128xf32>
    %get3A_57 = vector.shape_cast %get3A_56 : vector<1x16x128xf32> to vector<16x128xf32>
    %dot_general3A_58 = arith.constant dense<0.000000e+00> : vector<1024x128xf32>
    %dot_general3A_59 = tpu.matmul %slice3A_52, %get3A_57, %dot_general3A_58 {dimension_numbers = #tpu.dot_dimension_numbers<[0], [0], [1], [1], [0, 1, 1, 1], [], []>, transpose_lhs_hint = true} : vector<16x1024xf32>, vector<16x128xf32>, vector<1024x128xf32> -> vector<1024x128xf32>
    %add3A_60 = arith.addf %add3A_51, %dot_general3A_59 : vector<1024x128xf32>
    %slice3A_61 = vector.extract_strided_slice %dot_general3A_9 {offsets = [0, 6144], sizes = [16, 1024], strides = [1, 1]} : vector<16x8192xf32> to vector<16x1024xf32>
    %get3A_62 = arith.constant 6 : index
    %get3A_63 = arith.constant 0 : index
    %get3A_64 = arith.constant 0 : index
    %get3A_65 = vector.load %arg4[%get3A_62, %get3A_63, %get3A_64] : memref<8x16x128xf32, #tpu.memory_space<vmem>>, vector<1x16x128xf32>
    %get3A_66 = vector.shape_cast %get3A_65 : vector<1x16x128xf32> to vector<16x128xf32>
    %dot_general3A_67 = arith.constant dense<0.000000e+00> : vector<1024x128xf32>
    %dot_general3A_68 = tpu.matmul %slice3A_61, %get3A_66, %dot_general3A_67 {dimension_numbers = #tpu.dot_dimension_numbers<[0], [0], [1], [1], [0, 1, 1, 1], [], []>, transpose_lhs_hint = true} : vector<16x1024xf32>, vector<16x128xf32>, vector<1024x128xf32> -> vector<1024x128xf32>
    %add3A_69 = arith.addf %add3A_60, %dot_general3A_68 : vector<1024x128xf32>
    %slice3A_70 = vector.extract_strided_slice %dot_general3A_9 {offsets = [0, 7168], sizes = [16, 1024], strides = [1, 1]} : vector<16x8192xf32> to vector<16x1024xf32>
    %get3A_71 = arith.constant 7 : index
    %get3A_72 = arith.constant 0 : index
    %get3A_73 = arith.constant 0 : index
    %get3A_74 = vector.load %arg4[%get3A_71, %get3A_72, %get3A_73] : memref<8x16x128xf32, #tpu.memory_space<vmem>>, vector<1x16x128xf32>
    %get3A_75 = vector.shape_cast %get3A_74 : vector<1x16x128xf32> to vector<16x128xf32>
    %dot_general3A_76 = arith.constant dense<0.000000e+00> : vector<1024x128xf32>
    %dot_general3A_77 = tpu.matmul %slice3A_70, %get3A_75, %dot_general3A_76 {dimension_numbers = #tpu.dot_dimension_numbers<[0], [0], [1], [1], [0, 1, 1, 1], [], []>, transpose_lhs_hint = true} : vector<16x1024xf32>, vector<16x128xf32>, vector<1024x128xf32> -> vector<1024x128xf32>
    %add3A_78 = arith.addf %add3A_69, %dot_general3A_77 : vector<1024x128xf32>
    %swap3A = arith.constant 0 : index
    %swap3A_79 = arith.constant 0 : index
    %swap3A_80 = arith.constant 0 : index
    %swap3A_81 = vector.load %arg5[%swap3A, %swap3A_79, %swap3A_80] : memref<1x1024x128xf32, #tpu.memory_space<vmem>>, vector<1x1024x128xf32>
    %swap3A_82 = vector.shape_cast %swap3A_81 : vector<1x1024x128xf32> to vector<1024x128xf32>
    %swap3A_83 = vector.shape_cast %add3A_78 : vector<1024x128xf32> to vector<1x1024x128xf32>
    tpu.vector_store %arg5[%swap3A, %swap3A_79, %swap3A_80], %swap3A_83 {strides = array<i32>} : memref<1x1024x128xf32, #tpu.memory_space<vmem>>, vector<1x1024x128xf32>,
    return
  }
  func.func @transform_0(%arg0: i32, %arg1: i32) -> (i32, i32, i32) {
    %c0_i32 = arith.constant 0 : i32
    %c0_i32_0 = arith.constant 0 : i32
    return %arg0, %c0_i32, %arg1 : i32, i32, i32
  }
  func.func @transform_1(%arg0: i32, %arg1: i32) -> (i32, i32, i32) {
    %c0_i32 = arith.constant 0 : i32
    %c0_i32_0 = arith.constant 0 : i32
    %c0_i32_1 = arith.constant 0 : i32
    return %arg0, %c0_i32, %c0_i32_0 : i32, i32, i32
  }
  func.func @transform_2(%arg0: i32, %arg1: i32) -> (i32, i32, i32) {
    %c0_i32 = arith.constant 0 : i32
    %c0_i32_0 = arith.constant 0 : i32
    %c0_i32_1 = arith.constant 0 : i32
    %c0_i32_2 = arith.constant 0 : i32
    return %c0_i32, %c0_i32_0, %c0_i32_1 : i32, i32, i32
  }
  func.func @transform_3(%arg0: i32, %arg1: i32) -> (i32, i32, i32) {
    %c0_i32 = arith.constant 0 : i32
    %c0_i32_0 = arith.constant 0 : i32
    return %arg0, %arg1, %c0_i32 : i32, i32, i32
  }
}

module attributes {stable_mosaic.version = 14 : i64} {
  func.func @body(%arg0: i32, %arg1: memref<2048x16xf32, #tpu.memory_space<vmem>>, %arg2: memref<2048x13xf32, #tpu.memory_space<vmem>>, %arg3: memref<13x16xf32, #tpu.memory_space<vmem>>, %arg4: memref<1x16xf32, #tpu.memory_space<vmem>>, %arg5: memref<16x32xf32, #tpu.memory_space<vmem>>, %arg6: memref<1x32xf32, #tpu.memory_space<vmem>>, %arg7: memref<32x1xf32, #tpu.memory_space<vmem>>, %arg8: memref<1x1xf32, #tpu.memory_space<vmem>>, %arg9: memref<2048x1xf32, #tpu.memory_space<vmem>>) attributes {dimension_semantics = [#tpu.dimension_semantics<arbitrary>], iteration_bounds = array<i64: 8>, scalar_prefetch = 0 : i64, scratch_operands = 0 : i64, tpu.core_type = #tpu.core_type<tc>, window_params = [{transform_indices = @transform_0, window_bounds = array<i64: 2048, 16>}, {transform_indices = @transform_1, window_bounds = array<i64: 2048, 13>}, {pipeline_mode = #tpu.pipeline_mode<synchronous>, transform_indices = @transform_2, window_bounds = array<i64: 13, 16>}, {pipeline_mode = #tpu.pipeline_mode<synchronous>, transform_indices = @transform_3, window_bounds = array<i64: 1, 16>}, {pipeline_mode = #tpu.pipeline_mode<synchronous>, transform_indices = @transform_4, window_bounds = array<i64: 16, 32>}, {pipeline_mode = #tpu.pipeline_mode<synchronous>, transform_indices = @transform_5, window_bounds = array<i64: 1, 32>}, {pipeline_mode = #tpu.pipeline_mode<synchronous>, transform_indices = @transform_6, window_bounds = array<i64: 32, 1>}, {pipeline_mode = #tpu.pipeline_mode<synchronous>, transform_indices = @transform_7, window_bounds = array<i64: 1, 1>}, {transform_indices = @transform_8, window_bounds = array<i64: 2048, 1>}]} {
    %get3A = arith.constant 0 : index
    %get3A_0 = arith.constant 0 : index
    %get3A_1 = vector.load %arg1[%get3A, %get3A_0] : memref<2048x16xf32, #tpu.memory_space<vmem>>, vector<2048x16xf32>
    %get3A_2 = arith.constant 0 : index
    %get3A_3 = arith.constant 0 : index
    %get3A_4 = vector.load %arg2[%get3A_2, %get3A_3] : memref<2048x13xf32, #tpu.memory_space<vmem>>, vector<2048x13xf32>
    %get3A_5 = arith.constant 0 : index
    %get3A_6 = arith.constant 0 : index
    %get3A_7 = vector.load %arg3[%get3A_5, %get3A_6] : memref<13x16xf32, #tpu.memory_space<vmem>>, vector<13x16xf32>
    %dot_general3A = arith.constant dense<0.000000e+00> : vector<2048x16xf32>
    %dot_general3A_8 = tpu.matmul %get3A_4, %get3A_7, %dot_general3A {dimension_numbers = #tpu.dot_dimension_numbers<[1], [0], [0], [1], [0, 0, 1, 1], [], []>, transpose_lhs_hint = false} : vector<2048x13xf32>, vector<13x16xf32>, vector<2048x16xf32> -> vector<2048x16xf32>
    %add3A = arith.addf %get3A_1, %dot_general3A_8 : vector<2048x16xf32>
    %get3A_9 = arith.constant 0 : index
    %get3A_10 = arith.constant 0 : index
    %get3A_11 = vector.load %arg4[%get3A_9, %get3A_10] : memref<1x16xf32, #tpu.memory_space<vmem>>, vector<1x16xf32>
    %add3A_12 = vector.broadcast %get3A_11 : vector<1x16xf32> to vector<2048x16xf32>
    %add3A_13 = arith.addf %add3A, %add3A_12 : vector<2048x16xf32>
    %max3A = arith.constant 0.000000e+00 : f32
    %max3A_14 = vector.broadcast %max3A : f32 to vector<2048x16xf32>
    %max3A_15 = arith.maximumf %add3A_13, %max3A_14 : vector<2048x16xf32>
    %get3A_16 = arith.constant 0 : index
    %get3A_17 = arith.constant 0 : index
    %get3A_18 = vector.load %arg5[%get3A_16, %get3A_17] : memref<16x32xf32, #tpu.memory_space<vmem>>, vector<16x32xf32>
    %dot_general3A_19 = arith.constant dense<0.000000e+00> : vector<2048x32xf32>
    %dot_general3A_20 = tpu.matmul %max3A_15, %get3A_18, %dot_general3A_19 {dimension_numbers = #tpu.dot_dimension_numbers<[1], [0], [0], [1], [0, 0, 1, 1], [], []>, transpose_lhs_hint = false} : vector<2048x16xf32>, vector<16x32xf32>, vector<2048x32xf32> -> vector<2048x32xf32>
    %get3A_21 = arith.constant 0 : index
    %get3A_22 = arith.constant 0 : index
    %get3A_23 = vector.load %arg6[%get3A_21, %get3A_22] : memref<1x32xf32, #tpu.memory_space<vmem>>, vector<1x32xf32>
    %add3A_24 = vector.broadcast %get3A_23 : vector<1x32xf32> to vector<2048x32xf32>
    %add3A_25 = arith.addf %dot_general3A_20, %add3A_24 : vector<2048x32xf32>
    %max3A_26 = arith.constant 0.000000e+00 : f32
    %max3A_27 = vector.broadcast %max3A_26 : f32 to vector<2048x32xf32>
    %max3A_28 = arith.maximumf %add3A_25, %max3A_27 : vector<2048x32xf32>
    %get3A_29 = arith.constant 0 : index
    %get3A_30 = arith.constant 0 : index
    %get3A_31 = vector.load %arg7[%get3A_29, %get3A_30] : memref<32x1xf32, #tpu.memory_space<vmem>>, vector<32x1xf32>
    %dot_general3A_32 = arith.constant dense<0.000000e+00> : vector<2048x1xf32>
    %dot_general3A_33 = tpu.matmul %max3A_28, %get3A_31, %dot_general3A_32 {dimension_numbers = #tpu.dot_dimension_numbers<[1], [0], [0], [1], [0, 0, 1, 1], [], []>, transpose_lhs_hint = false} : vector<2048x32xf32>, vector<32x1xf32>, vector<2048x1xf32> -> vector<2048x1xf32>
    %get3A_34 = arith.constant 0 : index
    %get3A_35 = arith.constant 0 : index
    %get3A_36 = vector.load %arg8[%get3A_34, %get3A_35] : memref<1x1xf32, #tpu.memory_space<vmem>>, vector<1x1xf32>
    %add3A_37 = vector.broadcast %get3A_36 : vector<1x1xf32> to vector<2048x1xf32>
    %add3A_38 = arith.addf %dot_general3A_33, %add3A_37 : vector<2048x1xf32>
    %swap3A = arith.constant 0 : index
    %swap3A_39 = arith.constant 0 : index
    %swap3A_40 = vector.load %arg9[%swap3A, %swap3A_39] : memref<2048x1xf32, #tpu.memory_space<vmem>>, vector<2048x1xf32>
    tpu.vector_store %arg9[%swap3A, %swap3A_39], %add3A_38 {strides = array<i32>} : memref<2048x1xf32, #tpu.memory_space<vmem>>, vector<2048x1xf32>,
    return
  }
  func.func @transform_0(%arg0: i32) -> (i32, i32) {
    %c0_i32 = arith.constant 0 : i32
    %c0_i32_0 = arith.constant 0 : i32
    return %arg0, %c0_i32 : i32, i32
  }
  func.func @transform_1(%arg0: i32) -> (i32, i32) {
    %c0_i32 = arith.constant 0 : i32
    %c0_i32_0 = arith.constant 0 : i32
    return %arg0, %c0_i32 : i32, i32
  }
  func.func @transform_2(%arg0: i32) -> (i32, i32) {
    %c0_i32 = arith.constant 0 : i32
    %c0_i32_0 = arith.constant 0 : i32
    %c0_i32_1 = arith.constant 0 : i32
    return %c0_i32, %c0_i32_0 : i32, i32
  }
  func.func @transform_3(%arg0: i32) -> (i32, i32) {
    %c0_i32 = arith.constant 0 : i32
    %c0_i32_0 = arith.constant 0 : i32
    %c0_i32_1 = arith.constant 0 : i32
    return %c0_i32, %c0_i32_0 : i32, i32
  }
  func.func @transform_4(%arg0: i32) -> (i32, i32) {
    %c0_i32 = arith.constant 0 : i32
    %c0_i32_0 = arith.constant 0 : i32
    %c0_i32_1 = arith.constant 0 : i32
    return %c0_i32, %c0_i32_0 : i32, i32
  }
  func.func @transform_5(%arg0: i32) -> (i32, i32) {
    %c0_i32 = arith.constant 0 : i32
    %c0_i32_0 = arith.constant 0 : i32
    %c0_i32_1 = arith.constant 0 : i32
    return %c0_i32, %c0_i32_0 : i32, i32
  }
  func.func @transform_6(%arg0: i32) -> (i32, i32) {
    %c0_i32 = arith.constant 0 : i32
    %c0_i32_0 = arith.constant 0 : i32
    %c0_i32_1 = arith.constant 0 : i32
    return %c0_i32, %c0_i32_0 : i32, i32
  }
  func.func @transform_7(%arg0: i32) -> (i32, i32) {
    %c0_i32 = arith.constant 0 : i32
    %c0_i32_0 = arith.constant 0 : i32
    %c0_i32_1 = arith.constant 0 : i32
    return %c0_i32, %c0_i32_0 : i32, i32
  }
  func.func @transform_8(%arg0: i32) -> (i32, i32) {
    %c0_i32 = arith.constant 0 : i32
    %c0_i32_0 = arith.constant 0 : i32
    return %arg0, %c0_i32 : i32, i32
  }
}

</mosaic_0001>

<sc_bundles>
// kernel: kernel.5.cloned.1.call-start
scs
__scs_entry_jumppad:
0x0: {  	(pc) =	sbr.rel $0x88, $3  }
0x1: {  	(tag) =	ssettag $0x0;
	lr =	simm.s32 $0x1  }
0x2: {  	[smem:$0x3F92] =	sst lr;
	_ =	strace $0xD0000000  }
0x3: {  	_ = 	snop  }
0x4: {  	_ = 	snop  }
0x5: {  	_ = 	snop  }
0x6: {  	_ = 	snop  }
0x7: {  	_ = 	snop  }
__scs_overlays_trampoline_lowered:
0x8: {  	[smem:$0x3FA1] =	sst s0  }
0x9: {  	[smem:$0x3FA2] =	sst s1  }
0xa: {  	[smem:$0x3FA3] =	sst s2  }
0xb: {  	[smem:$0x3FA4] =	sst s3  }
0xc: {  	[smem:$0x3FA5] =	sst s4  }
0xd: {  	[smem:$0x3FA6] =	sst s5  }
0xe: {  	[smem:$0x3FA7] =	sst s6  }
0xf: {  	[smem:$0x3FA8] =	sst s7  }
0x10: {  	[smem:$0x3FA9] =	sst s8  }
0x11: {  	[smem:$0x3FAA] =	sst s9;
	s0 =	simm.s32 @!p0 $0x0  }
0x12: {  	s1 =	sld [smem:$0x3F90];
	s0 =	simm.s32 @p0 $0x1  }
0x13: {  	[smem:$0x3FAB] =	sst s0;
	s0 =	simm.s32 @!p1 $0x0  }
0x14: {  	s2 =	sld [smem:$0x3F8F];
	s0 =	simm.s32 @p1 $0x1  }
0x15: {  	[smem:$0x3FAC] =	sst s0;
	s0 =	simm.s32 @!p2 $0x0  }
0x16: {  	s3 =	sld [smem:$0x3FDB];
	s0 =	simm.s32 @p2 $0x1  }
0x17: {  	s4 =	simm.s32 $0x1BF5;
	[smem:$0x3FAE] =	sst s0  }
0x18: {  	s0 =	sld [smem:$0x3F91];
	_ =	swait.ge [sflag:s4], $0x0  }
0x19: {  	s7 =	sld [smem:$0x3F92]  }
0x1a: {  	s8 =	sadd.s32 $0xFFFFE003, lr  }
0x1b: {  	s9 =	sadd.s32 $0xFFFFFEF7, lr;
	s5 =	simm.s32 $0xFFFFFFFF;
	p2 =	slt.u32 s8, $0xFFFFF086  }
0x1c: {  	p1 =	slt.u32 s9, $0xF7A;
	s5 =	simm.s32 @!p2 $0x0  }
0x1d: {  	s5 =	simm.s32 @p1 $0x1;
	p0 =	seq.s32 s7, s2  }
0x1e: {  	s7 =	smul.u32 @!p0 $0xF7A, s2;
	p2 =	seq.s32 @!p0 s5, $0x0  }
0x1f: {  	s9 =	smul.u32 $0xF7A, s1;
	s8 =	simm.s32 @!p0 $0x1BF5;
	p2 =	por !p2, p0  }
0x20: {  	[sflag:s8] =	ssyncset.s32 @!p0 $0xFFFFF086;
	s6 =	sadd.s32 @!p0 s3, s7;
	s7 =	simm.s32 @!p0 $0x108  }
0x21: {  	s3 =	sadd.s32 s3, s9;
	s6 =	sadd.s32 @!p0 $0x88, s6;
	s7 =	simm.s32 @p2 $0x1082  }
0x22: {  	[simem:s7], [sflag:s8] =	dma.local @!p0 [hbm:s6], $0xF7A  }
0x23: {  	s9 =	sor.u32 $0xD0000000, s2;
	s6 =	simm.s32 $0x108;
	_ =	swait.ge @!p0 [sflag:s8], $0x0  }
0x24: {  	s3 =	sadd.s32 $0x88, s3;
	s6 =	simm.s32 @!p1 $0x1082;
	[sflag:s4] =	ssyncset.s32 $0xFFFFF086  }
0x25: {  	[simem:s6], [sflag:s4] =	dma.local [hbm:s3], $0xF7A  }
0x26: {  	[smem:$0x3F92] =	sst s1;
	(tag) =	ssettag s2;
	_ =	strace s9  }
0x27: {  	s1 =	sld [smem:$0x3FA2]  }
0x28: {  	s2 =	sld [smem:$0x3FA3]  }
0x29: {  	s4 =	sld [smem:$0x3FA5]  }
0x2a: {  	p0 =	seq.s32 s5, $0x0;
	s5 =	sld [smem:$0x3FA6]  }
0x2b: {  	s6 =	sld [smem:$0x3FA7]  }
0x2c: {  	s7 =	sld [smem:$0x3FA8]  }
0x2d: {  	s3 =	simm.s32 $0x108;
	s8 =	sld [smem:$0x3FA9]  }
0x2e: {  	s3 =	simm.s32 @!p0 $0x1082;
	s9 =	sld [smem:$0x3FAA]  }
0x2f: {  	lr =	sadd.s32 s0, s3;
	s0 =	sld [smem:$0x3FA1]  }
0x30: {  	s3 =	sld [smem:$0x3FA4]  }
0x31: {  	[smem:$0x3FAD] =	sst s10  }
0x32: {  	s10 =	sld [smem:$0x3FAB];
	_ =	sdelay $0x3  }
0x33: {  	p0 =	seq.s32 s10, $0x1;
	s10 =	sld [smem:$0x3FAD];
	_ =	sdelay $0x3  }
0x34: {  	[smem:$0x3FAD] =	sst s10  }
0x35: {  	s10 =	sld [smem:$0x3FAC];
	_ =	sdelay $0x3  }
0x36: {  	p1 =	seq.s32 s10, $0x1;
	s10 =	sld [smem:$0x3FAD];
	_ =	sdelay $0x3  }
0x37: {  	[smem:$0x3FAD] =	sst s10  }
0x38: {  	s10 =	sld [smem:$0x3FAE]  }
0x39: {  	_ = 	snop;
	(pc) =	sbr.ind lr, $3  }
0x3a: {  	_ = 	snop  }
0x3b: {  	_ = 	snop  }
0x3c: {  	p2 =	seq.s32 s10, $0x1;
	s10 =	sld [smem:$0x3FAD]  }
0x3d: {  	_ =	shalt  }
0x3e: {  	_ =	shalt  }
0x3f: {  	_ =	shalt  }
0x40: {  	_ =	shalt  }
0x41: {  	_ =	shalt  }
0x42: {  	_ =	shalt  }
0x43: {  	_ =	shalt  }
0x44: {  	_ =	shalt  }
0x45: {  	_ =	shalt  }
0x46: {  	_ =	shalt  }
0x47: {  	_ =	shalt  }
0x48: {  	_ =	shalt  }
0x49: {  	_ =	shalt  }
0x4a: {  	_ =	shalt  }
0x4b: {  	_ =	shalt  }
0x4c: {  	_ =	shalt  }
0x4d: {  	_ =	shalt  }
0x4e: {  	_ =	shalt  }
0x4f: {  	_ =	shalt  }
0x50: {  	_ =	shalt  }
0x51: {  	_ =	shalt  }
0x52: {  	_ =	shalt  }
0x53: {  	_ =	shalt  }
0x54: {  	_ =	shalt  }
0x55: {  	_ =	shalt  }
0x56: {  	_ =	shalt  }
0x57: {  	_ =	shalt  }
0x58: {  	_ =	shalt  }
0x59: {  	_ =	shalt  }
0x5a: {  	_ =	shalt  }
0x5b: {  	_ =	shalt  }
0x5c: {  	_ =	shalt  }
0x5d: {  	_ =	shalt  }
0x5e: {  	_ =	shalt  }
0x5f: {  	_ =	shalt  }
0x60: {  	_ =	shalt  }
0x61: {  	_ =	shalt  }
0x62: {  	_ =	shalt  }
0x63: {  	_ =	shalt  }
0x64: {  	_ =	shalt  }
0x65: {  	_ =	shalt  }
0x66: {  	_ =	shalt  }
0x67: {  	_ =	shalt  }
0x68: {  	_ =	shalt  }
0x69: {  	_ =	shalt  }
0x6a: {  	_ =	shalt  }
0x6b: {  	_ =	shalt  }
0x6c: {  	_ =	shalt  }
0x6d: {  	_ =	shalt  }
0x6e: {  	_ =	shalt  }
0x6f: {  	_ =	shalt  }
0x70: {  	_ =	shalt  }
0x71: {  	_ =	shalt  }
0x72: {  	_ =	shalt  }
0x73: {  	_ =	shalt  }
0x74: {  	_ =	shalt  }
0x75: {  	_ =	shalt  }
0x76: {  	_ =	shalt  }
0x77: {  	_ =	shalt  }
0x78: {  	_ =	shalt  }
0x79: {  	_ =	shalt  }
0x7a: {  	_ =	shalt  }
0x7b: {  	_ =	shalt  }
0x7c: {  	_ =	shalt  }
0x7d: {  	_ =	shalt  }
0x7e: {  	_ =	shalt  }
0x7f: {  	_ =	shalt  }
0x80: {  	_ =	shalt  }
0x81: {  	_ =	shalt  }
0x82: {  	_ =	shalt  }
0x83: {  	_ =	shalt  }
0x84: {  	_ =	shalt  }
0x85: {  	_ =	shalt  }
0x86: {  	_ =	shalt  }
0x87: {  	_ =	shalt  }
.Lfunc_end0:
.L_simem_size_0:
called_computation_lowered:
.L_overlay_start_0:
0x88: {  	s2 =	sld [smem:$0x3FD9]  }
0x89: {  	s3 =	sld [smem:$0x3FFE];
	_ =	sdelay $0x1  }
0x8a: {  	s1 =	srdreg.scid  }
0x8b: {  	s0 =	sand.u32 $0x1, s1  }
0x8c: {  	s16 =	sshll.u32 s0, $0xA;
	s2 =	sadd.s32 s3, s2  }
0x8d: {  	s2 =	sadd.s32 s2, s16  }
0x8e: {  	[smem:$0x3FB9] =	sst s2  }
0x8f: {  	_ = 	snop  }
0x90: {  	(tm) =	ssettm $0x1  }
0x91: {  	s17 =	sld [smem:$0x3FFB];
	_ =	sdelay $0x3  }
0x92: {  	_ =	strace s17  }
0x93: {  	s2 =	sld [smem:$0x3FFC];
	_ =	sdelay $0x3  }
0x94: {  	_ =	strace s2  }
0x95: {  	s2 =	sld [smem:$0x3FFD];
	_ =	sdelay $0x3  }
0x96: {  	_ =	strace s2  }
0x97: {  	_ =	strace $0x8FFFFFFF  }
0x98: {  	s18 =	sld [smem:$0x3FDB];
	_ =	sdelay $0x1  }
0x99: {  	s19 =	simm.s32 $_scs_section_size  }
0x9a: {  	s4 =	simm.s32 $_size__tile_overlayer_lowered;
	s5 =	simm.s32 $_tile_overlayer_lowered  }
0x9b: {  	s22 =	simm.s32 $0x1BFF;
	s21 =	sshll.u32 s5, $0x1;
	s2 =	sadd.s32 s19, s18  }
0x9c: {  	s6 =	simm.s32 $0x0;
	s20 =	sshll.u32 s4, $0x1;
	s4 =	sadd.s32 s21, s2  }
0x9d: {  	[timem:s6], [sflag:s22] =	dma.local [hbm:s4], s20  }
0x9e: {  	_ =	swait.ge [sflag:s22], s20  }
0x9f: {  	s3 =	ssub.s32 $0x0, s20;
	[sflag:s22] =	ssyncset.done $0x0  }
0xa0: {  	[sflag:s22] =	ssyncadd.s32 s3;
	_ =	sdelay $0x1  }
0xa1: {  	s23 =	simm.s32 $0x1B8B  }
0xa2: {  	_ =	swait.ge [sflag:s23], $0x1  }
0xa3: {  	[sflag:s23] =	ssyncset.done $0x0  }
0xa4: {  	s25 =	simm.s32 $0x1B8E;
	s24 =	sld [smem:$0x3FFE];
	[sflag:s23] =	ssyncadd.s32 $0xFFFFFFFF  }
0xa5: {  	s26 =	simm.s32 $execute0_lowered;
	[smem:$0x3FD2] =	sst s25  }
0xa6: {  	s4 =	sshll.u32 s26, $0x1;
	_ =	strace $0x80000046;
	[dreg:$0x1] =	wrdreg $0xFFFFFFFF  }
0xa7: {  	s28 =	simm.s32 $_size_execute0_lowered;
	s2 =	sadd.s32 s2, s4;
	[dreg:$0x0] =	wrdreg $0x0  }
0xa8: {  	s4 =	sshll.u32 s28, $0x1;
	[dreg:$0x2] =	wrdreg s2  }
0xa9: {  	[dreg:$0x3] =	wrdreg s4  }
0xaa: {  	[dreg:$0x4] =	wrdreg $0xC0  }
0xab: {  	_ =	task [dreg:s6], $0x5FFFF  }
0xac: {  	[dreg:$0x1] =	wrdreg $0xFFFFFFFF  }
0xad: {  	[dreg:$0x0] =	wrdreg $0x60  }
0xae: {  	[dreg:$0x2] =	wrdreg s24  }
0xaf: {  	[dreg:$0x3] =	wrdreg $0x9  }
0xb0: {  	_ =	task.clear_ibuf [dreg:s6], $0x4FFFF;
	_ =	strace $0x90000046  }
0xb1: {  	s29 =	simm.s32 $0x9;
	_ =	strace $0x80000048  }
0xb2: {  	_ =	swait.ge [sflag:s29], $0x1  }
0xb3: {  	[sflag:s29] =	ssyncadd.s32 $0xFFFFFFFF  }
0xb4: {  	_ =	strace $0x90000048  }
0xb5: {  	_ =	sfence  }
0xb6: {  	s30 =	sld [smem:$0x0];
	_ =	sdelay $0x2  }
0xb7: {  	s31 =	sshll.u32 s1, $0xD;
	s1 =	sshrl.u32 s1, $0x2  }
0xb8: {  	s3 =	sand.u32 $0x4000, s31;
	s1 =	sadd.s32 s1, s30  }
0xb9: {  	s0 =	sor.u32 s3, s0;
	s1 =	sshll.u32 s1, $0x11  }
0xba: {  	s0 =	sor.u32 s1, s0  }
0xbb: {  	s0 =	sadd.s32 $0x8F2B, s0  }
0xbc: {  	[sflag:s0] =	ssyncadd.remote.s32 $0x1  }
0xbd: {  	_ =	sfence.sel $0xFFFF  }
0xbe: {  	[dreg:$0x0] =	wrdreg $0xFFFFFFFF;
	(pc) =	sbr.abs _section_cstart, $3  }
0xbf: {  	[dreg:$0x1] =	wrdreg $0xFFFFFFFF  }
0xc0: {  	_ =	task.clear_ibuf [dreg:s6], $0x2FFFF;
	_ =	strace $0x9FFFFFFF  }
0xc1: {  	(tm) =	ssettm $0x7FFFFFFF  }
tec
execute0_lowered:
.L_overlay_start_1:
0x0: {  	(tag) =	ssettag $0x1  }
0x1: {  	s4 =	rddreg [dreg:$0x0]  }
0x2: {  	s0 =	rddreg [dreg:$0x1]  }
0x3: {  	s2 =	simm.s32 $0x0;
	s3 =	srdreg.scid;
	s1 =	stileid.u32  }
0x4: {  	s9 =	simm.s32 $0x4000;
	s10 =	simm.s32 $0x68;
	s12 =	simm.s32 $0xB400  }
0x5: {  	s11 =	simm.s32 $0x8000;
	s13 =	simm.s32 $0x2;
	s14 =	simm.s32 $0xE800  }
0x6: {  	s15 =	simm.s32 $0x0;
	[smem:$0x7FF] =	sst s2;
	s5 =	sand.u32 $0x1, s3  }
0x7: {  	s6 =	sshll.u32 s1, $0x1;
	s3 =	sadd.s32 $0x21A00, s4;
	_ =	strace $0x80000047  }
0x8: {  	s6 =	sor.u32 s5, s6;
	s5 =	ssub.s32 $0x2, s5;
	[dreg:$0x2] =	wrdreg s12  }
0x9: {  	s12 =	simm.s32 $0x1;
	s7 =	sshll.u32 s6, $0xB;
	s6 =	sshll.u32 s6, $0xA  }
0xa: {  	s31 =	sshrl.u32 s5, $0x1;
	s7 =	sadd.s32 s7, s4;
	s6 =	sadd.s32 s6, s4  }
0xb: {  	s8 =	ssub.s32 s5, s31;
	s4 =	sadd.s32 $0x11A00, s7;
	s5 =	sadd.s32 $0x1A00, s7  }
0xc: {  	s6 =	sadd.s32 $0x569A00, s6;
	s7 =	smax.u32 s8, $0x1;
	s8 =	simm.s32 $0x3  }
.LBB2_1:
0xd: {  	[tilespmem:s2], [sflag:$0x3] =	stream.linear.gather [hbm4b:s4+s2], $0x4000, $0x38;
	[tilespmem:$0x10800] =	vst v63  }
0xe: {  	_ =	swait.ge [sflag:s8], $0x4000  }
0xf: {  	[sflag:s8] =	ssyncset.done $0x0  }
0x10: {  	[sflag:s8] =	ssyncadd.s32 $0xFFFFC000  }
0x11: {  	[tilespmem:s9], [sflag:$0x3] =	stream.linear.gather [hbm4b:s5+s2], $0x4000, $0x38;
	[tilespmem:$0x10800] =	vst v63  }
0x12: {  	_ =	swait.ge [sflag:s8], $0x4000  }
0x13: {  	[sflag:s8] =	ssyncset.done $0x0  }
0x14: {  	s16 =	simm.s32 $0xE840;
	s17 =	simm.s32 $0x0;
	[sflag:s8] =	ssyncadd.s32 $0xFFFFC000  }
0x15: {  	[tilespmem:s11], [sflag:$0x1] =	stream.indirect.gather [hbm4b:s3+s10], $0x80, s2, s10, $0xb8;
	[tilespmem:$0x10800] =	vst v63  }
.LBB2_2:
0x16: {  	s18 =	sshra.s32 s17, $0x2  }
0x17: {  	s19 =	rddreg [dreg:$0x2];
	s20 =	sadd.s32 $0x80, s18  }
0x18: {  	[tilespmem:s19], [sflag:$0x2] =	stream.indirect.gather [hbm4b:s3+s10], $0x80, s20, s10, $0xb8;
	[tilespmem:$0x10800] =	vst v63  }
0x19: {  	_ =	swait.ge [sflag:s12], $0x3400  }
0x1a: {  	[sflag:s12] =	ssyncset.done $0x0  }
0x1b: {  	[sflag:s12] =	ssyncadd.s32 $0xFFFFCC00  }
0x1c: {  	v0 =	vld [tilespmem:s18+$0x4000];
	_ =	sdelay $0x4  }
0x1d: {  	(v2sf) =	vpush v0, $0x0;
	_ =	sdelay $0x1  }
0x1e: {  	(v2sf) =	vpush v0, $0x1;
	_ =	sdelay $0x1  }
0x1f: {  	(v2sf) =	vpush v0, $0x2;
	_ =	sdelay $0x1  }
0x20: {  	(v2sf) =	vpush v0, $0x3;
	_ =	sdelay $0x1  }
0x21: {  	(v2sf) =	vpush v0, $0x4;
	_ =	sdelay $0x1  }
0x22: {  	(v2sf) =	vpush v0, $0x5;
	_ =	sdelay $0x1  }
0x23: {  	(v2sf) =	vpush v0, $0x6;
	_ =	sdelay $0x1  }
0x24: {  	(v2sf) =	vpush v0, $0x7  }
0x25: {  	s22 =	spop (v2sf)  }
0x26: {  	(v2sf) =	vpush v0, $0x8;
	v1 =	vld [tilespmem:s22+$0x8000]  }
0x27: {  	s23 =	spop (v2sf)  }
0x28: {  	(v2sf) =	vpush v0, $0x9;
	v2 =	vld [tilespmem:s23+$0x8080]  }
0x29: {  	s24 =	spop (v2sf)  }
0x2a: {  	(v2sf) =	vpush v0, $0xA;
	v3 =	vld [tilespmem:s24+$0x8100]  }
0x2b: {  	s25 =	spop (v2sf);
	v1 =	vadd.f32 $0.0e+00, v1  }
0x2c: {  	(v2sf) =	vpush v0, $0xB;
	v4 =	vld [tilespmem:s25+$0x8180]  }
0x2d: {  	s26 =	spop (v2sf);
	v1 =	vadd.f32 v2, v1  }
0x2e: {  	(v2sf) =	vpush v0, $0xC;
	v21 =	vld [tilespmem:s26+$0x8200]  }
0x2f: {  	s28 =	spop (v2sf);
	v1 =	vadd.f32 v3, v1  }
0x30: {  	(v2sf) =	vpush v0, $0xD;
	v22 =	vld [tilespmem:s28+$0x8280]  }
0x31: {  	v23 =	vld [tilespmem:s18+$0x4010];
	s29 =	spop (v2sf);
	v1 =	vadd.f32 v4, v1  }
0x32: {  	(v2sf) =	vpush v0, $0xE;
	v5 =	vld [tilespmem:s29+$0x8300]  }
0x33: {  	s30 =	spop (v2sf);
	v1 =	vadd.f32 v21, v1  }
0x34: {  	(v2sf) =	vpush v0, $0xF;
	v24 =	vld [tilespmem:s30+$0x8380]  }
0x35: {  	s31 =	spop (v2sf);
	v25 =	vadd.f32 v22, v1  }
0x36: {  	(v2sf) =	vpush v23, $0x0;
	v26 =	vld [tilespmem:s31+$0x8400]  }
0x37: {  	s20 =	spop (v2sf);
	v0 =	vadd.f32 v5, v25  }
0x38: {  	(v2sf) =	vpush v23, $0x1;
	v27 =	vld [tilespmem:s20+$0x8480]  }
0x39: {  	s21 =	spop (v2sf);
	v0 =	vadd.f32 v24, v0  }
0x3a: {  	(v2sf) =	vpush v23, $0x2;
	v28 =	vld [tilespmem:s21+$0x8500]  }
0x3b: {  	s22 =	spop (v2sf);
	v0 =	vadd.f32 v26, v0  }
0x3c: {  	(v2sf) =	vpush v23, $0x3;
	v29 =	vld [tilespmem:s22+$0x8580]  }
0x3d: {  	s23 =	spop (v2sf);
	v0 =	vadd.f32 v27, v0  }
0x3e: {  	(v2sf) =	vpush v23, $0x4;
	v30 =	vld [tilespmem:s23+$0x8600]  }
0x3f: {  	s24 =	spop (v2sf);
	v0 =	vadd.f32 v28, v0  }
0x40: {  	(v2sf) =	vpush v23, $0x5;
	v31 =	vld [tilespmem:s24+$0x8680]  }
0x41: {  	s25 =	spop (v2sf);
	v0 =	vadd.f32 v29, v0  }
0x42: {  	(v2sf) =	vpush v23, $0x6;
	v32 =	vld [tilespmem:s25+$0x8700]  }
0x43: {  	s26 =	spop (v2sf);
	v0 =	vadd.f32 v30, v0  }
0x44: {  	(v2sf) =	vpush v23, $0x7;
	v33 =	vld [tilespmem:s26+$0x8780]  }
0x45: {  	s28 =	spop (v2sf);
	v0 =	vadd.f32 v31, v0  }
0x46: {  	(v2sf) =	vpush v23, $0x8;
	v34 =	vld [tilespmem:s28+$0x8800]  }
0x47: {  	s29 =	spop (v2sf);
	v0 =	vadd.f32 v32, v0  }
0x48: {  	(v2sf) =	vpush v23, $0x9;
	v35 =	vld [tilespmem:s29+$0x8880]  }
0x49: {  	s30 =	spop (v2sf);
	v0 =	vadd.f32 v33, v0  }
0x4a: {  	v36 =	vld [tilespmem:s30+$0x8900]  }
0x4b: {  	s31 =	spop (v2sf);
	v0 =	vadd.f32 v34, v0  }
0x4c: {  	v37 =	vld [tilespmem:s31+$0x8980]  }
0x4d: {  	s20 =	spop (v2sf);
	v0 =	vadd.f32 v35, v0  }
0x4e: {  	v38 =	vld [tilespmem:s20+$0x8A00]  }
0x4f: {  	s21 =	spop (v2sf);
	v0 =	vadd.f32 v36, v0  }
0x50: {  	v39 =	vld [tilespmem:s21+$0x8A80]  }
0x51: {  	s22 =	spop (v2sf);
	v0 =	vadd.f32 v37, v0  }
0x52: {  	v40 =	vld [tilespmem:s22+$0x8B00]  }
0x53: {  	s23 =	spop (v2sf);
	v0 =	vadd.f32 v38, v0  }
0x54: {  	v41 =	vld [tilespmem:s23+$0x8B80]  }
0x55: {  	s24 =	spop (v2sf);
	v0 =	vadd.f32 v39, v0  }
0x56: {  	v42 =	vld [tilespmem:s24+$0x8C00]  }
0x57: {  	s25 =	spop (v2sf);
	v0 =	vadd.f32 v40, v0  }
0x58: {  	v43 =	vld [tilespmem:s25+$0x8C80]  }
0x59: {  	v0 =	vadd.f32 v41, v0;
	_ =	sdelay $0x1  }
0x5a: {  	v0 =	vadd.f32 v42, v0;
	_ =	sdelay $0x1  }
0x5b: {  	v0 =	vadd.f32 v43, v0;
	_ =	sdelay $0x1  }
0x5c: {  	[tilespmem:s16+$0xFFFFFFC0] =	vst v0  }
0x5d: {  	v0 =	vld [tilespmem:s18+$0x4010];
	_ =	sdelay $0x4  }
0x5e: {  	(v2sf) =	vpush v0, $0xA;
	_ =	sdelay $0x1  }
0x5f: {  	(v2sf) =	vpush v0, $0xB;
	_ =	sdelay $0x1  }
0x60: {  	(v2sf) =	vpush v0, $0xC;
	_ =	sdelay $0x1  }
0x61: {  	(v2sf) =	vpush v0, $0xD  }
0x62: {  	v44 =	vld [tilespmem:s18+$0x4020]  }
0x63: {  	(v2sf) =	vpush v0, $0xE;
	_ =	sdelay $0x1  }
0x64: {  	(v2sf) =	vpush v0, $0xF;
	_ =	sdelay $0x1  }
0x65: {  	(v2sf) =	vpush v44, $0x0;
	_ =	sdelay $0x1  }
0x66: {  	(v2sf) =	vpush v44, $0x1  }
0x67: {  	s26 =	spop (v2sf)  }
0x68: {  	(v2sf) =	vpush v44, $0x2;
	v45 =	vld [tilespmem:s26+$0x8D00]  }
0x69: {  	s28 =	spop (v2sf)  }
0x6a: {  	(v2sf) =	vpush v44, $0x3;
	v46 =	vld [tilespmem:s28+$0x8D80]  }
0x6b: {  	(v2sf) =	vpush v44, $0x4;
	s29 =	spop (v2sf)  }
0x6c: {  	(v2sf) =	vpush v44, $0x5;
	v47 =	vld [tilespmem:s29+$0x8E00]  }
0x6d: {  	(v2sf) =	vpush v44, $0x6;
	s30 =	spop (v2sf);
	v0 =	vadd.f32 $0.0e+00, v45  }
0x6e: {  	(v2sf) =	vpush v44, $0x7;
	v48 =	vld [tilespmem:s30+$0x8E80]  }
0x6f: {  	s31 =	spop (v2sf);
	(v2sf) =	vpush v44, $0x8;
	v0 =	vadd.f32 v46, v0  }
0x70: {  	v49 =	vld [tilespmem:s31+$0x8F00];
	(v2sf) =	vpush v44, $0x9  }
0x71: {  	v50 =	vld [tilespmem:s18+$0x4030];
	s20 =	spop (v2sf);
	(v2sf) =	vpush v44, $0xA;
	v0 =	vadd.f32 v47, v0  }
0x72: {  	v51 =	vld [tilespmem:s20+$0x8F80];
	(v2sf) =	vpush v44, $0xB  }
0x73: {  	s21 =	spop (v2sf);
	(v2sf) =	vpush v44, $0xC;
	v0 =	vadd.f32 v48, v0  }
0x74: {  	v52 =	vld [tilespmem:s21+$0x9000];
	(v2sf) =	vpush v44, $0xD  }
0x75: {  	s22 =	spop (v2sf);
	(v2sf) =	vpush v44, $0xE;
	v0 =	vadd.f32 v49, v0  }
0x76: {  	v53 =	vld [tilespmem:s22+$0x9080];
	(v2sf) =	vpush v44, $0xF  }
0x77: {  	s23 =	spop (v2sf);
	(v2sf) =	vpush v50, $0x0;
	v0 =	vadd.f32 v51, v0  }
0x78: {  	v54 =	vld [tilespmem:s23+$0x9100];
	(v2sf) =	vpush v50, $0x1  }
0x79: {  	s24 =	spop (v2sf);
	v0 =	vadd.f32 v52, v0  }
0x7a: {  	v55 =	vld [tilespmem:s24+$0x9180];
	s25 =	spop (v2sf)  }
0x7b: {  	s26 =	spop (v2sf);
	v56 =	vld [tilespmem:s25+$0x9200];
	v0 =	vadd.f32 v53, v0  }
0x7c: {  	s28 =	spop (v2sf);
	v57 =	vld [tilespmem:s26+$0x9280]  }
0x7d: {  	s29 =	spop (v2sf);
	v6 =	vld [tilespmem:s28+$0x9300];
	v0 =	vadd.f32 v54, v0  }
0x7e: {  	s30 =	spop (v2sf);
	v58 =	vld [tilespmem:s29+$0x9380]  }
0x7f: {  	s31 =	spop (v2sf);
	v7 =	vld [tilespmem:s30+$0x9400];
	v0 =	vadd.f32 v55, v0  }
0x80: {  	v59 =	vld [tilespmem:s31+$0x9480];
	s21 =	spop (v2sf)  }
0x81: {  	v8 =	vld [tilespmem:s21+$0x9500];
	s22 =	spop (v2sf);
	v0 =	vadd.f32 v56, v0  }
0x82: {  	v60 =	vld [tilespmem:s22+$0x9580];
	s23 =	spop (v2sf)  }
0x83: {  	v9 =	vld [tilespmem:s23+$0x9600];
	s24 =	spop (v2sf);
	v0 =	vadd.f32 v57, v0  }
0x84: {  	v61 =	vld [tilespmem:s24+$0x9680];
	s25 =	spop (v2sf)  }
0x85: {  	v10 =	vld [tilespmem:s25+$0x9700];
	s26 =	spop (v2sf);
	v0 =	vadd.f32 v6, v0  }
0x86: {  	v62 =	vld [tilespmem:s26+$0x9780];
	s28 =	spop (v2sf)  }
0x87: {  	v11 =	vld [tilespmem:s28+$0x9800];
	s29 =	spop (v2sf);
	v0 =	vadd.f32 v58, v0  }
0x88: {  	v63 =	vld [tilespmem:s29+$0x9880];
	(v2sf) =	vpush v50, $0x2  }
0x89: {  	v0 =	vadd.f32 v7, v0  }
0x8a: {  	(v2sf) =	vpush v50, $0x3  }
0x8b: {  	v0 =	vadd.f32 v59, v0;
	_ =	sdelay $0x1  }
0x8c: {  	v0 =	vadd.f32 v8, v0;
	_ =	sdelay $0x1  }
0x8d: {  	v0 =	vadd.f32 v60, v0;
	_ =	sdelay $0x1  }
0x8e: {  	v0 =	vadd.f32 v9, v0;
	_ =	sdelay $0x1  }
0x8f: {  	v0 =	vadd.f32 v61, v0;
	_ =	sdelay $0x1  }
0x90: {  	v0 =	vadd.f32 v10, v0;
	_ =	sdelay $0x1  }
0x91: {  	s19 =	spop (v2sf);
	v0 =	vadd.f32 v62, v0  }
0x92: {  	v9 =	vld [tilespmem:s19+$0x9900]  }
0x93: {  	s30 =	spop (v2sf);
	v0 =	vadd.f32 v11, v0  }
0x94: {  	v10 =	vld [tilespmem:s30+$0x9980]  }
0x95: {  	v0 =	vadd.f32 v63, v0;
	_ =	sdelay $0x1  }
0x96: {  	v0 =	vadd.f32 v9, v0;
	_ =	sdelay $0x1  }
0x97: {  	v0 =	vadd.f32 v10, v0;
	_ =	sdelay $0x1  }
0x98: {  	[tilespmem:s16+$0xFFFFFFD0] =	vst v0  }
0x99: {  	v0 =	vld [tilespmem:s18+$0x4030];
	_ =	sdelay $0x4  }
0x9a: {  	(v2sf) =	vpush v0, $0x4;
	_ =	sdelay $0x1  }
0x9b: {  	(v2sf) =	vpush v0, $0x5;
	_ =	sdelay $0x1  }
0x9c: {  	(v2sf) =	vpush v0, $0x6;
	_ =	sdelay $0x1  }
0x9d: {  	(v2sf) =	vpush v0, $0x7;
	_ =	sdelay $0x1  }
0x9e: {  	(v2sf) =	vpush v0, $0x8;
	_ =	sdelay $0x1  }
0x9f: {  	(v2sf) =	vpush v0, $0x9;
	_ =	sdelay $0x1  }
0xa0: {  	(v2sf) =	vpush v0, $0xA;
	_ =	sdelay $0x1  }
0xa1: {  	(v2sf) =	vpush v0, $0xB  }
0xa2: {  	s31 =	spop (v2sf)  }
0xa3: {  	(v2sf) =	vpush v0, $0xC;
	v11 =	vld [tilespmem:s31+$0x9A00]  }
0xa4: {  	s20 =	spop (v2sf)  }
0xa5: {  	(v2sf) =	vpush v0, $0xD;
	v12 =	vld [tilespmem:s20+$0x9A80]  }
0xa6: {  	v13 =	vld [tilespmem:s18+$0x4040];
	s21 =	spop (v2sf)  }
0xa7: {  	(v2sf) =	vpush v0, $0xE;
	v14 =	vld [tilespmem:s21+$0x9B00]  }
0xa8: {  	s22 =	spop (v2sf);
	v1 =	vadd.f32 $0.0e+00, v11  }
0xa9: {  	(v2sf) =	vpush v0, $0xF;
	v15 =	vld [tilespmem:s22+$0x9B80]  }
0xaa: {  	s23 =	spop (v2sf);
	v16 =	vadd.f32 v12, v1  }
0xab: {  	(v2sf) =	vpush v13, $0x0;
	v17 =	vld [tilespmem:s23+$0x9C00]  }
0xac: {  	s24 =	spop (v2sf);
	v0 =	vadd.f32 v14, v16  }
0xad: {  	(v2sf) =	vpush v13, $0x1;
	v18 =	vld [tilespmem:s24+$0x9C80]  }
0xae: {  	s25 =	spop (v2sf);
	v0 =	vadd.f32 v15, v0  }
0xaf: {  	(v2sf) =	vpush v13, $0x2;
	v19 =	vld [tilespmem:s25+$0x9D00]  }
0xb0: {  	s26 =	spop (v2sf);
	v0 =	vadd.f32 v17, v0  }
0xb1: {  	(v2sf) =	vpush v13, $0x3;
	v20 =	vld [tilespmem:s26+$0x9D80]  }
0xb2: {  	s28 =	spop (v2sf);
	v0 =	vadd.f32 v18, v0  }
0xb3: {  	(v2sf) =	vpush v13, $0x4;
	v21 =	vld [tilespmem:s28+$0x9E00]  }
0xb4: {  	s29 =	spop (v2sf);
	v0 =	vadd.f32 v19, v0  }
0xb5: {  	(v2sf) =	vpush v13, $0x5;
	v22 =	vld [tilespmem:s29+$0x9E80]  }
0xb6: {  	s30 =	spop (v2sf);
	v0 =	vadd.f32 v20, v0  }
0xb7: {  	(v2sf) =	vpush v13, $0x6;
	v23 =	vld [tilespmem:s30+$0x9F00]  }
0xb8: {  	s31 =	spop (v2sf);
	v0 =	vadd.f32 v21, v0  }
0xb9: {  	(v2sf) =	vpush v13, $0x7;
	v24 =	vld [tilespmem:s31+$0x9F80]  }
0xba: {  	s20 =	spop (v2sf);
	v0 =	vadd.f32 v22, v0  }
0xbb: {  	(v2sf) =	vpush v13, $0x8;
	v25 =	vld [tilespmem:s20+$0xA000]  }
0xbc: {  	s21 =	spop (v2sf);
	v0 =	vadd.f32 v23, v0  }
0xbd: {  	(v2sf) =	vpush v13, $0x9;
	v26 =	vld [tilespmem:s21+$0xA080]  }
0xbe: {  	s22 =	spop (v2sf);
	v0 =	vadd.f32 v24, v0  }
0xbf: {  	(v2sf) =	vpush v13, $0xA;
	v27 =	vld [tilespmem:s22+$0xA100]  }
0xc0: {  	s23 =	spop (v2sf);
	v0 =	vadd.f32 v25, v0  }
0xc1: {  	(v2sf) =	vpush v13, $0xB;
	v28 =	vld [tilespmem:s23+$0xA180]  }
0xc2: {  	s24 =	spop (v2sf);
	v0 =	vadd.f32 v26, v0  }
0xc3: {  	(v2sf) =	vpush v13, $0xC;
	v29 =	vld [tilespmem:s24+$0xA200]  }
0xc4: {  	s25 =	spop (v2sf);
	v0 =	vadd.f32 v27, v0  }
0xc5: {  	(v2sf) =	vpush v13, $0xD;
	v30 =	vld [tilespmem:s25+$0xA280]  }
0xc6: {  	s26 =	spop (v2sf);
	v0 =	vadd.f32 v28, v0  }
0xc7: {  	v31 =	vld [tilespmem:s26+$0xA300]  }
0xc8: {  	s28 =	spop (v2sf);
	v0 =	vadd.f32 v29, v0  }
0xc9: {  	v32 =	vld [tilespmem:s28+$0xA380]  }
0xca: {  	s29 =	spop (v2sf);
	v0 =	vadd.f32 v30, v0  }
0xcb: {  	v33 =	vld [tilespmem:s29+$0xA400]  }
0xcc: {  	s30 =	spop (v2sf);
	v0 =	vadd.f32 v31, v0  }
0xcd: {  	v34 =	vld [tilespmem:s30+$0xA480]  }
0xce: {  	s31 =	spop (v2sf);
	v0 =	vadd.f32 v32, v0  }
0xcf: {  	v35 =	vld [tilespmem:s31+$0xA500]  }
0xd0: {  	s20 =	spop (v2sf);
	v0 =	vadd.f32 v33, v0  }
0xd1: {  	v36 =	vld [tilespmem:s20+$0xA580]  }
0xd2: {  	s21 =	spop (v2sf);
	v0 =	vadd.f32 v34, v0  }
0xd3: {  	v37 =	vld [tilespmem:s21+$0xA600]  }
0xd4: {  	s22 =	spop (v2sf);
	v0 =	vadd.f32 v35, v0  }
0xd5: {  	v38 =	vld [tilespmem:s22+$0xA680]  }
0xd6: {  	v0 =	vadd.f32 v36, v0;
	_ =	sdelay $0x1  }
0xd7: {  	v0 =	vadd.f32 v37, v0;
	_ =	sdelay $0x1  }
0xd8: {  	v0 =	vadd.f32 v38, v0;
	_ =	sdelay $0x1  }
0xd9: {  	[tilespmem:s16+$0xFFFFFFE0] =	vst v0  }
0xda: {  	v0 =	vld [tilespmem:s18+$0x4040];
	_ =	sdelay $0x3  }
0xdb: {  	v39 =	vld [tilespmem:s18+$0x4050]  }
0xdc: {  	(v2sf) =	vpush v0, $0xE;
	_ =	sdelay $0x1  }
0xdd: {  	(v2sf) =	vpush v0, $0xF;
	_ =	sdelay $0x1  }
0xde: {  	(v2sf) =	vpush v39, $0x0;
	_ =	sdelay $0x1  }
0xdf: {  	(v2sf) =	vpush v39, $0x1;
	_ =	sdelay $0x1  }
0xe0: {  	(v2sf) =	vpush v39, $0x2;
	_ =	sdelay $0x1  }
0xe1: {  	(v2sf) =	vpush v39, $0x3;
	_ =	sdelay $0x1  }
0xe2: {  	(v2sf) =	vpush v39, $0x4;
	_ =	sdelay $0x1  }
0xe3: {  	(v2sf) =	vpush v39, $0x5  }
0xe4: {  	s23 =	spop (v2sf)  }
0xe5: {  	(v2sf) =	vpush v39, $0x6;
	v40 =	vld [tilespmem:s23+$0xA700]  }
0xe6: {  	s24 =	spop (v2sf)  }
0xe7: {  	(v2sf) =	vpush v39, $0x7;
	v41 =	vld [tilespmem:s24+$0xA780]  }
0xe8: {  	s25 =	spop (v2sf)  }
0xe9: {  	(v2sf) =	vpush v39, $0x8;
	v42 =	vld [tilespmem:s25+$0xA800]  }
0xea: {  	s26 =	spop (v2sf);
	v0 =	vadd.f32 $0.0e+00, v40  }
0xeb: {  	(v2sf) =	vpush v39, $0x9;
	v43 =	vld [tilespmem:s26+$0xA880]  }
0xec: {  	s28 =	spop (v2sf);
	v0 =	vadd.f32 v41, v0  }
0xed: {  	(v2sf) =	vpush v39, $0xA;
	v44 =	vld [tilespmem:s28+$0xA900]  }
0xee: {  	s29 =	spop (v2sf);
	v0 =	vadd.f32 v42, v0  }
0xef: {  	(v2sf) =	vpush v39, $0xB;
	v45 =	vld [tilespmem:s29+$0xA980]  }
0xf0: {  	s30 =	spop (v2sf);
	v0 =	vadd.f32 v43, v0  }
0xf1: {  	(v2sf) =	vpush v39, $0xC;
	v46 =	vld [tilespmem:s30+$0xAA00]  }
0xf2: {  	s31 =	spop (v2sf);
	v0 =	vadd.f32 v44, v0  }
0xf3: {  	(v2sf) =	vpush v39, $0xD;
	v47 =	vld [tilespmem:s31+$0xAA80]  }
0xf4: {  	v48 =	vld [tilespmem:s18+$0x4060];
	s20 =	spop (v2sf);
	v0 =	vadd.f32 v45, v0  }
0xf5: {  	(v2sf) =	vpush v39, $0xE;
	v49 =	vld [tilespmem:s20+$0xAB00]  }
0xf6: {  	s21 =	spop (v2sf);
	v0 =	vadd.f32 v46, v0  }
0xf7: {  	(v2sf) =	vpush v39, $0xF;
	v50 =	vld [tilespmem:s21+$0xAB80]  }
0xf8: {  	s22 =	spop (v2sf);
	v0 =	vadd.f32 v47, v0  }
0xf9: {  	(v2sf) =	vpush v48, $0x0;
	v51 =	vld [tilespmem:s22+$0xAC00]  }
0xfa: {  	s23 =	spop (v2sf);
	v0 =	vadd.f32 v49, v0  }
0xfb: {  	(v2sf) =	vpush v48, $0x1;
	v52 =	vld [tilespmem:s23+$0xAC80]  }
0xfc: {  	s24 =	spop (v2sf);
	v0 =	vadd.f32 v50, v0  }
0xfd: {  	(v2sf) =	vpush v48, $0x2;
	v53 =	vld [tilespmem:s24+$0xAD00]  }
0xfe: {  	s25 =	spop (v2sf);
	v0 =	vadd.f32 v51, v0  }
0xff: {  	(v2sf) =	vpush v48, $0x3;
	v54 =	vld [tilespmem:s25+$0xAD80]  }
0x100: {  	s26 =	spop (v2sf);
	v0 =	vadd.f32 v52, v0  }
0x101: {  	(v2sf) =	vpush v48, $0x4;
	v55 =	vld [tilespmem:s26+$0xAE00]  }
0x102: {  	s28 =	spop (v2sf);
	v0 =	vadd.f32 v53, v0  }
0x103: {  	(v2sf) =	vpush v48, $0x5;
	v56 =	vld [tilespmem:s28+$0xAE80]  }
0x104: {  	s29 =	spop (v2sf);
	v0 =	vadd.f32 v54, v0  }
0x105: {  	(v2sf) =	vpush v48, $0x6;
	v57 =	vld [tilespmem:s29+$0xAF00]  }
0x106: {  	s30 =	spop (v2sf);
	v0 =	vadd.f32 v55, v0  }
0x107: {  	(v2sf) =	vpush v48, $0x7;
	v58 =	vld [tilespmem:s30+$0xAF80]  }
0x108: {  	s31 =	spop (v2sf);
	v0 =	vadd.f32 v56, v0  }
0x109: {  	v59 =	vld [tilespmem:s31+$0xB000]  }
0x10a: {  	s20 =	spop (v2sf);
	v0 =	vadd.f32 v57, v0  }
0x10b: {  	v60 =	vld [tilespmem:s20+$0xB080]  }
0x10c: {  	s21 =	spop (v2sf);
	v0 =	vadd.f32 v58, v0  }
0x10d: {  	v61 =	vld [tilespmem:s21+$0xB100]  }
0x10e: {  	s22 =	spop (v2sf);
	v0 =	vadd.f32 v59, v0  }
0x10f: {  	v62 =	vld [tilespmem:s22+$0xB180]  }
0x110: {  	s23 =	spop (v2sf);
	v0 =	vadd.f32 v60, v0  }
0x111: {  	v63 =	vld [tilespmem:s23+$0xB200]  }
0x112: {  	s24 =	spop (v2sf);
	v0 =	vadd.f32 v61, v0  }
0x113: {  	v6 =	vld [tilespmem:s24+$0xB280]  }
0x114: {  	s25 =	spop (v2sf);
	v0 =	vadd.f32 v62, v0  }
0x115: {  	v7 =	vld [tilespmem:s25+$0xB300]  }
0x116: {  	s26 =	spop (v2sf);
	v0 =	vadd.f32 v63, v0  }
0x117: {  	v8 =	vld [tilespmem:s26+$0xB380]  }
0x118: {  	v0 =	vadd.f32 v6, v0;
	_ =	sdelay $0x1  }
0x119: {  	v0 =	vadd.f32 v7, v0;
	_ =	sdelay $0x1  }
0x11a: {  	p0 =	seq.s32 s17, $0xFC00;
	v0 =	vadd.f32 v8, v0  }
0x11b: {  	s19 =	sshra.s32 @!p0 s17, $0x2  }
0x11c: {  	s19 =	sadd.s32 @!p0 $0x100, s19;
	s20 =	simm.s32 @!p0 $0x68;
	s21 =	simm.s32 @!p0 $0x8000;
	[tilespmem:s16+$0xFFFFFFF0] =	vst v0  }
0x11d: {  	[tilespmem:s21], [sflag:$0x1] =	stream.indirect.gather @!p0 [hbm4b:s3+s20], $0x80, s19, s20, $0xb8;
	[tilespmem:$0x10800] =	vst v63  }
0x11e: {  	_ =	swait.ge [sflag:s13], $0x3400  }
0x11f: {  	[sflag:s13] =	ssyncset.done $0x0  }
0x120: {  	[sflag:s13] =	ssyncadd.s32 $0xFFFFCC00  }
0x121: {  	v9 =	vld [tilespmem:s18+$0x4080];
	_ =	sdelay $0x4  }
0x122: {  	(v2sf) =	vpush v9, $0x0;
	_ =	sdelay $0x1  }
0x123: {  	(v2sf) =	vpush v9, $0x1;
	_ =	sdelay $0x1  }
0x124: {  	(v2sf) =	vpush v9, $0x2;
	_ =	sdelay $0x1  }
0x125: {  	(v2sf) =	vpush v9, $0x3;
	_ =	sdelay $0x1  }
0x126: {  	(v2sf) =	vpush v9, $0x4;
	_ =	sdelay $0x1  }
0x127: {  	(v2sf) =	vpush v9, $0x5;
	_ =	sdelay $0x1  }
0x128: {  	(v2sf) =	vpush v9, $0x6;
	_ =	sdelay $0x1  }
0x129: {  	(v2sf) =	vpush v9, $0x7  }
0x12a: {  	s28 =	spop (v2sf)  }
0x12b: {  	(v2sf) =	vpush v9, $0x8;
	v10 =	vld [tilespmem:s28+$0xB400]  }
0x12c: {  	s29 =	spop (v2sf)  }
0x12d: {  	(v2sf) =	vpush v9, $0x9;
	v11 =	vld [tilespmem:s29+$0xB480]  }
0x12e: {  	s30 =	spop (v2sf)  }
0x12f: {  	(v2sf) =	vpush v9, $0xA;
	v12 =	vld [tilespmem:s30+$0xB500]  }
0x130: {  	s31 =	spop (v2sf);
	v1 =	vadd.f32 $0.0e+00, v10  }
0x131: {  	(v2sf) =	vpush v9, $0xB;
	v13 =	vld [tilespmem:s31+$0xB580]  }
0x132: {  	s20 =	spop (v2sf);
	v1 =	vadd.f32 v11, v1  }
0x133: {  	(v2sf) =	vpush v9, $0xC;
	v14 =	vld [tilespmem:s20+$0xB600]  }
0x134: {  	s21 =	spop (v2sf);
	v1 =	vadd.f32 v12, v1  }
0x135: {  	(v2sf) =	vpush v9, $0xD;
	v15 =	vld [tilespmem:s21+$0xB680]  }
0x136: {  	v16 =	vld [tilespmem:s18+$0x4090];
	s22 =	spop (v2sf);
	v1 =	vadd.f32 v13, v1  }
0x137: {  	(v2sf) =	vpush v9, $0xE;
	v17 =	vld [tilespmem:s22+$0xB700]  }
0x138: {  	s23 =	spop (v2sf);
	v1 =	vadd.f32 v14, v1  }
0x139: {  	(v2sf) =	vpush v9, $0xF;
	v18 =	vld [tilespmem:s23+$0xB780]  }
0x13a: {  	s24 =	spop (v2sf);
	v19 =	vadd.f32 v15, v1  }
0x13b: {  	(v2sf) =	vpush v16, $0x0;
	v20 =	vld [tilespmem:s24+$0xB800]  }
0x13c: {  	s25 =	spop (v2sf);
	v0 =	vadd.f32 v17, v19  }
0x13d: {  	(v2sf) =	vpush v16, $0x1;
	v21 =	vld [tilespmem:s25+$0xB880]  }
0x13e: {  	s26 =	spop (v2sf);
	v0 =	vadd.f32 v18, v0  }
0x13f: {  	(v2sf) =	vpush v16, $0x2;
	v22 =	vld [tilespmem:s26+$0xB900]  }
0x140: {  	s28 =	spop (v2sf);
	v0 =	vadd.f32 v20, v0  }
0x141: {  	(v2sf) =	vpush v16, $0x3;
	v23 =	vld [tilespmem:s28+$0xB980]  }
0x142: {  	s29 =	spop (v2sf);
	v0 =	vadd.f32 v21, v0  }
0x143: {  	(v2sf) =	vpush v16, $0x4;
	v24 =	vld [tilespmem:s29+$0xBA00]  }
0x144: {  	s30 =	spop (v2sf);
	v0 =	vadd.f32 v22, v0  }
0x145: {  	(v2sf) =	vpush v16, $0x5;
	v25 =	vld [tilespmem:s30+$0xBA80]  }
0x146: {  	s31 =	spop (v2sf);
	v0 =	vadd.f32 v23, v0  }
0x147: {  	(v2sf) =	vpush v16, $0x6;
	v26 =	vld [tilespmem:s31+$0xBB00]  }
0x148: {  	s20 =	spop (v2sf);
	v0 =	vadd.f32 v24, v0  }
0x149: {  	(v2sf) =	vpush v16, $0x7;
	v27 =	vld [tilespmem:s20+$0xBB80]  }
0x14a: {  	s21 =	spop (v2sf);
	v0 =	vadd.f32 v25, v0  }
0x14b: {  	(v2sf) =	vpush v16, $0x8;
	v28 =	vld [tilespmem:s21+$0xBC00]  }
0x14c: {  	s22 =	spop (v2sf);
	v0 =	vadd.f32 v26, v0  }
0x14d: {  	(v2sf) =	vpush v16, $0x9;
	v29 =	vld [tilespmem:s22+$0xBC80]  }
0x14e: {  	s23 =	spop (v2sf);
	v0 =	vadd.f32 v27, v0  }
0x14f: {  	v30 =	vld [tilespmem:s23+$0xBD00]  }
0x150: {  	s24 =	spop (v2sf);
	v0 =	vadd.f32 v28, v0  }
0x151: {  	v31 =	vld [tilespmem:s24+$0xBD80]  }
0x152: {  	s25 =	spop (v2sf);
	v0 =	vadd.f32 v29, v0  }
0x153: {  	v32 =	vld [tilespmem:s25+$0xBE00]  }
0x154: {  	s26 =	spop (v2sf);
	v0 =	vadd.f32 v30, v0  }
0x155: {  	v33 =	vld [tilespmem:s26+$0xBE80]  }
0x156: {  	s28 =	spop (v2sf);
	v0 =	vadd.f32 v31, v0  }
0x157: {  	v34 =	vld [tilespmem:s28+$0xBF00]  }
0x158: {  	s29 =	spop (v2sf);
	v0 =	vadd.f32 v32, v0  }
0x159: {  	v35 =	vld [tilespmem:s29+$0xBF80]  }
0x15a: {  	s30 =	spop (v2sf);
	v0 =	vadd.f32 v33, v0  }
0x15b: {  	v36 =	vld [tilespmem:s30+$0xC000]  }
0x15c: {  	s31 =	spop (v2sf);
	v0 =	vadd.f32 v34, v0  }
0x15d: {  	v37 =	vld [tilespmem:s31+$0xC080]  }
0x15e: {  	v0 =	vadd.f32 v35, v0;
	_ =	sdelay $0x1  }
0x15f: {  	v0 =	vadd.f32 v36, v0;
	_ =	sdelay $0x1  }
0x160: {  	v0 =	vadd.f32 v37, v0;
	_ =	sdelay $0x1  }
0x161: {  	[tilespmem:s16+$0x0] =	vst v0  }
0x162: {  	v0 =	vld [tilespmem:s18+$0x4090];
	_ =	sdelay $0x4  }
0x163: {  	(v2sf) =	vpush v0, $0xA;
	_ =	sdelay $0x1  }
0x164: {  	(v2sf) =	vpush v0, $0xB;
	_ =	sdelay $0x1  }
0x165: {  	(v2sf) =	vpush v0, $0xC;
	_ =	sdelay $0x1  }
0x166: {  	(v2sf) =	vpush v0, $0xD  }
0x167: {  	v38 =	vld [tilespmem:s18+$0x40A0]  }
0x168: {  	(v2sf) =	vpush v0, $0xE;
	_ =	sdelay $0x1  }
0x169: {  	(v2sf) =	vpush v0, $0xF;
	_ =	sdelay $0x1  }
0x16a: {  	(v2sf) =	vpush v38, $0x0;
	_ =	sdelay $0x1  }
0x16b: {  	(v2sf) =	vpush v38, $0x1  }
0x16c: {  	s20 =	spop (v2sf)  }
0x16d: {  	(v2sf) =	vpush v38, $0x2;
	v39 =	vld [tilespmem:s20+$0xC100]  }
0x16e: {  	s21 =	spop (v2sf)  }
0x16f: {  	(v2sf) =	vpush v38, $0x3;
	v40 =	vld [tilespmem:s21+$0xC180]  }
0x170: {  	s22 =	spop (v2sf)  }
0x171: {  	(v2sf) =	vpush v38, $0x4;
	v41 =	vld [tilespmem:s22+$0xC200]  }
0x172: {  	s23 =	spop (v2sf);
	v0 =	vadd.f32 $0.0e+00, v39  }
0x173: {  	(v2sf) =	vpush v38, $0x5;
	v42 =	vld [tilespmem:s23+$0xC280]  }
0x174: {  	s24 =	spop (v2sf);
	v0 =	vadd.f32 v40, v0  }
0x175: {  	(v2sf) =	vpush v38, $0x6;
	v43 =	vld [tilespmem:s24+$0xC300]  }
0x176: {  	s25 =	spop (v2sf);
	v0 =	vadd.f32 v41, v0  }
0x177: {  	(v2sf) =	vpush v38, $0x7;
	v44 =	vld [tilespmem:s25+$0xC380]  }
0x178: {  	s26 =	spop (v2sf);
	v0 =	vadd.f32 v42, v0  }
0x179: {  	(v2sf) =	vpush v38, $0x8;
	v45 =	vld [tilespmem:s26+$0xC400]  }
0x17a: {  	s28 =	spop (v2sf);
	v0 =	vadd.f32 v43, v0  }
0x17b: {  	(v2sf) =	vpush v38, $0x9;
	v46 =	vld [tilespmem:s28+$0xC480]  }
0x17c: {  	s29 =	spop (v2sf);
	v0 =	vadd.f32 v44, v0  }
0x17d: {  	(v2sf) =	vpush v38, $0xA;
	v47 =	vld [tilespmem:s29+$0xC500]  }
0x17e: {  	s30 =	spop (v2sf);
	v0 =	vadd.f32 v45, v0  }
0x17f: {  	(v2sf) =	vpush v38, $0xB;
	v48 =	vld [tilespmem:s30+$0xC580]  }
0x180: {  	s31 =	spop (v2sf);
	v0 =	vadd.f32 v46, v0  }
0x181: {  	(v2sf) =	vpush v38, $0xC;
	v49 =	vld [tilespmem:s31+$0xC600]  }
0x182: {  	s20 =	spop (v2sf);
	v0 =	vadd.f32 v47, v0  }
0x183: {  	(v2sf) =	vpush v38, $0xD;
	v50 =	vld [tilespmem:s20+$0xC680]  }
0x184: {  	v51 =	vld [tilespmem:s18+$0x40B0];
	s21 =	spop (v2sf);
	v0 =	vadd.f32 v48, v0  }
0x185: {  	(v2sf) =	vpush v38, $0xE;
	v52 =	vld [tilespmem:s21+$0xC700]  }
0x186: {  	s22 =	spop (v2sf);
	v0 =	vadd.f32 v49, v0  }
0x187: {  	(v2sf) =	vpush v38, $0xF;
	v53 =	vld [tilespmem:s22+$0xC780]  }
0x188: {  	s23 =	spop (v2sf);
	v0 =	vadd.f32 v50, v0  }
0x189: {  	(v2sf) =	vpush v51, $0x0;
	v54 =	vld [tilespmem:s23+$0xC800]  }
0x18a: {  	s24 =	spop (v2sf);
	v0 =	vadd.f32 v52, v0  }
0x18b: {  	(v2sf) =	vpush v51, $0x1;
	v55 =	vld [tilespmem:s24+$0xC880]  }
0x18c: {  	s25 =	spop (v2sf);
	v0 =	vadd.f32 v53, v0  }
0x18d: {  	(v2sf) =	vpush v51, $0x2;
	v56 =	vld [tilespmem:s25+$0xC900]  }
0x18e: {  	s26 =	spop (v2sf);
	v0 =	vadd.f32 v54, v0  }
0x18f: {  	(v2sf) =	vpush v51, $0x3;
	v57 =	vld [tilespmem:s26+$0xC980]  }
0x190: {  	s28 =	spop (v2sf);
	v0 =	vadd.f32 v55, v0  }
0x191: {  	v58 =	vld [tilespmem:s28+$0xCA00]  }
0x192: {  	s29 =	spop (v2sf);
	v0 =	vadd.f32 v56, v0  }
0x193: {  	v59 =	vld [tilespmem:s29+$0xCA80]  }
0x194: {  	s30 =	spop (v2sf);
	v0 =	vadd.f32 v57, v0  }
0x195: {  	v60 =	vld [tilespmem:s30+$0xCB00]  }
0x196: {  	s31 =	spop (v2sf);
	v0 =	vadd.f32 v58, v0  }
0x197: {  	v61 =	vld [tilespmem:s31+$0xCB80]  }
0x198: {  	s20 =	spop (v2sf);
	v0 =	vadd.f32 v59, v0  }
0x199: {  	v62 =	vld [tilespmem:s20+$0xCC00]  }
0x19a: {  	s21 =	spop (v2sf);
	v0 =	vadd.f32 v60, v0  }
0x19b: {  	v63 =	vld [tilespmem:s21+$0xCC80]  }
0x19c: {  	s22 =	spop (v2sf);
	v0 =	vadd.f32 v61, v0  }
0x19d: {  	v6 =	vld [tilespmem:s22+$0xCD00]  }
0x19e: {  	s23 =	spop (v2sf);
	v0 =	vadd.f32 v62, v0  }
0x19f: {  	v7 =	vld [tilespmem:s23+$0xCD80]  }
0x1a0: {  	v0 =	vadd.f32 v63, v0;
	_ =	sdelay $0x1  }
0x1a1: {  	v0 =	vadd.f32 v6, v0;
	_ =	sdelay $0x1  }
0x1a2: {  	v0 =	vadd.f32 v7, v0;
	_ =	sdelay $0x1  }
0x1a3: {  	[tilespmem:s16+$0x10] =	vst v0  }
0x1a4: {  	v0 =	vld [tilespmem:s18+$0x40B0];
	_ =	sdelay $0x4  }
0x1a5: {  	(v2sf) =	vpush v0, $0x4;
	_ =	sdelay $0x1  }
0x1a6: {  	(v2sf) =	vpush v0, $0x5;
	_ =	sdelay $0x1  }
0x1a7: {  	(v2sf) =	vpush v0, $0x6;
	_ =	sdelay $0x1  }
0x1a8: {  	(v2sf) =	vpush v0, $0x7;
	_ =	sdelay $0x1  }
0x1a9: {  	(v2sf) =	vpush v0, $0x8;
	_ =	sdelay $0x1  }
0x1aa: {  	(v2sf) =	vpush v0, $0x9;
	_ =	sdelay $0x1  }
0x1ab: {  	(v2sf) =	vpush v0, $0xA;
	_ =	sdelay $0x1  }
0x1ac: {  	(v2sf) =	vpush v0, $0xB  }
0x1ad: {  	s24 =	spop (v2sf)  }
0x1ae: {  	(v2sf) =	vpush v0, $0xC;
	v8 =	vld [tilespmem:s24+$0xCE00]  }
0x1af: {  	s25 =	spop (v2sf)  }
0x1b0: {  	(v2sf) =	vpush v0, $0xD;
	v9 =	vld [tilespmem:s25+$0xCE80]  }
0x1b1: {  	v10 =	vld [tilespmem:s18+$0x40C0];
	s26 =	spop (v2sf)  }
0x1b2: {  	(v2sf) =	vpush v0, $0xE;
	v11 =	vld [tilespmem:s26+$0xCF00]  }
0x1b3: {  	s28 =	spop (v2sf);
	v1 =	vadd.f32 $0.0e+00, v8  }
0x1b4: {  	(v2sf) =	vpush v0, $0xF;
	v12 =	vld [tilespmem:s28+$0xCF80]  }
0x1b5: {  	s29 =	spop (v2sf);
	v13 =	vadd.f32 v9, v1  }
0x1b6: {  	(v2sf) =	vpush v10, $0x0;
	v14 =	vld [tilespmem:s29+$0xD000]  }
0x1b7: {  	s30 =	spop (v2sf);
	v0 =	vadd.f32 v11, v13  }
0x1b8: {  	(v2sf) =	vpush v10, $0x1;
	v15 =	vld [tilespmem:s30+$0xD080]  }
0x1b9: {  	s31 =	spop (v2sf);
	v0 =	vadd.f32 v12, v0  }
0x1ba: {  	(v2sf) =	vpush v10, $0x2;
	v16 =	vld [tilespmem:s31+$0xD100]  }
0x1bb: {  	s20 =	spop (v2sf);
	v0 =	vadd.f32 v14, v0  }
0x1bc: {  	(v2sf) =	vpush v10, $0x3;
	v17 =	vld [tilespmem:s20+$0xD180]  }
0x1bd: {  	s21 =	spop (v2sf);
	v0 =	vadd.f32 v15, v0  }
0x1be: {  	(v2sf) =	vpush v10, $0x4;
	v18 =	vld [tilespmem:s21+$0xD200]  }
0x1bf: {  	s22 =	spop (v2sf);
	v0 =	vadd.f32 v16, v0  }
0x1c0: {  	(v2sf) =	vpush v10, $0x5;
	v19 =	vld [tilespmem:s22+$0xD280]  }
0x1c1: {  	s23 =	spop (v2sf);
	v0 =	vadd.f32 v17, v0  }
0x1c2: {  	(v2sf) =	vpush v10, $0x6;
	v20 =	vld [tilespmem:s23+$0xD300]  }
0x1c3: {  	s24 =	spop (v2sf);
	v0 =	vadd.f32 v18, v0  }
0x1c4: {  	(v2sf) =	vpush v10, $0x7;
	v21 =	vld [tilespmem:s24+$0xD380]  }
0x1c5: {  	s25 =	spop (v2sf);
	v0 =	vadd.f32 v19, v0  }
0x1c6: {  	(v2sf) =	vpush v10, $0x8;
	v22 =	vld [tilespmem:s25+$0xD400]  }
0x1c7: {  	s26 =	spop (v2sf);
	v0 =	vadd.f32 v20, v0  }
0x1c8: {  	(v2sf) =	vpush v10, $0x9;
	v23 =	vld [tilespmem:s26+$0xD480]  }
0x1c9: {  	s28 =	spop (v2sf);
	v0 =	vadd.f32 v21, v0  }
0x1ca: {  	(v2sf) =	vpush v10, $0xA;
	v24 =	vld [tilespmem:s28+$0xD500]  }
0x1cb: {  	s29 =	spop (v2sf);
	v0 =	vadd.f32 v22, v0  }
0x1cc: {  	(v2sf) =	vpush v10, $0xB;
	v25 =	vld [tilespmem:s29+$0xD580]  }
0x1cd: {  	s30 =	spop (v2sf);
	v0 =	vadd.f32 v23, v0  }
0x1ce: {  	(v2sf) =	vpush v10, $0xC;
	v26 =	vld [tilespmem:s30+$0xD600]  }
0x1cf: {  	s31 =	spop (v2sf);
	v0 =	vadd.f32 v24, v0  }
0x1d0: {  	(v2sf) =	vpush v10, $0xD;
	v27 =	vld [tilespmem:s31+$0xD680]  }
0x1d1: {  	s20 =	spop (v2sf);
	v0 =	vadd.f32 v25, v0  }
0x1d2: {  	v28 =	vld [tilespmem:s20+$0xD700]  }
0x1d3: {  	s21 =	spop (v2sf);
	v0 =	vadd.f32 v26, v0  }
0x1d4: {  	v29 =	vld [tilespmem:s21+$0xD780]  }
0x1d5: {  	s22 =	spop (v2sf);
	v0 =	vadd.f32 v27, v0  }
0x1d6: {  	v30 =	vld [tilespmem:s22+$0xD800]  }
0x1d7: {  	s23 =	spop (v2sf);
	v0 =	vadd.f32 v28, v0  }
0x1d8: {  	v31 =	vld [tilespmem:s23+$0xD880]  }
0x1d9: {  	s24 =	spop (v2sf);
	v0 =	vadd.f32 v29, v0  }
0x1da: {  	v32 =	vld [tilespmem:s24+$0xD900]  }
0x1db: {  	s25 =	spop (v2sf);
	v0 =	vadd.f32 v30, v0  }
0x1dc: {  	v33 =	vld [tilespmem:s25+$0xD980]  }
0x1dd: {  	s26 =	spop (v2sf);
	v0 =	vadd.f32 v31, v0  }
0x1de: {  	v34 =	vld [tilespmem:s26+$0xDA00]  }
0x1df: {  	s28 =	spop (v2sf);
	v0 =	vadd.f32 v32, v0  }
0x1e0: {  	v35 =	vld [tilespmem:s28+$0xDA80]  }
0x1e1: {  	v0 =	vadd.f32 v33, v0;
	_ =	sdelay $0x1  }
0x1e2: {  	v0 =	vadd.f32 v34, v0;
	_ =	sdelay $0x1  }
0x1e3: {  	v0 =	vadd.f32 v35, v0;
	_ =	sdelay $0x1  }
0x1e4: {  	[tilespmem:s16+$0x20] =	vst v0  }
0x1e5: {  	v0 =	vld [tilespmem:s18+$0x40C0];
	_ =	sdelay $0x3  }
0x1e6: {  	v36 =	vld [tilespmem:s18+$0x40D0]  }
0x1e7: {  	(v2sf) =	vpush v0, $0xE;
	_ =	sdelay $0x1  }
0x1e8: {  	(v2sf) =	vpush v0, $0xF;
	_ =	sdelay $0x1  }
0x1e9: {  	(v2sf) =	vpush v36, $0x0;
	_ =	sdelay $0x1  }
0x1ea: {  	(v2sf) =	vpush v36, $0x1;
	_ =	sdelay $0x1  }
0x1eb: {  	(v2sf) =	vpush v36, $0x2;
	_ =	sdelay $0x1  }
0x1ec: {  	(v2sf) =	vpush v36, $0x3;
	_ =	sdelay $0x1  }
0x1ed: {  	(v2sf) =	vpush v36, $0x4;
	_ =	sdelay $0x1  }
0x1ee: {  	(v2sf) =	vpush v36, $0x5  }
0x1ef: {  	s29 =	spop (v2sf)  }
0x1f0: {  	(v2sf) =	vpush v36, $0x6;
	v37 =	vld [tilespmem:s29+$0xDB00]  }
0x1f1: {  	s30 =	spop (v2sf)  }
0x1f2: {  	(v2sf) =	vpush v36, $0x7;
	v38 =	vld [tilespmem:s30+$0xDB80]  }
0x1f3: {  	s31 =	spop (v2sf)  }
0x1f4: {  	(v2sf) =	vpush v36, $0x8;
	v39 =	vld [tilespmem:s31+$0xDC00]  }
0x1f5: {  	s20 =	spop (v2sf);
	v0 =	vadd.f32 $0.0e+00, v37  }
0x1f6: {  	(v2sf) =	vpush v36, $0x9;
	v40 =	vld [tilespmem:s20+$0xDC80]  }
0x1f7: {  	s21 =	spop (v2sf);
	v0 =	vadd.f32 v38, v0  }
0x1f8: {  	(v2sf) =	vpush v36, $0xA;
	v41 =	vld [tilespmem:s21+$0xDD00]  }
0x1f9: {  	s22 =	spop (v2sf);
	v0 =	vadd.f32 v39, v0  }
0x1fa: {  	(v2sf) =	vpush v36, $0xB;
	v42 =	vld [tilespmem:s22+$0xDD80]  }
0x1fb: {  	s23 =	spop (v2sf);
	v0 =	vadd.f32 v40, v0  }
0x1fc: {  	(v2sf) =	vpush v36, $0xC;
	v43 =	vld [tilespmem:s23+$0xDE00]  }
0x1fd: {  	s24 =	spop (v2sf);
	v0 =	vadd.f32 v41, v0  }
0x1fe: {  	(v2sf) =	vpush v36, $0xD;
	v44 =	vld [tilespmem:s24+$0xDE80]  }
0x1ff: {  	v45 =	vld [tilespmem:s18+$0x40E0];
	s25 =	spop (v2sf);
	v0 =	vadd.f32 v42, v0  }
0x200: {  	(v2sf) =	vpush v36, $0xE;
	v46 =	vld [tilespmem:s25+$0xDF00]  }
0x201: {  	s26 =	spop (v2sf);
	v0 =	vadd.f32 v43, v0  }
0x202: {  	(v2sf) =	vpush v36, $0xF;
	v47 =	vld [tilespmem:s26+$0xDF80]  }
0x203: {  	s28 =	spop (v2sf);
	v0 =	vadd.f32 v44, v0  }
0x204: {  	(v2sf) =	vpush v45, $0x0;
	v48 =	vld [tilespmem:s28+$0xE000]  }
0x205: {  	s29 =	spop (v2sf);
	v0 =	vadd.f32 v46, v0  }
0x206: {  	(v2sf) =	vpush v45, $0x1;
	v49 =	vld [tilespmem:s29+$0xE080]  }
0x207: {  	s30 =	spop (v2sf);
	v0 =	vadd.f32 v47, v0  }
0x208: {  	(v2sf) =	vpush v45, $0x2;
	v50 =	vld [tilespmem:s30+$0xE100]  }
0x209: {  	s31 =	spop (v2sf);
	v0 =	vadd.f32 v48, v0  }
0x20a: {  	(v2sf) =	vpush v45, $0x3;
	v51 =	vld [tilespmem:s31+$0xE180]  }
0x20b: {  	s19 =	spop (v2sf);
	v0 =	vadd.f32 v49, v0  }
0x20c: {  	(v2sf) =	vpush v45, $0x4;
	v52 =	vld [tilespmem:s19+$0xE200]  }
0x20d: {  	s20 =	spop (v2sf);
	v0 =	vadd.f32 v50, v0  }
0x20e: {  	(v2sf) =	vpush v45, $0x5;
	v53 =	vld [tilespmem:s20+$0xE280]  }
0x20f: {  	s21 =	spop (v2sf);
	v0 =	vadd.f32 v51, v0  }
0x210: {  	(v2sf) =	vpush v45, $0x6;
	v54 =	vld [tilespmem:s21+$0xE300]  }
0x211: {  	s22 =	spop (v2sf);
	v0 =	vadd.f32 v52, v0  }
0x212: {  	(v2sf) =	vpush v45, $0x7;
	v55 =	vld [tilespmem:s22+$0xE380]  }
0x213: {  	s23 =	spop (v2sf);
	v0 =	vadd.f32 v53, v0  }
0x214: {  	v56 =	vld [tilespmem:s23+$0xE400]  }
0x215: {  	s24 =	spop (v2sf);
	v0 =	vadd.f32 v54, v0  }
0x216: {  	v57 =	vld [tilespmem:s24+$0xE480]  }
0x217: {  	s25 =	spop (v2sf);
	v0 =	vadd.f32 v55, v0  }
0x218: {  	v58 =	vld [tilespmem:s25+$0xE500]  }
0x219: {  	s26 =	spop (v2sf);
	v0 =	vadd.f32 v56, v0  }
0x21a: {  	v59 =	vld [tilespmem:s26+$0xE580]  }
0x21b: {  	s28 =	spop (v2sf);
	v0 =	vadd.f32 v57, v0  }
0x21c: {  	v60 =	vld [tilespmem:s28+$0xE600]  }
0x21d: {  	s29 =	spop (v2sf);
	v0 =	vadd.f32 v58, v0  }
0x21e: {  	v61 =	vld [tilespmem:s29+$0xE680]  }
0x21f: {  	s30 =	spop (v2sf);
	v0 =	vadd.f32 v59, v0  }
0x220: {  	v62 =	vld [tilespmem:s30+$0xE700]  }
0x221: {  	s31 =	spop (v2sf);
	v0 =	vadd.f32 v60, v0  }
0x222: {  	v63 =	vld [tilespmem:s31+$0xE780]  }
0x223: {  	s17 =	sadd.s32 $0x400, s17;
	v0 =	vadd.f32 v61, v0  }
0x224: {  	p0 =	sne.s32 s17, $0x10000  }
.Ltmp0:
0x225: {  	v0 =	vadd.f32 v62, v0;
	(pc) =	sbr.rel @p0 .LBB2_2-.Ltmp0, $3  }
0x226: {  	_ = 	snop  }
0x227: {  	v0 =	vadd.f32 v63, v0;
	_ =	sdelay $0x1  }
0x228: {  	[tilespmem:s16+$0x30] =	vst v0;
	s16 =	sadd.s32 $0x80, s16  }
0x229: {  	s15 =	sadd.s32 $0x1, s15  }
0x22a: {  	p0 =	sne.s32 s15, s7  }
.Ltmp1:
0x22b: {  	_ = 	snop;
	(pc) =	sbr.rel @p0 .LBB2_1-.Ltmp1, $4  }
0x22c: {  	[hbm4b:s6+s2] =	stream.linear.scatter [tilespmem:s14], [sflag:$0x3], $0x2000, $0x38;
	[tilespmem:$0x10800] =	vst v63  }
0x22d: {  	_ =	swait.ge [sflag:s8], $0x2000  }
0x22e: {  	[sflag:s8] =	ssyncset.done $0x0  }
0x22f: {  	[sflag:s8] =	ssyncadd.s32 $0xFFFFE000  }
0x230: {  	_ =	sfence.sel $0x180000  }
0x231: {  	[bflag:$0x0] =	sbarrier.arrive $0xFFFF  }
0x232: {  	p0 =	sne.s32 s1, $0x0;
	_ =	strace $0x90000047  }
0x233: {  	s0 =	sadd.s32 @!p0 $0x100000, s0;
	[bflag:$0x2] =	sbarrier.arrive $0xFFFF  }
0x234: {  	[sflag:s0] =	ssyncadd.tile.s32 @!p0 $0x1;
	_ =	shalt  }
.Lfunc_end2:
_tile_overlayer_lowered:
.L_overlay_start_2:
0x235: {  	(tag) =	ssettag $0x2  }
0x236: {  	s0 =	rddreg [dreg:$0x0];
	s2 =	stileid.u32  }
0x237: {  	s1 =	rddreg [dreg:$0x1];
	p0 =	sne.s32 s2, $0x0  }
0x238: {  	s3 =	rddreg [dreg:$0x2];
	[bflag:$0x3] =	sbarrier.arrive $0xFFFF;
	s2 =	simm.s32 @!p0 $0x1C03  }
0x239: {  	[timem:s3], [sflag:s2] =	dma.local @!p0 [hbm:s0], s1  }
0x23a: {  	s0 =	simm.s32 @!p0 $0x3  }
0x23b: {  	_ =	swait.ge @!p0 [sflag:s0], s1  }
0x23c: {  	s1 =	ssub.s32 @!p0 $0x0, s1;
	[sflag:s0] =	ssyncset.done @!p0 $0x0  }
0x23d: {  	[sflag:s0] =	ssyncadd.s32 @!p0 s1  }
0x23e: {  	[bflag:$0x3] =	sbarrier.arrive $0xFFFF  }
0x23f: {  	_ =	shalt  }

</sc_bundles>
